<compile_context>
chip_gen: v7x
topology: tpu7x:2x2x1
jax: 0.10.2.dev20260603
libtpu: 0.0.44.dev20260713+nightly
codegen_flags: <defaults>
</compile_context>

<pallas_src>
import functools
import jax
import jax.numpy as jnp
from jax import lax
from jax.experimental import pallas as pl
from jax.experimental.pallas import tpu as pltpu
from jax.experimental.pallas import tpu_sc as plsc

S_SPLIT = 812
K_TOP = 3
NEG_BIG = -1e30
_NC = 2
_NS = 16
_EC = 80


def _sc_scatter_feats(x, rowi, coli, w2, zeros_nd):
    N, D = x.shape
    E = rowi.shape[0]
    per_tile = E // _NS
    n_chunks = per_tile // _EC
    RB = 80
    n_rb = N // RB
    rb_rounds = -(-n_rb // _NS)
    mesh = plsc.VectorSubcoreMesh(core_axis_name="c", subcore_axis_name="s")

    @functools.partial(
        pl.kernel, mesh=mesh,
        out_type=jax.ShapeDtypeStruct((_NC, N, D), jnp.float32),
        scratch_types=[
            pltpu.VMEM((_EC,), jnp.int32),
            pltpu.VMEM((per_tile,), jnp.int32),
            pltpu.VMEM((per_tile + 16,), jnp.float32),
            pltpu.VMEM((_EC, D), jnp.float32),
            pltpu.VMEM_SHARED((N, D), jnp.float32),
            pltpu.SemaphoreType.DMA,
        ],
    )
    def k(x_hbm, row_hbm, col_hbm, w_hbm, z_hbm, out_hbm,
          ridx, cidx, wbuf, rows, acc, sem):
        cid = lax.axis_index("c")
        sid = lax.axis_index("s")
        e0 = sid * per_tile
        pltpu.sync_copy(col_hbm.at[pl.ds(e0, per_tile)], cidx)
        pltpu.sync_copy(w_hbm.at[pl.ds(cid * E + e0, per_tile)],
                        wbuf.at[pl.ds(0, per_tile)])
        for j in range(rb_rounds):
            bid = sid + j * _NS

            @pl.when(bid < n_rb)
            def _():
                pltpu.sync_copy(z_hbm.at[pl.ds(bid * RB, RB)],
                                acc.at[pl.ds(bid * RB, RB)])
        plsc.subcore_barrier()

        def chunk_body(i, carry):
            loc = i * _EC
            pltpu.sync_copy(row_hbm.at[pl.ds(e0 + loc, _EC)], ridx)
            pltpu.async_copy(x_hbm.at[cidx.at[pl.ds(loc, _EC)]],
                             rows, sem).wait()

            def edge_body(e, c2):
                wv = jnp.full((16,), wbuf[pl.ds(loc + e, 16)][0])
                for v in range(D // 16):
                    sl = pl.ds(v * 16, 16)
                    rows[e, sl] = rows[e, sl] * wv
                return c2

            lax.fori_loop(0, _EC, edge_body, 0)
            pltpu.sync_copy(rows, acc.at[ridx], add=True)
            return carry

        lax.fori_loop(0, n_chunks, chunk_body, 0)
        plsc.subcore_barrier()
        for j in range(rb_rounds):
            bid = sid + j * _NS

            @pl.when(bid < n_rb)
            def _():
                pltpu.sync_copy(acc.at[pl.ds(bid * RB, RB)],
                                out_hbm.at[cid, pl.ds(bid * RB, RB)])

    return k(x, rowi, coli, w2, zeros_nd)


def _transform_body(xh_ref, xt_ref, wh_ref, bh_ref, wt_ref, bt_ref,
                    oh_ref, ot_ref):
    xh = xh_ref[...]
    xt = xt_ref[...]
    oh_ref[...] = jnp.dot(xh, wh_ref[...],
                          preferred_element_type=jnp.float32) + bh_ref[...]
    ot_ref[...] = jnp.dot(xt, wt_ref[...],
                          preferred_element_type=jnp.float32) + bt_ref[...]


def _transforms(x_homo, x_hete, W_homo, b_homo, W_hete, b_hete):
    N, D = x_homo.shape
    O = W_homo.shape[0]
    BLK = 1000
    grid = (N // BLK,)
    whT = W_homo.T.reshape(D, O)
    wtT = W_hete.T.reshape(D, O)
    bh = b_homo.reshape(1, O)
    bt = b_hete.reshape(1, O)
    out = pl.pallas_call(
        _transform_body,
        grid=grid,
        in_specs=[
            pl.BlockSpec((BLK, D), lambda i: (i, 0)),
            pl.BlockSpec((BLK, D), lambda i: (i, 0)),
            pl.BlockSpec((D, O), lambda i: (0, 0)),
            pl.BlockSpec((1, O), lambda i: (0, 0)),
            pl.BlockSpec((D, O), lambda i: (0, 0)),
            pl.BlockSpec((1, O), lambda i: (0, 0)),
        ],
        out_specs=[
            pl.BlockSpec((BLK, O), lambda i: (i, 0)),
            pl.BlockSpec((BLK, O), lambda i: (i, 0)),
        ],
        out_shape=[
            jax.ShapeDtypeStruct((N, O), jnp.float32),
            jax.ShapeDtypeStruct((N, O), jnp.float32),
        ],
    )(x_homo, x_hete, whT, bh, wtT, bt)
    return out


def _topk_bilinear_body(ncols, d_ref, h_ref, f_ref, bmat_ref, bbil_ref,
                        xh_ref, xt_ref, gate_ref, out_ref):
    D = d_ref[...]
    R, C = D.shape
    col = lax.broadcasted_iota(jnp.int32, (R, C), 1)
    D = jnp.where(col < ncols, D, NEG_BIG)
    W = jnp.zeros((R, C), jnp.float32)
    cnt = jnp.zeros((R, 1), jnp.float32)
    for _ in range(K_TOP):
        m = jnp.max(D, axis=1, keepdims=True)
        is_max = D == m
        idx = jnp.min(jnp.where(is_max, col, jnp.int32(2**30)),
                      axis=1, keepdims=True)
        sel = col == idx
        valid = m > 0.0
        W = W + jnp.where(sel & valid, 1.0, 0.0)
        cnt = cnt + jnp.where(valid, 1.0, 0.0)
        D = jnp.where(sel, NEG_BIG, D)
    g = jnp.dot(W, h_ref[...], preferred_element_type=jnp.float32)
    g = g / jnp.maximum(cnt, 1.0)
    f = f_ref[...]
    O = f.shape[1]
    P = (f[:, :, None] * g[:, None, :]).reshape(R, O * O)
    mean = jnp.dot(P, bmat_ref[...],
                   preferred_element_type=jnp.float32) + bbil_ref[...]
    mean = jnp.where(cnt > 0.0, mean, 0.0)
    gate = jax.nn.sigmoid(gate_ref[...])
    leak = jnp.where(mean >= 0.0, mean, 0.01 * mean)
    fused = gate * leak + (1.0 - gate) * xt_ref[...]
    out_ref[...] = xh_ref[...] + fused


def _topk_bilinear(Dpad, H, f, xh, xt, Bmat, b_bil, gate_weight, blk):
    Rp, Cp = Dpad.shape
    ncols = H.shape[0]
    O = H.shape[1]
    grid = (Rp // blk,)
    body = functools.partial(_topk_bilinear_body, ncols)
    return pl.pallas_call(
        body,
        grid=grid,
        in_specs=[
            pl.BlockSpec((blk, Cp), lambda i: (i, 0)),
            pl.BlockSpec((Cp, O), lambda i: (0, 0)),
            pl.BlockSpec((blk, O), lambda i: (i, 0)),
            pl.BlockSpec((O * O, O), lambda i: (0, 0)),
            pl.BlockSpec((1, O), lambda i: (0, 0)),
            pl.BlockSpec((blk, O), lambda i: (i, 0)),
            pl.BlockSpec((blk, O), lambda i: (i, 0)),
            pl.BlockSpec((1, O), lambda i: (0, 0)),
        ],
        out_specs=pl.BlockSpec((blk, O), lambda i: (i, 0)),
        out_shape=jax.ShapeDtypeStruct((Rp, O), jnp.float32),
    )(Dpad, H, f, Bmat, b_bil.reshape(1, O), xh, xt,
      gate_weight.reshape(1, O))


def kernel(x, edge_index, W_homo, b_homo, W_hete, b_hete, B_bil, b_bil,
           gate_weight):
    N, D = x.shape
    O = W_homo.shape[0]
    S = S_SPLIT
    ND = N - S
    Sp = 896
    NDp = 9216
    row, col = edge_index[0], edge_index[1]

    deg = jnp.zeros((N,), x.dtype).at[col].add(1.0)
    dis = deg ** -0.5
    norm = dis[row] * dis[col]
    homo = ((row < S) & (col < S)) | ((row >= S) & (col >= S))
    w_homo_e = jnp.where(homo, norm, 0.0)
    w_hete_e = jnp.where(homo, 0.0, norm)
    w2 = jnp.concatenate([w_homo_e, w_hete_e])
    acc2 = _sc_scatter_feats(x, row, col, w2, jnp.zeros_like(x))
    x_homo = acc2[0]
    x_hete = acc2[1]

    m_mask = (row < S) & (col >= S)
    rm = jnp.where(m_mask, row, Sp - 1)
    cm = jnp.where(m_mask, col - S, NDp - 1)
    wm = jnp.where(m_mask, norm, 0.0)
    Dm = jnp.zeros((Sp, NDp), x.dtype).at[rm, cm].max(wm)

    d_mask = (row >= S) & (col < S)
    rd = jnp.where(d_mask, row - S, NDp - 1)
    cd = jnp.where(d_mask, col, Sp - 1)
    wd = jnp.where(d_mask, norm, 0.0)
    Dd = jnp.zeros((NDp, Sp), x.dtype).at[rd, cd].max(wd)

    x_homo_t, x_hete_t = _transforms(x_homo, x_hete, W_homo, b_homo,
                                     W_hete, b_hete)

    Bmat = B_bil.reshape(O, O * O).T.reshape(O * O, O)
    pad_m = jnp.zeros((Sp - S, O), jnp.float32)
    pad_d = jnp.zeros((NDp - ND, O), jnp.float32)
    H_dis = jnp.concatenate([x_hete_t[S:], pad_d], axis=0)
    H_mir = jnp.concatenate([x_hete_t[:S], pad_m], axis=0)
    f_m = H_mir
    xh_m = jnp.concatenate([x_homo_t[:S], pad_m], axis=0)
    out_m = _topk_bilinear(Dm, H_dis, f_m, xh_m, H_mir, Bmat, b_bil,
                           gate_weight, blk=64)
    f_d = H_dis
    xh_d = jnp.concatenate([x_homo_t[S:], pad_d], axis=0)
    out_d = _topk_bilinear(Dd, H_mir, f_d, xh_d, H_dis, Bmat, b_bil,
                           gate_weight, blk=128)
    return jnp.concatenate([out_m[:S], out_d[:ND]], axis=0)

# --- scband reference (transcript-rebuilt; emitter-appended) ---
"""Pipeline reference for scband-gated-graph-conv-44667659878538 (READ-ONLY COPY).

The authoritative reference and input builder live on the scoring server;
editing this copy changes nothing except your own understanding.
"""

import jax, jax.numpy as jnp
import numpy as np

S_SPLIT = 812
K_TOP = 3
CHUNK = 512

def _bilinear_chunk(f, nbf, B, b):
    t = jnp.einsum('sa,jab->sjb', f, B)
    return jnp.einsum('sjb,skb->skj', t, nbf) + b

def _bilinear_topk(feat, nb_feat, B, b):
    outs = []
    n = feat.shape[0]
    for i in range(0, n, CHUNK):
        outs.append(_bilinear_chunk(feat[i:i + CHUNK], nb_feat[i:i + CHUNK], B, b))
    return jnp.concatenate(outs, axis=0)

def _forward(x, edge_index, W_homo, b_homo, W_hete, b_hete, B_bil, b_bil, gate_weight):
    N = x.shape[0]
    S = S_SPLIT
    ND = N - S
    row, col = edge_index[0], edge_index[1]
    deg = jnp.zeros((N,), x.dtype).at[col].add(1.0)
    dis = deg ** -0.5
    norm = dis[row] * dis[col]
    homo = ((row < S) & (col < S)) | ((row >= S) & (col >= S))
    w_homo_e = jnp.where(homo, norm, 0.0)
    x_homo = jnp.zeros_like(x).at[row].add(w_homo_e[:, None] * x[col])
    x_homo_t = x_homo @ W_homo.T + b_homo
    hete = ~homo
    w_hete_e = jnp.where(hete, norm, 0.0)
    x_hete = jnp.zeros_like(x).at[row].add(w_hete_e[:, None] * x[col])
    x_hete_t = x_hete @ W_hete.T + b_hete
    # miRNA (row<S) -> disease (col>=S) edges: per-miRNA top-k disease neighbors by norm
    m_mask = (row < S) & (col >= S)
    rm = jnp.where(m_mask, row, 0)
    cm = jnp.where(m_mask, col - S, 0)
    wm = jnp.where(m_mask, norm, 0.0)
    Dm = jnp.zeros((S, ND), x.dtype).at[rm, cm].max(wm)
    vals_m, idx_m = jax.lax.top_k(Dm, K_TOP)
    valid_m = vals_m > 0
    bil_m = _bilinear_topk(x_hete_t[:S], x_hete_t[idx_m + S], B_bil, b_bil)
    cnt_m = valid_m.sum(axis=1).astype(x.dtype)
    mean_m = (bil_m * valid_m[..., None]).sum(axis=1) / jnp.maximum(cnt_m, 1.0)[:, None]
    mean_m = jnp.where((cnt_m > 0)[:, None], mean_m, 0.0)
    # disease (row>=S) -> miRNA (col<S) edges: per-disease top-k miRNA neighbors by norm
    d_mask = (row >= S) & (col < S)
    rd = jnp.where(d_mask, row - S, 0)
    cd = jnp.where(d_mask, col, 0)
    wd = jnp.where(d_mask, norm, 0.0)
    Dd = jnp.zeros((ND, S), x.dtype).at[rd, cd].max(wd)
    vals_d, idx_d = jax.lax.top_k(Dd, K_TOP)
    valid_d = vals_d > 0
    bil_d = _bilinear_topk(x_hete_t[S:], x_hete_t[idx_d], B_bil, b_bil)
    cnt_d = valid_d.sum(axis=1).astype(x.dtype)
    mean_d = (bil_d * valid_d[..., None]).sum(axis=1) / jnp.maximum(cnt_d, 1.0)[:, None]
    mean_d = jnp.where((cnt_d > 0)[:, None], mean_d, 0.0)
    bilinear_feats = jnp.concatenate([mean_m, mean_d], axis=0)
    gate = jax.nn.sigmoid(gate_weight)
    fused = gate * jax.nn.leaky_relu(bilinear_feats, 0.01) + (1.0 - gate) * x_hete_t
    return x_homo_t + fused

def setup_inputs(seed: int = 0):
    key = jax.random.key(seed)
    ks = jax.random.split(key, 8)
    N, D, O, E = 10000, 128, 64, 320000
    x = jax.random.normal(ks[0], (N, D), dtype=jnp.float32)
    edge_index = jax.random.randint(ks[1], (2, E), 0, N, dtype=jnp.int32)
    W_homo = jax.random.normal(ks[2], (O, D), dtype=jnp.float32) / np.sqrt(D)
    b_homo = jnp.zeros((O,), jnp.float32)
    W_hete = jax.random.normal(ks[3], (O, D), dtype=jnp.float32) / np.sqrt(D)
    b_hete = jnp.zeros((O,), jnp.float32)
    B_bil = jax.random.normal(ks[4], (O, O, O), dtype=jnp.float32) / O
    b_bil = jnp.zeros((O,), jnp.float32)
    gate_weight = jnp.full((O,), 0.5, dtype=jnp.float32)
    return {'x': x, 'edge_index': edge_index, 'W_homo': W_homo, 'b_homo': b_homo, 'W_hete': W_hete, 'b_hete': b_hete, 'B_bil': B_bil, 'b_bil': b_bil, 'gate_weight': gate_weight}

def reference(x, edge_index, W_homo, b_homo, W_hete, b_hete, B_bil, b_bil, gate_weight):
    return _forward(x, edge_index, W_homo, b_homo, W_hete, b_hete, B_bil, b_bil, gate_weight)

if __name__ == "__main__":
    import jax
    _d = setup_inputs()
    print(jax.jit(kernel)(*tuple(_d.values())))

</pallas_src>

<mosaic_0001>
#map = affine_map<(d0, d1) -> (0, 0)>
#map1 = affine_map<(d0, d1) -> (0)>
#map2 = affine_map<(d0, d1) -> (0, 0, 0)>
module attributes {stable_mosaic.version = 14 : i64} {
  func.func @k(%arg0: i32, %arg1: i32, %arg2: memref<10000x128xf32, #tpu.memory_space<hbm>>, %arg3: memref<320000xi32, #tpu.memory_space<hbm>>, %arg4: memref<320000xi32, #tpu.memory_space<hbm>>, %arg5: memref<640000xf32, #tpu.memory_space<hbm>>, %arg6: memref<10000x128xf32, #tpu.memory_space<hbm>>, %arg7: memref<2x10000x128xf32, #tpu.memory_space<hbm>>, %arg8: memref<80xi32, #tpu.memory_space<vmem>>, %arg9: memref<20000xi32, #tpu.memory_space<vmem>>, %arg10: memref<20016xf32, #tpu.memory_space<vmem>>, %arg11: memref<80x128xf32, #tpu.memory_space<vmem>>, %arg12: memref<10000x128xf32, #tpu.memory_space<vmem_shared>>, %arg13: memref<!tpu.dma_semaphore, #tpu.memory_space<semaphore_mem>>) attributes {dimension_semantics = [#tpu.dimension_semantics<core_parallel>, #tpu.dimension_semantics<subcore_parallel>], iteration_bounds = array<i64: 2, 16>, scalar_prefetch = 0 : i64, scratch_operands = 6 : i64, tpu.core_type = #tpu.core_type<sc_vector_subcore>, window_params = [{transform_indices = #map}, {transform_indices = #map1}, {transform_indices = #map1}, {transform_indices = #map1}, {transform_indices = #map}, {transform_indices = #map2}]} {
    %mul3A = arith.constant 20000 : i32
    %mul3A_0 = arith.muli %arg1, %mul3A : i32
    "tpu.region"() ({
      %run_scoped3A = tpu.sem_alloc : memref<!tpu.dma_semaphore, #tpu.memory_space<semaphore_mem>>
      %dma_start3A = tpu.memref_slice %arg4[%mul3A_0] : memref<320000xi32, #tpu.memory_space<hbm>> -> memref<20000xi32, #tpu.memory_space<hbm>>
      %dma_start3A_118 = tpu.memref_slice %arg4[%mul3A_0] : memref<320000xi32, #tpu.memory_space<hbm>> -> memref<20000xi32, #tpu.memory_space<hbm>>
      tpu.enqueue_dma source(%dma_start3A_118 : memref<20000xi32, #tpu.memory_space<hbm>>) target(%arg9 : memref<20000xi32, #tpu.memory_space<vmem>>) target_semaphore(%run_scoped3A : memref<!tpu.dma_semaphore, #tpu.memory_space<semaphore_mem>>)
      %dma_wait3A = tpu.memref_slice %arg4[%mul3A_0] : memref<320000xi32, #tpu.memory_space<hbm>> -> memref<20000xi32, #tpu.memory_space<hbm>>
      %dma_wait3A_119 = tpu.memref_slice %arg4[%mul3A_0] : memref<320000xi32, #tpu.memory_space<hbm>> -> memref<20000xi32, #tpu.memory_space<hbm>>
      tpu.wait_dma2 semaphore(%run_scoped3A : memref<!tpu.dma_semaphore, #tpu.memory_space<semaphore_mem>>) src(%dma_wait3A_119 : memref<20000xi32, #tpu.memory_space<hbm>>) dst(%arg9 : memref<20000xi32, #tpu.memory_space<vmem>>)
      tpu.yield
    }) : () -> ()
    %mul3A_1 = arith.constant 320000 : i32
    %mul3A_2 = arith.muli %arg0, %mul3A_1 : i32
    %add3A = arith.addi %mul3A_2, %mul3A_0 : i32
    "tpu.region"() ({
      %run_scoped3A = tpu.sem_alloc : memref<!tpu.dma_semaphore, #tpu.memory_space<semaphore_mem>>
      %dma_start3A = arith.constant 0 : i32
      %dma_start3A_118 = tpu.memref_slice %arg10[%dma_start3A] : memref<20016xf32, #tpu.memory_space<vmem>> -> memref<20000xf32, #tpu.memory_space<vmem>>
      %dma_start3A_119 = tpu.memref_slice %arg5[%add3A] : memref<640000xf32, #tpu.memory_space<hbm>> -> memref<20000xf32, #tpu.memory_space<hbm>>
      %dma_start3A_120 = arith.constant 0 : i32
      %dma_start3A_121 = tpu.memref_slice %arg10[%dma_start3A_120] : memref<20016xf32, #tpu.memory_space<vmem>> -> memref<20000xf32, #tpu.memory_space<vmem>>
      %dma_start3A_122 = tpu.memref_slice %arg5[%add3A] : memref<640000xf32, #tpu.memory_space<hbm>> -> memref<20000xf32, #tpu.memory_space<hbm>>
      tpu.enqueue_dma source(%dma_start3A_122 : memref<20000xf32, #tpu.memory_space<hbm>>) target(%dma_start3A_121 : memref<20000xf32, #tpu.memory_space<vmem>>) target_semaphore(%run_scoped3A : memref<!tpu.dma_semaphore, #tpu.memory_space<semaphore_mem>>)
      %dma_wait3A = arith.constant 0 : i32
      %dma_wait3A_123 = tpu.memref_slice %arg10[%dma_wait3A] : memref<20016xf32, #tpu.memory_space<vmem>> -> memref<20000xf32, #tpu.memory_space<vmem>>
      %dma_wait3A_124 = tpu.memref_slice %arg5[%add3A] : memref<640000xf32, #tpu.memory_space<hbm>> -> memref<20000xf32, #tpu.memory_space<hbm>>
      %dma_wait3A_125 = arith.constant 0 : i32
      %dma_wait3A_126 = tpu.memref_slice %arg10[%dma_wait3A_125] : memref<20016xf32, #tpu.memory_space<vmem>> -> memref<20000xf32, #tpu.memory_space<vmem>>
      %dma_wait3A_127 = tpu.memref_slice %arg5[%add3A] : memref<640000xf32, #tpu.memory_space<hbm>> -> memref<20000xf32, #tpu.memory_space<hbm>>
      tpu.wait_dma2 semaphore(%run_scoped3A : memref<!tpu.dma_semaphore, #tpu.memory_space<semaphore_mem>>) src(%dma_wait3A_127 : memref<20000xf32, #tpu.memory_space<hbm>>) dst(%dma_wait3A_126 : memref<20000xf32, #tpu.memory_space<vmem>>)
      tpu.yield
    }) : () -> ()
    %add3A_3 = arith.constant 0 : i32
    %add3A_4 = arith.addi %arg1, %add3A_3 : i32
    %lt3A = arith.constant 125 : i32
    %lt3A_5 = arith.cmpi slt, %add3A_4, %lt3A : i32
    %convert_element_type3A = arith.extui %lt3A_5 : i1 to i32
    %cond3A = arith.constant 0 : i32
    %cond3A_6 = arith.cmpi ne, %convert_element_type3A, %cond3A : i32
    scf.if %cond3A_6 {
      %mul3A_118 = arith.constant 80 : i32
      %mul3A_119 = arith.muli %add3A_4, %mul3A_118 : i32
      %mul3A_120 = arith.constant 80 : i32
      %mul3A_121 = arith.muli %add3A_4, %mul3A_120 : i32
      "tpu.region"() ({
        %run_scoped3A = tpu.sem_alloc : memref<!tpu.dma_semaphore, #tpu.memory_space<semaphore_mem>>
        %dma_start3A = arith.constant 0 : i32
        %dma_start3A_122 = tpu.memref_slice %arg12[%mul3A_121, %dma_start3A] : memref<10000x128xf32, #tpu.memory_space<vmem_shared>> -> memref<80x128xf32, #tpu.memory_space<vmem_shared>>
        %dma_start3A_123 = arith.constant 0 : i32
        %dma_start3A_124 = tpu.memref_slice %arg6[%mul3A_119, %dma_start3A_123] : memref<10000x128xf32, #tpu.memory_space<hbm>> -> memref<80x128xf32, #tpu.memory_space<hbm>>
        tpu.enqueue_dma source(%dma_start3A_124 : memref<80x128xf32, #tpu.memory_space<hbm>>) target(%dma_start3A_122 : memref<80x128xf32, #tpu.memory_space<vmem_shared>>) target_semaphore(%run_scoped3A : memref<!tpu.dma_semaphore, #tpu.memory_space<semaphore_mem>>)
        %dma_wait3A = arith.constant 0 : i32
        %dma_wait3A_125 = tpu.memref_slice %arg12[%mul3A_121, %dma_wait3A] : memref<10000x128xf32, #tpu.memory_space<vmem_shared>> -> memref<80x128xf32, #tpu.memory_space<vmem_shared>>
        %dma_wait3A_126 = arith.constant 0 : i32
        %dma_wait3A_127 = tpu.memref_slice %arg6[%mul3A_119, %dma_wait3A_126] : memref<10000x128xf32, #tpu.memory_space<hbm>> -> memref<80x128xf32, #tpu.memory_space<hbm>>
        tpu.wait_dma2 semaphore(%run_scoped3A : memref<!tpu.dma_semaphore, #tpu.memory_space<semaphore_mem>>) src(%dma_wait3A_127 : memref<80x128xf32, #tpu.memory_space<hbm>>) dst(%dma_wait3A_125 : memref<80x128xf32, #tpu.memory_space<vmem_shared>>)
        tpu.yield
      }) : () -> ()
    } else {
    }
    %add3A_7 = arith.constant 16 : i32
    %add3A_8 = arith.addi %arg1, %add3A_7 : i32
    %lt3A_9 = arith.constant 125 : i32
    %lt3A_10 = arith.cmpi slt, %add3A_8, %lt3A_9 : i32
    %convert_element_type3A_11 = arith.extui %lt3A_10 : i1 to i32
    %cond3A_12 = arith.constant 0 : i32
    %cond3A_13 = arith.cmpi ne, %convert_element_type3A_11, %cond3A_12 : i32
    scf.if %cond3A_13 {
      %mul3A_118 = arith.constant 80 : i32
      %mul3A_119 = arith.muli %add3A_8, %mul3A_118 : i32
      %mul3A_120 = arith.constant 80 : i32
      %mul3A_121 = arith.muli %add3A_8, %mul3A_120 : i32
      "tpu.region"() ({
        %run_scoped3A = tpu.sem_alloc : memref<!tpu.dma_semaphore, #tpu.memory_space<semaphore_mem>>
        %dma_start3A = arith.constant 0 : i32
        %dma_start3A_122 = tpu.memref_slice %arg12[%mul3A_121, %dma_start3A] : memref<10000x128xf32, #tpu.memory_space<vmem_shared>> -> memref<80x128xf32, #tpu.memory_space<vmem_shared>>
        %dma_start3A_123 = arith.constant 0 : i32
        %dma_start3A_124 = tpu.memref_slice %arg6[%mul3A_119, %dma_start3A_123] : memref<10000x128xf32, #tpu.memory_space<hbm>> -> memref<80x128xf32, #tpu.memory_space<hbm>>
        tpu.enqueue_dma source(%dma_start3A_124 : memref<80x128xf32, #tpu.memory_space<hbm>>) target(%dma_start3A_122 : memref<80x128xf32, #tpu.memory_space<vmem_shared>>) target_semaphore(%run_scoped3A : memref<!tpu.dma_semaphore, #tpu.memory_space<semaphore_mem>>)
        %dma_wait3A = arith.constant 0 : i32
        %dma_wait3A_125 = tpu.memref_slice %arg12[%mul3A_121, %dma_wait3A] : memref<10000x128xf32, #tpu.memory_space<vmem_shared>> -> memref<80x128xf32, #tpu.memory_space<vmem_shared>>
        %dma_wait3A_126 = arith.constant 0 : i32
        %dma_wait3A_127 = tpu.memref_slice %arg6[%mul3A_119, %dma_wait3A_126] : memref<10000x128xf32, #tpu.memory_space<hbm>> -> memref<80x128xf32, #tpu.memory_space<hbm>>
        tpu.wait_dma2 semaphore(%run_scoped3A : memref<!tpu.dma_semaphore, #tpu.memory_space<semaphore_mem>>) src(%dma_wait3A_127 : memref<80x128xf32, #tpu.memory_space<hbm>>) dst(%dma_wait3A_125 : memref<80x128xf32, #tpu.memory_space<vmem_shared>>)
        tpu.yield
      }) : () -> ()
    } else {
    }
    %add3A_14 = arith.constant 32 : i32
    %add3A_15 = arith.addi %arg1, %add3A_14 : i32
    %lt3A_16 = arith.constant 125 : i32
    %lt3A_17 = arith.cmpi slt, %add3A_15, %lt3A_16 : i32
    %convert_element_type3A_18 = arith.extui %lt3A_17 : i1 to i32
    %cond3A_19 = arith.constant 0 : i32
    %cond3A_20 = arith.cmpi ne, %convert_element_type3A_18, %cond3A_19 : i32
    scf.if %cond3A_20 {
      %mul3A_118 = arith.constant 80 : i32
      %mul3A_119 = arith.muli %add3A_15, %mul3A_118 : i32
      %mul3A_120 = arith.constant 80 : i32
      %mul3A_121 = arith.muli %add3A_15, %mul3A_120 : i32
      "tpu.region"() ({
        %run_scoped3A = tpu.sem_alloc : memref<!tpu.dma_semaphore, #tpu.memory_space<semaphore_mem>>
        %dma_start3A = arith.constant 0 : i32
        %dma_start3A_122 = tpu.memref_slice %arg12[%mul3A_121, %dma_start3A] : memref<10000x128xf32, #tpu.memory_space<vmem_shared>> -> memref<80x128xf32, #tpu.memory_space<vmem_shared>>
        %dma_start3A_123 = arith.constant 0 : i32
        %dma_start3A_124 = tpu.memref_slice %arg6[%mul3A_119, %dma_start3A_123] : memref<10000x128xf32, #tpu.memory_space<hbm>> -> memref<80x128xf32, #tpu.memory_space<hbm>>
        tpu.enqueue_dma source(%dma_start3A_124 : memref<80x128xf32, #tpu.memory_space<hbm>>) target(%dma_start3A_122 : memref<80x128xf32, #tpu.memory_space<vmem_shared>>) target_semaphore(%run_scoped3A : memref<!tpu.dma_semaphore, #tpu.memory_space<semaphore_mem>>)
        %dma_wait3A = arith.constant 0 : i32
        %dma_wait3A_125 = tpu.memref_slice %arg12[%mul3A_121, %dma_wait3A] : memref<10000x128xf32, #tpu.memory_space<vmem_shared>> -> memref<80x128xf32, #tpu.memory_space<vmem_shared>>
        %dma_wait3A_126 = arith.constant 0 : i32
        %dma_wait3A_127 = tpu.memref_slice %arg6[%mul3A_119, %dma_wait3A_126] : memref<10000x128xf32, #tpu.memory_space<hbm>> -> memref<80x128xf32, #tpu.memory_space<hbm>>
        tpu.wait_dma2 semaphore(%run_scoped3A : memref<!tpu.dma_semaphore, #tpu.memory_space<semaphore_mem>>) src(%dma_wait3A_127 : memref<80x128xf32, #tpu.memory_space<hbm>>) dst(%dma_wait3A_125 : memref<80x128xf32, #tpu.memory_space<vmem_shared>>)
        tpu.yield
      }) : () -> ()
    } else {
    }
    %add3A_21 = arith.constant 48 : i32
    %add3A_22 = arith.addi %arg1, %add3A_21 : i32
    %lt3A_23 = arith.constant 125 : i32
    %lt3A_24 = arith.cmpi slt, %add3A_22, %lt3A_23 : i32
    %convert_element_type3A_25 = arith.extui %lt3A_24 : i1 to i32
    %cond3A_26 = arith.constant 0 : i32
    %cond3A_27 = arith.cmpi ne, %convert_element_type3A_25, %cond3A_26 : i32
    scf.if %cond3A_27 {
      %mul3A_118 = arith.constant 80 : i32
      %mul3A_119 = arith.muli %add3A_22, %mul3A_118 : i32
      %mul3A_120 = arith.constant 80 : i32
      %mul3A_121 = arith.muli %add3A_22, %mul3A_120 : i32
      "tpu.region"() ({
        %run_scoped3A = tpu.sem_alloc : memref<!tpu.dma_semaphore, #tpu.memory_space<semaphore_mem>>
        %dma_start3A = arith.constant 0 : i32
        %dma_start3A_122 = tpu.memref_slice %arg12[%mul3A_121, %dma_start3A] : memref<10000x128xf32, #tpu.memory_space<vmem_shared>> -> memref<80x128xf32, #tpu.memory_space<vmem_shared>>
        %dma_start3A_123 = arith.constant 0 : i32
        %dma_start3A_124 = tpu.memref_slice %arg6[%mul3A_119, %dma_start3A_123] : memref<10000x128xf32, #tpu.memory_space<hbm>> -> memref<80x128xf32, #tpu.memory_space<hbm>>
        tpu.enqueue_dma source(%dma_start3A_124 : memref<80x128xf32, #tpu.memory_space<hbm>>) target(%dma_start3A_122 : memref<80x128xf32, #tpu.memory_space<vmem_shared>>) target_semaphore(%run_scoped3A : memref<!tpu.dma_semaphore, #tpu.memory_space<semaphore_mem>>)
        %dma_wait3A = arith.constant 0 : i32
        %dma_wait3A_125 = tpu.memref_slice %arg12[%mul3A_121, %dma_wait3A] : memref<10000x128xf32, #tpu.memory_space<vmem_shared>> -> memref<80x128xf32, #tpu.memory_space<vmem_shared>>
        %dma_wait3A_126 = arith.constant 0 : i32
        %dma_wait3A_127 = tpu.memref_slice %arg6[%mul3A_119, %dma_wait3A_126] : memref<10000x128xf32, #tpu.memory_space<hbm>> -> memref<80x128xf32, #tpu.memory_space<hbm>>
        tpu.wait_dma2 semaphore(%run_scoped3A : memref<!tpu.dma_semaphore, #tpu.memory_space<semaphore_mem>>) src(%dma_wait3A_127 : memref<80x128xf32, #tpu.memory_space<hbm>>) dst(%dma_wait3A_125 : memref<80x128xf32, #tpu.memory_space<vmem_shared>>)
        tpu.yield
      }) : () -> ()
    } else {
    }
    %add3A_28 = arith.constant 64 : i32
    %add3A_29 = arith.addi %arg1, %add3A_28 : i32
    %lt3A_30 = arith.constant 125 : i32
    %lt3A_31 = arith.cmpi slt, %add3A_29, %lt3A_30 : i32
    %convert_element_type3A_32 = arith.extui %lt3A_31 : i1 to i32
    %cond3A_33 = arith.constant 0 : i32
    %cond3A_34 = arith.cmpi ne, %convert_element_type3A_32, %cond3A_33 : i32
    scf.if %cond3A_34 {
      %mul3A_118 = arith.constant 80 : i32
      %mul3A_119 = arith.muli %add3A_29, %mul3A_118 : i32
      %mul3A_120 = arith.constant 80 : i32
      %mul3A_121 = arith.muli %add3A_29, %mul3A_120 : i32
      "tpu.region"() ({
        %run_scoped3A = tpu.sem_alloc : memref<!tpu.dma_semaphore, #tpu.memory_space<semaphore_mem>>
        %dma_start3A = arith.constant 0 : i32
        %dma_start3A_122 = tpu.memref_slice %arg12[%mul3A_121, %dma_start3A] : memref<10000x128xf32, #tpu.memory_space<vmem_shared>> -> memref<80x128xf32, #tpu.memory_space<vmem_shared>>
        %dma_start3A_123 = arith.constant 0 : i32
        %dma_start3A_124 = tpu.memref_slice %arg6[%mul3A_119, %dma_start3A_123] : memref<10000x128xf32, #tpu.memory_space<hbm>> -> memref<80x128xf32, #tpu.memory_space<hbm>>
        tpu.enqueue_dma source(%dma_start3A_124 : memref<80x128xf32, #tpu.memory_space<hbm>>) target(%dma_start3A_122 : memref<80x128xf32, #tpu.memory_space<vmem_shared>>) target_semaphore(%run_scoped3A : memref<!tpu.dma_semaphore, #tpu.memory_space<semaphore_mem>>)
        %dma_wait3A = arith.constant 0 : i32
        %dma_wait3A_125 = tpu.memref_slice %arg12[%mul3A_121, %dma_wait3A] : memref<10000x128xf32, #tpu.memory_space<vmem_shared>> -> memref<80x128xf32, #tpu.memory_space<vmem_shared>>
        %dma_wait3A_126 = arith.constant 0 : i32
        %dma_wait3A_127 = tpu.memref_slice %arg6[%mul3A_119, %dma_wait3A_126] : memref<10000x128xf32, #tpu.memory_space<hbm>> -> memref<80x128xf32, #tpu.memory_space<hbm>>
        tpu.wait_dma2 semaphore(%run_scoped3A : memref<!tpu.dma_semaphore, #tpu.memory_space<semaphore_mem>>) src(%dma_wait3A_127 : memref<80x128xf32, #tpu.memory_space<hbm>>) dst(%dma_wait3A_125 : memref<80x128xf32, #tpu.memory_space<vmem_shared>>)
        tpu.yield
      }) : () -> ()
    } else {
    }
    %add3A_35 = arith.constant 80 : i32
    %add3A_36 = arith.addi %arg1, %add3A_35 : i32
    %lt3A_37 = arith.constant 125 : i32
    %lt3A_38 = arith.cmpi slt, %add3A_36, %lt3A_37 : i32
    %convert_element_type3A_39 = arith.extui %lt3A_38 : i1 to i32
    %cond3A_40 = arith.constant 0 : i32
    %cond3A_41 = arith.cmpi ne, %convert_element_type3A_39, %cond3A_40 : i32
    scf.if %cond3A_41 {
      %mul3A_118 = arith.constant 80 : i32
      %mul3A_119 = arith.muli %add3A_36, %mul3A_118 : i32
      %mul3A_120 = arith.constant 80 : i32
      %mul3A_121 = arith.muli %add3A_36, %mul3A_120 : i32
      "tpu.region"() ({
        %run_scoped3A = tpu.sem_alloc : memref<!tpu.dma_semaphore, #tpu.memory_space<semaphore_mem>>
        %dma_start3A = arith.constant 0 : i32
        %dma_start3A_122 = tpu.memref_slice %arg12[%mul3A_121, %dma_start3A] : memref<10000x128xf32, #tpu.memory_space<vmem_shared>> -> memref<80x128xf32, #tpu.memory_space<vmem_shared>>
        %dma_start3A_123 = arith.constant 0 : i32
        %dma_start3A_124 = tpu.memref_slice %arg6[%mul3A_119, %dma_start3A_123] : memref<10000x128xf32, #tpu.memory_space<hbm>> -> memref<80x128xf32, #tpu.memory_space<hbm>>
        tpu.enqueue_dma source(%dma_start3A_124 : memref<80x128xf32, #tpu.memory_space<hbm>>) target(%dma_start3A_122 : memref<80x128xf32, #tpu.memory_space<vmem_shared>>) target_semaphore(%run_scoped3A : memref<!tpu.dma_semaphore, #tpu.memory_space<semaphore_mem>>)
        %dma_wait3A = arith.constant 0 : i32
        %dma_wait3A_125 = tpu.memref_slice %arg12[%mul3A_121, %dma_wait3A] : memref<10000x128xf32, #tpu.memory_space<vmem_shared>> -> memref<80x128xf32, #tpu.memory_space<vmem_shared>>
        %dma_wait3A_126 = arith.constant 0 : i32
        %dma_wait3A_127 = tpu.memref_slice %arg6[%mul3A_119, %dma_wait3A_126] : memref<10000x128xf32, #tpu.memory_space<hbm>> -> memref<80x128xf32, #tpu.memory_space<hbm>>
        tpu.wait_dma2 semaphore(%run_scoped3A : memref<!tpu.dma_semaphore, #tpu.memory_space<semaphore_mem>>) src(%dma_wait3A_127 : memref<80x128xf32, #tpu.memory_space<hbm>>) dst(%dma_wait3A_125 : memref<80x128xf32, #tpu.memory_space<vmem_shared>>)
        tpu.yield
      }) : () -> ()
    } else {
    }
    %add3A_42 = arith.constant 96 : i32
    %add3A_43 = arith.addi %arg1, %add3A_42 : i32
    %lt3A_44 = arith.constant 125 : i32
    %lt3A_45 = arith.cmpi slt, %add3A_43, %lt3A_44 : i32
    %convert_element_type3A_46 = arith.extui %lt3A_45 : i1 to i32
    %cond3A_47 = arith.constant 0 : i32
    %cond3A_48 = arith.cmpi ne, %convert_element_type3A_46, %cond3A_47 : i32
    scf.if %cond3A_48 {
      %mul3A_118 = arith.constant 80 : i32
      %mul3A_119 = arith.muli %add3A_43, %mul3A_118 : i32
      %mul3A_120 = arith.constant 80 : i32
      %mul3A_121 = arith.muli %add3A_43, %mul3A_120 : i32
      "tpu.region"() ({
        %run_scoped3A = tpu.sem_alloc : memref<!tpu.dma_semaphore, #tpu.memory_space<semaphore_mem>>
        %dma_start3A = arith.constant 0 : i32
        %dma_start3A_122 = tpu.memref_slice %arg12[%mul3A_121, %dma_start3A] : memref<10000x128xf32, #tpu.memory_space<vmem_shared>> -> memref<80x128xf32, #tpu.memory_space<vmem_shared>>
        %dma_start3A_123 = arith.constant 0 : i32
        %dma_start3A_124 = tpu.memref_slice %arg6[%mul3A_119, %dma_start3A_123] : memref<10000x128xf32, #tpu.memory_space<hbm>> -> memref<80x128xf32, #tpu.memory_space<hbm>>
        tpu.enqueue_dma source(%dma_start3A_124 : memref<80x128xf32, #tpu.memory_space<hbm>>) target(%dma_start3A_122 : memref<80x128xf32, #tpu.memory_space<vmem_shared>>) target_semaphore(%run_scoped3A : memref<!tpu.dma_semaphore, #tpu.memory_space<semaphore_mem>>)
        %dma_wait3A = arith.constant 0 : i32
        %dma_wait3A_125 = tpu.memref_slice %arg12[%mul3A_121, %dma_wait3A] : memref<10000x128xf32, #tpu.memory_space<vmem_shared>> -> memref<80x128xf32, #tpu.memory_space<vmem_shared>>
        %dma_wait3A_126 = arith.constant 0 : i32
        %dma_wait3A_127 = tpu.memref_slice %arg6[%mul3A_119, %dma_wait3A_126] : memref<10000x128xf32, #tpu.memory_space<hbm>> -> memref<80x128xf32, #tpu.memory_space<hbm>>
        tpu.wait_dma2 semaphore(%run_scoped3A : memref<!tpu.dma_semaphore, #tpu.memory_space<semaphore_mem>>) src(%dma_wait3A_127 : memref<80x128xf32, #tpu.memory_space<hbm>>) dst(%dma_wait3A_125 : memref<80x128xf32, #tpu.memory_space<vmem_shared>>)
        tpu.yield
      }) : () -> ()
    } else {
    }
    %add3A_49 = arith.constant 112 : i32
    %add3A_50 = arith.addi %arg1, %add3A_49 : i32
    %lt3A_51 = arith.constant 125 : i32
    %lt3A_52 = arith.cmpi slt, %add3A_50, %lt3A_51 : i32
    %convert_element_type3A_53 = arith.extui %lt3A_52 : i1 to i32
    %cond3A_54 = arith.constant 0 : i32
    %cond3A_55 = arith.cmpi ne, %convert_element_type3A_53, %cond3A_54 : i32
    scf.if %cond3A_55 {
      %mul3A_118 = arith.constant 80 : i32
      %mul3A_119 = arith.muli %add3A_50, %mul3A_118 : i32
      %mul3A_120 = arith.constant 80 : i32
      %mul3A_121 = arith.muli %add3A_50, %mul3A_120 : i32
      "tpu.region"() ({
        %run_scoped3A = tpu.sem_alloc : memref<!tpu.dma_semaphore, #tpu.memory_space<semaphore_mem>>
        %dma_start3A = arith.constant 0 : i32
        %dma_start3A_122 = tpu.memref_slice %arg12[%mul3A_121, %dma_start3A] : memref<10000x128xf32, #tpu.memory_space<vmem_shared>> -> memref<80x128xf32, #tpu.memory_space<vmem_shared>>
        %dma_start3A_123 = arith.constant 0 : i32
        %dma_start3A_124 = tpu.memref_slice %arg6[%mul3A_119, %dma_start3A_123] : memref<10000x128xf32, #tpu.memory_space<hbm>> -> memref<80x128xf32, #tpu.memory_space<hbm>>
        tpu.enqueue_dma source(%dma_start3A_124 : memref<80x128xf32, #tpu.memory_space<hbm>>) target(%dma_start3A_122 : memref<80x128xf32, #tpu.memory_space<vmem_shared>>) target_semaphore(%run_scoped3A : memref<!tpu.dma_semaphore, #tpu.memory_space<semaphore_mem>>)
        %dma_wait3A = arith.constant 0 : i32
        %dma_wait3A_125 = tpu.memref_slice %arg12[%mul3A_121, %dma_wait3A] : memref<10000x128xf32, #tpu.memory_space<vmem_shared>> -> memref<80x128xf32, #tpu.memory_space<vmem_shared>>
        %dma_wait3A_126 = arith.constant 0 : i32
        %dma_wait3A_127 = tpu.memref_slice %arg6[%mul3A_119, %dma_wait3A_126] : memref<10000x128xf32, #tpu.memory_space<hbm>> -> memref<80x128xf32, #tpu.memory_space<hbm>>
        tpu.wait_dma2 semaphore(%run_scoped3A : memref<!tpu.dma_semaphore, #tpu.memory_space<semaphore_mem>>) src(%dma_wait3A_127 : memref<80x128xf32, #tpu.memory_space<hbm>>) dst(%dma_wait3A_125 : memref<80x128xf32, #tpu.memory_space<vmem_shared>>)
        tpu.yield
      }) : () -> ()
    } else {
    }
    %barrier3A = arith.constant 0 : index
    tpu.barrier barrier_id(%barrier3A)
    %scan3A = arith.constant 0 : i32
    %scan3A_56 = arith.constant 0 : i32
    %scan3A_57 = arith.constant 250 : i32
    %scan3A_58 = arith.addi %scan3A_56, %scan3A_57 : i32
    %scan3A_59 = arith.constant 1 : i32
    scf.for %scan3A_118 = %scan3A_56 to %scan3A_58 step %scan3A_59  : i32 {
      %mul3A_119 = arith.constant 80 : i32
      %mul3A_120 = arith.muli %scan3A_118, %mul3A_119 : i32
      %add3A_121 = arith.addi %mul3A_0, %mul3A_120 : i32
      "tpu.region"() ({
        %run_scoped3A = tpu.sem_alloc : memref<!tpu.dma_semaphore, #tpu.memory_space<semaphore_mem>>
        %dma_start3A_134 = tpu.memref_slice %arg3[%add3A_121] : memref<320000xi32, #tpu.memory_space<hbm>> -> memref<80xi32, #tpu.memory_space<hbm>>
        %dma_start3A_135 = tpu.memref_slice %arg3[%add3A_121] : memref<320000xi32, #tpu.memory_space<hbm>> -> memref<80xi32, #tpu.memory_space<hbm>>
        tpu.enqueue_dma source(%dma_start3A_135 : memref<80xi32, #tpu.memory_space<hbm>>) target(%arg8 : memref<80xi32, #tpu.memory_space<vmem>>) target_semaphore(%run_scoped3A : memref<!tpu.dma_semaphore, #tpu.memory_space<semaphore_mem>>)
        %dma_wait3A_136 = tpu.memref_slice %arg3[%add3A_121] : memref<320000xi32, #tpu.memory_space<hbm>> -> memref<80xi32, #tpu.memory_space<hbm>>
        %dma_wait3A_137 = tpu.memref_slice %arg3[%add3A_121] : memref<320000xi32, #tpu.memory_space<hbm>> -> memref<80xi32, #tpu.memory_space<hbm>>
        tpu.wait_dma2 semaphore(%run_scoped3A : memref<!tpu.dma_semaphore, #tpu.memory_space<semaphore_mem>>) src(%dma_wait3A_137 : memref<80xi32, #tpu.memory_space<hbm>>) dst(%arg8 : memref<80xi32, #tpu.memory_space<vmem>>)
        tpu.yield
      }) : () -> ()
      %dma_start3A = tpu.memref_slice %arg9[%mul3A_120] : memref<20000xi32, #tpu.memory_space<vmem>> -> memref<80xi32, #tpu.memory_space<vmem>>
      %dma_start3A_122 = arith.constant 0 : i32
      %dma_start3A_123 = arith.constant 0 : i32
      %dma_start3A_124 = tpu.memref_slice %arg2[%dma_start3A_122, %dma_start3A_123] : memref<10000x128xf32, #tpu.memory_space<hbm>> -> memref<10000x128xf32, #tpu.memory_space<hbm>>
      tpu.enqueue_indirect_dma source(%dma_start3A_124 : memref<10000x128xf32, #tpu.memory_space<hbm>>) target(%arg11 : memref<80x128xf32, #tpu.memory_space<vmem>>) offsets(%dma_start3A : memref<80xi32, #tpu.memory_space<vmem>>) semaphore(%arg13 : memref<!tpu.dma_semaphore, #tpu.memory_space<semaphore_mem>>)
      %dma_wait3A = tpu.memref_slice %arg9[%mul3A_120] : memref<20000xi32, #tpu.memory_space<vmem>> -> memref<80xi32, #tpu.memory_space<vmem>>
      %dma_wait3A_125 = arith.constant 0 : i32
      %dma_wait3A_126 = arith.constant 0 : i32
      %dma_wait3A_127 = tpu.memref_slice %arg2[%dma_wait3A_125, %dma_wait3A_126] : memref<10000x128xf32, #tpu.memory_space<hbm>> -> memref<10000x128xf32, #tpu.memory_space<hbm>>
      tpu.wait_indirect_dma semaphore(%arg13 : memref<!tpu.dma_semaphore, #tpu.memory_space<semaphore_mem>>) src(%dma_wait3A_127 : memref<10000x128xf32, #tpu.memory_space<hbm>>) dst(%arg11 : memref<80x128xf32, #tpu.memory_space<vmem>>)
      %scan3A_128 = arith.constant 0 : i32
      %scan3A_129 = arith.constant 0 : i32
      %scan3A_130 = arith.constant 80 : i32
      %scan3A_131 = arith.addi %scan3A_129, %scan3A_130 : i32
      %scan3A_132 = arith.constant 1 : i32
      scf.for %scan3A_134 = %scan3A_129 to %scan3A_131 step %scan3A_132  : i32 {
        %add3A_135 = arith.addi %mul3A_120, %scan3A_134 : i32
        %get3A = arith.index_cast %add3A_135 : i32 to index
        %get3A_136 = tpu.vector_load %arg10[%get3A] {strides = array<i32>} : memref<20016xf32, #tpu.memory_space<vmem>>, vector<16xf32>,
        %get3A_137 = vector.shape_cast %get3A_136 : vector<16xf32> to vector<16xf32>
        %slice3A = vector.extract_strided_slice %get3A_137 {offsets = [0], sizes = [1], strides = [1]} : vector<16xf32> to vector<1xf32>
        %squeeze3A = vector.extract %slice3A[0] : f32 from vector<1xf32>
        %broadcast_in_dim3A = vector.broadcast %squeeze3A : f32 to vector<16xf32>
        %get3A_138 = arith.index_cast %scan3A_134 : i32 to index
        %get3A_139 = arith.constant 0 : index
        %get3A_140 = tpu.vector_load %arg11[%get3A_138, %get3A_139] {strides = array<i32>} : memref<80x128xf32, #tpu.memory_space<vmem>>, vector<1x16xf32>,
        %get3A_141 = vector.shape_cast %get3A_140 : vector<1x16xf32> to vector<16xf32>
        %mul3A_142 = arith.mulf %get3A_141, %broadcast_in_dim3A : vector<16xf32>
        %swap3A = arith.index_cast %scan3A_134 : i32 to index
        %swap3A_143 = arith.constant 0 : index
        %swap3A_144 = tpu.vector_load %arg11[%swap3A, %swap3A_143] {strides = array<i32>} : memref<80x128xf32, #tpu.memory_space<vmem>>, vector<1x16xf32>,
        %swap3A_145 = vector.shape_cast %swap3A_144 : vector<1x16xf32> to vector<16xf32>
        %swap3A_146 = vector.shape_cast %mul3A_142 : vector<16xf32> to vector<1x16xf32>
        tpu.vector_store %arg11[%swap3A, %swap3A_143], %swap3A_146 {strides = array<i32>} : memref<80x128xf32, #tpu.memory_space<vmem>>, vector<1x16xf32>,
        %get3A_147 = arith.index_cast %scan3A_134 : i32 to index
        %get3A_148 = arith.constant 16 : index
        %get3A_149 = tpu.vector_load %arg11[%get3A_147, %get3A_148] {strides = array<i32>} : memref<80x128xf32, #tpu.memory_space<vmem>>, vector<1x16xf32>,
        %get3A_150 = vector.shape_cast %get3A_149 : vector<1x16xf32> to vector<16xf32>
        %mul3A_151 = arith.mulf %get3A_150, %broadcast_in_dim3A : vector<16xf32>
        %swap3A_152 = arith.index_cast %scan3A_134 : i32 to index
        %swap3A_153 = arith.constant 16 : index
        %swap3A_154 = tpu.vector_load %arg11[%swap3A_152, %swap3A_153] {strides = array<i32>} : memref<80x128xf32, #tpu.memory_space<vmem>>, vector<1x16xf32>,
        %swap3A_155 = vector.shape_cast %swap3A_154 : vector<1x16xf32> to vector<16xf32>
        %swap3A_156 = vector.shape_cast %mul3A_151 : vector<16xf32> to vector<1x16xf32>
        tpu.vector_store %arg11[%swap3A_152, %swap3A_153], %swap3A_156 {strides = array<i32>} : memref<80x128xf32, #tpu.memory_space<vmem>>, vector<1x16xf32>,
        %get3A_157 = arith.index_cast %scan3A_134 : i32 to index
        %get3A_158 = arith.constant 32 : index
        %get3A_159 = tpu.vector_load %arg11[%get3A_157, %get3A_158] {strides = array<i32>} : memref<80x128xf32, #tpu.memory_space<vmem>>, vector<1x16xf32>,
        %get3A_160 = vector.shape_cast %get3A_159 : vector<1x16xf32> to vector<16xf32>
        %mul3A_161 = arith.mulf %get3A_160, %broadcast_in_dim3A : vector<16xf32>
        %swap3A_162 = arith.index_cast %scan3A_134 : i32 to index
        %swap3A_163 = arith.constant 32 : index
        %swap3A_164 = tpu.vector_load %arg11[%swap3A_162, %swap3A_163] {strides = array<i32>} : memref<80x128xf32, #tpu.memory_space<vmem>>, vector<1x16xf32>,
        %swap3A_165 = vector.shape_cast %swap3A_164 : vector<1x16xf32> to vector<16xf32>
        %swap3A_166 = vector.shape_cast %mul3A_161 : vector<16xf32> to vector<1x16xf32>
        tpu.vector_store %arg11[%swap3A_162, %swap3A_163], %swap3A_166 {strides = array<i32>} : memref<80x128xf32, #tpu.memory_space<vmem>>, vector<1x16xf32>,
        %get3A_167 = arith.index_cast %scan3A_134 : i32 to index
        %get3A_168 = arith.constant 48 : index
        %get3A_169 = tpu.vector_load %arg11[%get3A_167, %get3A_168] {strides = array<i32>} : memref<80x128xf32, #tpu.memory_space<vmem>>, vector<1x16xf32>,
        %get3A_170 = vector.shape_cast %get3A_169 : vector<1x16xf32> to vector<16xf32>
        %mul3A_171 = arith.mulf %get3A_170, %broadcast_in_dim3A : vector<16xf32>
        %swap3A_172 = arith.index_cast %scan3A_134 : i32 to index
        %swap3A_173 = arith.constant 48 : index
        %swap3A_174 = tpu.vector_load %arg11[%swap3A_172, %swap3A_173] {strides = array<i32>} : memref<80x128xf32, #tpu.memory_space<vmem>>, vector<1x16xf32>,
        %swap3A_175 = vector.shape_cast %swap3A_174 : vector<1x16xf32> to vector<16xf32>
        %swap3A_176 = vector.shape_cast %mul3A_171 : vector<16xf32> to vector<1x16xf32>
        tpu.vector_store %arg11[%swap3A_172, %swap3A_173], %swap3A_176 {strides = array<i32>} : memref<80x128xf32, #tpu.memory_space<vmem>>, vector<1x16xf32>,
        %get3A_177 = arith.index_cast %scan3A_134 : i32 to index
        %get3A_178 = arith.constant 64 : index
        %get3A_179 = tpu.vector_load %arg11[%get3A_177, %get3A_178] {strides = array<i32>} : memref<80x128xf32, #tpu.memory_space<vmem>>, vector<1x16xf32>,
        %get3A_180 = vector.shape_cast %get3A_179 : vector<1x16xf32> to vector<16xf32>
        %mul3A_181 = arith.mulf %get3A_180, %broadcast_in_dim3A : vector<16xf32>
        %swap3A_182 = arith.index_cast %scan3A_134 : i32 to index
        %swap3A_183 = arith.constant 64 : index
        %swap3A_184 = tpu.vector_load %arg11[%swap3A_182, %swap3A_183] {strides = array<i32>} : memref<80x128xf32, #tpu.memory_space<vmem>>, vector<1x16xf32>,
        %swap3A_185 = vector.shape_cast %swap3A_184 : vector<1x16xf32> to vector<16xf32>
        %swap3A_186 = vector.shape_cast %mul3A_181 : vector<16xf32> to vector<1x16xf32>
        tpu.vector_store %arg11[%swap3A_182, %swap3A_183], %swap3A_186 {strides = array<i32>} : memref<80x128xf32, #tpu.memory_space<vmem>>, vector<1x16xf32>,
        %get3A_187 = arith.index_cast %scan3A_134 : i32 to index
        %get3A_188 = arith.constant 80 : index
        %get3A_189 = tpu.vector_load %arg11[%get3A_187, %get3A_188] {strides = array<i32>} : memref<80x128xf32, #tpu.memory_space<vmem>>, vector<1x16xf32>,
        %get3A_190 = vector.shape_cast %get3A_189 : vector<1x16xf32> to vector<16xf32>
        %mul3A_191 = arith.mulf %get3A_190, %broadcast_in_dim3A : vector<16xf32>
        %swap3A_192 = arith.index_cast %scan3A_134 : i32 to index
        %swap3A_193 = arith.constant 80 : index
        %swap3A_194 = tpu.vector_load %arg11[%swap3A_192, %swap3A_193] {strides = array<i32>} : memref<80x128xf32, #tpu.memory_space<vmem>>, vector<1x16xf32>,
        %swap3A_195 = vector.shape_cast %swap3A_194 : vector<1x16xf32> to vector<16xf32>
        %swap3A_196 = vector.shape_cast %mul3A_191 : vector<16xf32> to vector<1x16xf32>
        tpu.vector_store %arg11[%swap3A_192, %swap3A_193], %swap3A_196 {strides = array<i32>} : memref<80x128xf32, #tpu.memory_space<vmem>>, vector<1x16xf32>,
        %get3A_197 = arith.index_cast %scan3A_134 : i32 to index
        %get3A_198 = arith.constant 96 : index
        %get3A_199 = tpu.vector_load %arg11[%get3A_197, %get3A_198] {strides = array<i32>} : memref<80x128xf32, #tpu.memory_space<vmem>>, vector<1x16xf32>,
        %get3A_200 = vector.shape_cast %get3A_199 : vector<1x16xf32> to vector<16xf32>
        %mul3A_201 = arith.mulf %get3A_200, %broadcast_in_dim3A : vector<16xf32>
        %swap3A_202 = arith.index_cast %scan3A_134 : i32 to index
        %swap3A_203 = arith.constant 96 : index
        %swap3A_204 = tpu.vector_load %arg11[%swap3A_202, %swap3A_203] {strides = array<i32>} : memref<80x128xf32, #tpu.memory_space<vmem>>, vector<1x16xf32>,
        %swap3A_205 = vector.shape_cast %swap3A_204 : vector<1x16xf32> to vector<16xf32>
        %swap3A_206 = vector.shape_cast %mul3A_201 : vector<16xf32> to vector<1x16xf32>
        tpu.vector_store %arg11[%swap3A_202, %swap3A_203], %swap3A_206 {strides = array<i32>} : memref<80x128xf32, #tpu.memory_space<vmem>>, vector<1x16xf32>,
        %get3A_207 = arith.index_cast %scan3A_134 : i32 to index
        %get3A_208 = arith.constant 112 : index
        %get3A_209 = tpu.vector_load %arg11[%get3A_207, %get3A_208] {strides = array<i32>} : memref<80x128xf32, #tpu.memory_space<vmem>>, vector<1x16xf32>,
        %get3A_210 = vector.shape_cast %get3A_209 : vector<1x16xf32> to vector<16xf32>
        %mul3A_211 = arith.mulf %get3A_210, %broadcast_in_dim3A : vector<16xf32>
        %swap3A_212 = arith.index_cast %scan3A_134 : i32 to index
        %swap3A_213 = arith.constant 112 : index
        %swap3A_214 = tpu.vector_load %arg11[%swap3A_212, %swap3A_213] {strides = array<i32>} : memref<80x128xf32, #tpu.memory_space<vmem>>, vector<1x16xf32>,
        %swap3A_215 = vector.shape_cast %swap3A_214 : vector<1x16xf32> to vector<16xf32>
        %swap3A_216 = vector.shape_cast %mul3A_211 : vector<16xf32> to vector<1x16xf32>
        tpu.vector_store %arg11[%swap3A_212, %swap3A_213], %swap3A_216 {strides = array<i32>} : memref<80x128xf32, #tpu.memory_space<vmem>>, vector<1x16xf32>,
      }
      %scan3A_133 = arith.constant 80 : i32
      "tpu.region"() ({
        %run_scoped3A = tpu.sem_alloc : memref<!tpu.dma_semaphore, #tpu.memory_space<semaphore_mem>>
        %dma_start3A_134 = arith.constant 0 : i32
        %dma_start3A_135 = arith.constant 0 : i32
        %dma_start3A_136 = tpu.memref_slice %arg12[%dma_start3A_134, %dma_start3A_135] : memref<10000x128xf32, #tpu.memory_space<vmem_shared>> -> memref<10000x128xf32, #tpu.memory_space<vmem_shared>>
        tpu.enqueue_indirect_dma source(%arg11 : memref<80x128xf32, #tpu.memory_space<vmem>>) target(%dma_start3A_136 : memref<10000x128xf32, #tpu.memory_space<vmem_shared>>) offsets(%arg8 : memref<80xi32, #tpu.memory_space<vmem>>) semaphore(%run_scoped3A : memref<!tpu.dma_semaphore, #tpu.memory_space<semaphore_mem>>) {add = true}
        %dma_wait3A_137 = arith.constant 0 : i32
        %dma_wait3A_138 = arith.constant 0 : i32
        %dma_wait3A_139 = tpu.memref_slice %arg12[%dma_wait3A_137, %dma_wait3A_138] : memref<10000x128xf32, #tpu.memory_space<vmem_shared>> -> memref<10000x128xf32, #tpu.memory_space<vmem_shared>>
        tpu.wait_indirect_dma semaphore(%run_scoped3A : memref<!tpu.dma_semaphore, #tpu.memory_space<semaphore_mem>>) src(%arg11 : memref<80x128xf32, #tpu.memory_space<vmem>>) dst(%dma_wait3A_139 : memref<10000x128xf32, #tpu.memory_space<vmem_shared>>)
        tpu.yield
      }) : () -> ()
    }
    %scan3A_60 = arith.constant 250 : i32
    %barrier3A_61 = arith.constant 0 : index
    tpu.barrier barrier_id(%barrier3A_61)
    %add3A_62 = arith.constant 0 : i32
    %add3A_63 = arith.addi %arg1, %add3A_62 : i32
    %lt3A_64 = arith.constant 125 : i32
    %lt3A_65 = arith.cmpi slt, %add3A_63, %lt3A_64 : i32
    %convert_element_type3A_66 = arith.extui %lt3A_65 : i1 to i32
    %cond3A_67 = arith.constant 0 : i32
    %cond3A_68 = arith.cmpi ne, %convert_element_type3A_66, %cond3A_67 : i32
    scf.if %cond3A_68 {
      %mul3A_118 = arith.constant 80 : i32
      %mul3A_119 = arith.muli %add3A_63, %mul3A_118 : i32
      %mul3A_120 = arith.constant 80 : i32
      %mul3A_121 = arith.muli %add3A_63, %mul3A_120 : i32
      "tpu.region"() ({
        %run_scoped3A = tpu.sem_alloc : memref<!tpu.dma_semaphore, #tpu.memory_space<semaphore_mem>>
        %dma_start3A = arith.constant 0 : i32
        %dma_start3A_122 = tpu.memref_slice %arg7[%arg0, %mul3A_121, %dma_start3A] : memref<2x10000x128xf32, #tpu.memory_space<hbm>> -> memref<1x80x128xf32, #tpu.memory_space<hbm>>
        %dma_start3A_123 = tpu.memref_squeeze %dma_start3A_122 : memref<1x80x128xf32, #tpu.memory_space<hbm>> -> memref<80x128xf32, #tpu.memory_space<hbm>>
        %dma_start3A_124 = arith.constant 0 : i32
        %dma_start3A_125 = tpu.memref_slice %arg12[%mul3A_119, %dma_start3A_124] : memref<10000x128xf32, #tpu.memory_space<vmem_shared>> -> memref<80x128xf32, #tpu.memory_space<vmem_shared>>
        tpu.enqueue_dma source(%dma_start3A_125 : memref<80x128xf32, #tpu.memory_space<vmem_shared>>) target(%dma_start3A_123 : memref<80x128xf32, #tpu.memory_space<hbm>>) target_semaphore(%run_scoped3A : memref<!tpu.dma_semaphore, #tpu.memory_space<semaphore_mem>>)
        %dma_wait3A = arith.constant 0 : i32
        %dma_wait3A_126 = tpu.memref_slice %arg7[%arg0, %mul3A_121, %dma_wait3A] : memref<2x10000x128xf32, #tpu.memory_space<hbm>> -> memref<1x80x128xf32, #tpu.memory_space<hbm>>
        %dma_wait3A_127 = tpu.memref_squeeze %dma_wait3A_126 : memref<1x80x128xf32, #tpu.memory_space<hbm>> -> memref<80x128xf32, #tpu.memory_space<hbm>>
        %dma_wait3A_128 = arith.constant 0 : i32
        %dma_wait3A_129 = tpu.memref_slice %arg12[%mul3A_119, %dma_wait3A_128] : memref<10000x128xf32, #tpu.memory_space<vmem_shared>> -> memref<80x128xf32, #tpu.memory_space<vmem_shared>>
        tpu.wait_dma2 semaphore(%run_scoped3A : memref<!tpu.dma_semaphore, #tpu.memory_space<semaphore_mem>>) src(%dma_wait3A_129 : memref<80x128xf32, #tpu.memory_space<vmem_shared>>) dst(%dma_wait3A_127 : memref<80x128xf32, #tpu.memory_space<hbm>>)
        tpu.yield
      }) : () -> ()
    } else {
    }
    %add3A_69 = arith.constant 16 : i32
    %add3A_70 = arith.addi %arg1, %add3A_69 : i32
    %lt3A_71 = arith.constant 125 : i32
    %lt3A_72 = arith.cmpi slt, %add3A_70, %lt3A_71 : i32
    %convert_element_type3A_73 = arith.extui %lt3A_72 : i1 to i32
    %cond3A_74 = arith.constant 0 : i32
    %cond3A_75 = arith.cmpi ne, %convert_element_type3A_73, %cond3A_74 : i32
    scf.if %cond3A_75 {
      %mul3A_118 = arith.constant 80 : i32
      %mul3A_119 = arith.muli %add3A_70, %mul3A_118 : i32
      %mul3A_120 = arith.constant 80 : i32
      %mul3A_121 = arith.muli %add3A_70, %mul3A_120 : i32
      "tpu.region"() ({
        %run_scoped3A = tpu.sem_alloc : memref<!tpu.dma_semaphore, #tpu.memory_space<semaphore_mem>>
        %dma_start3A = arith.constant 0 : i32
        %dma_start3A_122 = tpu.memref_slice %arg7[%arg0, %mul3A_121, %dma_start3A] : memref<2x10000x128xf32, #tpu.memory_space<hbm>> -> memref<1x80x128xf32, #tpu.memory_space<hbm>>
        %dma_start3A_123 = tpu.memref_squeeze %dma_start3A_122 : memref<1x80x128xf32, #tpu.memory_space<hbm>> -> memref<80x128xf32, #tpu.memory_space<hbm>>
        %dma_start3A_124 = arith.constant 0 : i32
        %dma_start3A_125 = tpu.memref_slice %arg12[%mul3A_119, %dma_start3A_124] : memref<10000x128xf32, #tpu.memory_space<vmem_shared>> -> memref<80x128xf32, #tpu.memory_space<vmem_shared>>
        tpu.enqueue_dma source(%dma_start3A_125 : memref<80x128xf32, #tpu.memory_space<vmem_shared>>) target(%dma_start3A_123 : memref<80x128xf32, #tpu.memory_space<hbm>>) target_semaphore(%run_scoped3A : memref<!tpu.dma_semaphore, #tpu.memory_space<semaphore_mem>>)
        %dma_wait3A = arith.constant 0 : i32
        %dma_wait3A_126 = tpu.memref_slice %arg7[%arg0, %mul3A_121, %dma_wait3A] : memref<2x10000x128xf32, #tpu.memory_space<hbm>> -> memref<1x80x128xf32, #tpu.memory_space<hbm>>
        %dma_wait3A_127 = tpu.memref_squeeze %dma_wait3A_126 : memref<1x80x128xf32, #tpu.memory_space<hbm>> -> memref<80x128xf32, #tpu.memory_space<hbm>>
        %dma_wait3A_128 = arith.constant 0 : i32
        %dma_wait3A_129 = tpu.memref_slice %arg12[%mul3A_119, %dma_wait3A_128] : memref<10000x128xf32, #tpu.memory_space<vmem_shared>> -> memref<80x128xf32, #tpu.memory_space<vmem_shared>>
        tpu.wait_dma2 semaphore(%run_scoped3A : memref<!tpu.dma_semaphore, #tpu.memory_space<semaphore_mem>>) src(%dma_wait3A_129 : memref<80x128xf32, #tpu.memory_space<vmem_shared>>) dst(%dma_wait3A_127 : memref<80x128xf32, #tpu.memory_space<hbm>>)
        tpu.yield
      }) : () -> ()
    } else {
    }
    %add3A_76 = arith.constant 32 : i32
    %add3A_77 = arith.addi %arg1, %add3A_76 : i32
    %lt3A_78 = arith.constant 125 : i32
    %lt3A_79 = arith.cmpi slt, %add3A_77, %lt3A_78 : i32
    %convert_element_type3A_80 = arith.extui %lt3A_79 : i1 to i32
    %cond3A_81 = arith.constant 0 : i32
    %cond3A_82 = arith.cmpi ne, %convert_element_type3A_80, %cond3A_81 : i32
    scf.if %cond3A_82 {
      %mul3A_118 = arith.constant 80 : i32
      %mul3A_119 = arith.muli %add3A_77, %mul3A_118 : i32
      %mul3A_120 = arith.constant 80 : i32
      %mul3A_121 = arith.muli %add3A_77, %mul3A_120 : i32
      "tpu.region"() ({
        %run_scoped3A = tpu.sem_alloc : memref<!tpu.dma_semaphore, #tpu.memory_space<semaphore_mem>>
        %dma_start3A = arith.constant 0 : i32
        %dma_start3A_122 = tpu.memref_slice %arg7[%arg0, %mul3A_121, %dma_start3A] : memref<2x10000x128xf32, #tpu.memory_space<hbm>> -> memref<1x80x128xf32, #tpu.memory_space<hbm>>
        %dma_start3A_123 = tpu.memref_squeeze %dma_start3A_122 : memref<1x80x128xf32, #tpu.memory_space<hbm>> -> memref<80x128xf32, #tpu.memory_space<hbm>>
        %dma_start3A_124 = arith.constant 0 : i32
        %dma_start3A_125 = tpu.memref_slice %arg12[%mul3A_119, %dma_start3A_124] : memref<10000x128xf32, #tpu.memory_space<vmem_shared>> -> memref<80x128xf32, #tpu.memory_space<vmem_shared>>
        tpu.enqueue_dma source(%dma_start3A_125 : memref<80x128xf32, #tpu.memory_space<vmem_shared>>) target(%dma_start3A_123 : memref<80x128xf32, #tpu.memory_space<hbm>>) target_semaphore(%run_scoped3A : memref<!tpu.dma_semaphore, #tpu.memory_space<semaphore_mem>>)
        %dma_wait3A = arith.constant 0 : i32
        %dma_wait3A_126 = tpu.memref_slice %arg7[%arg0, %mul3A_121, %dma_wait3A] : memref<2x10000x128xf32, #tpu.memory_space<hbm>> -> memref<1x80x128xf32, #tpu.memory_space<hbm>>
        %dma_wait3A_127 = tpu.memref_squeeze %dma_wait3A_126 : memref<1x80x128xf32, #tpu.memory_space<hbm>> -> memref<80x128xf32, #tpu.memory_space<hbm>>
        %dma_wait3A_128 = arith.constant 0 : i32
        %dma_wait3A_129 = tpu.memref_slice %arg12[%mul3A_119, %dma_wait3A_128] : memref<10000x128xf32, #tpu.memory_space<vmem_shared>> -> memref<80x128xf32, #tpu.memory_space<vmem_shared>>
        tpu.wait_dma2 semaphore(%run_scoped3A : memref<!tpu.dma_semaphore, #tpu.memory_space<semaphore_mem>>) src(%dma_wait3A_129 : memref<80x128xf32, #tpu.memory_space<vmem_shared>>) dst(%dma_wait3A_127 : memref<80x128xf32, #tpu.memory_space<hbm>>)
        tpu.yield
      }) : () -> ()
    } else {
    }
    %add3A_83 = arith.constant 48 : i32
    %add3A_84 = arith.addi %arg1, %add3A_83 : i32
    %lt3A_85 = arith.constant 125 : i32
    %lt3A_86 = arith.cmpi slt, %add3A_84, %lt3A_85 : i32
    %convert_element_type3A_87 = arith.extui %lt3A_86 : i1 to i32
    %cond3A_88 = arith.constant 0 : i32
    %cond3A_89 = arith.cmpi ne, %convert_element_type3A_87, %cond3A_88 : i32
    scf.if %cond3A_89 {
      %mul3A_118 = arith.constant 80 : i32
      %mul3A_119 = arith.muli %add3A_84, %mul3A_118 : i32
      %mul3A_120 = arith.constant 80 : i32
      %mul3A_121 = arith.muli %add3A_84, %mul3A_120 : i32
      "tpu.region"() ({
        %run_scoped3A = tpu.sem_alloc : memref<!tpu.dma_semaphore, #tpu.memory_space<semaphore_mem>>
        %dma_start3A = arith.constant 0 : i32
        %dma_start3A_122 = tpu.memref_slice %arg7[%arg0, %mul3A_121, %dma_start3A] : memref<2x10000x128xf32, #tpu.memory_space<hbm>> -> memref<1x80x128xf32, #tpu.memory_space<hbm>>
        %dma_start3A_123 = tpu.memref_squeeze %dma_start3A_122 : memref<1x80x128xf32, #tpu.memory_space<hbm>> -> memref<80x128xf32, #tpu.memory_space<hbm>>
        %dma_start3A_124 = arith.constant 0 : i32
        %dma_start3A_125 = tpu.memref_slice %arg12[%mul3A_119, %dma_start3A_124] : memref<10000x128xf32, #tpu.memory_space<vmem_shared>> -> memref<80x128xf32, #tpu.memory_space<vmem_shared>>
        tpu.enqueue_dma source(%dma_start3A_125 : memref<80x128xf32, #tpu.memory_space<vmem_shared>>) target(%dma_start3A_123 : memref<80x128xf32, #tpu.memory_space<hbm>>) target_semaphore(%run_scoped3A : memref<!tpu.dma_semaphore, #tpu.memory_space<semaphore_mem>>)
        %dma_wait3A = arith.constant 0 : i32
        %dma_wait3A_126 = tpu.memref_slice %arg7[%arg0, %mul3A_121, %dma_wait3A] : memref<2x10000x128xf32, #tpu.memory_space<hbm>> -> memref<1x80x128xf32, #tpu.memory_space<hbm>>
        %dma_wait3A_127 = tpu.memref_squeeze %dma_wait3A_126 : memref<1x80x128xf32, #tpu.memory_space<hbm>> -> memref<80x128xf32, #tpu.memory_space<hbm>>
        %dma_wait3A_128 = arith.constant 0 : i32
        %dma_wait3A_129 = tpu.memref_slice %arg12[%mul3A_119, %dma_wait3A_128] : memref<10000x128xf32, #tpu.memory_space<vmem_shared>> -> memref<80x128xf32, #tpu.memory_space<vmem_shared>>
        tpu.wait_dma2 semaphore(%run_scoped3A : memref<!tpu.dma_semaphore, #tpu.memory_space<semaphore_mem>>) src(%dma_wait3A_129 : memref<80x128xf32, #tpu.memory_space<vmem_shared>>) dst(%dma_wait3A_127 : memref<80x128xf32, #tpu.memory_space<hbm>>)
        tpu.yield
      }) : () -> ()
    } else {
    }
    %add3A_90 = arith.constant 64 : i32
    %add3A_91 = arith.addi %arg1, %add3A_90 : i32
    %lt3A_92 = arith.constant 125 : i32
    %lt3A_93 = arith.cmpi slt, %add3A_91, %lt3A_92 : i32
    %convert_element_type3A_94 = arith.extui %lt3A_93 : i1 to i32
    %cond3A_95 = arith.constant 0 : i32
    %cond3A_96 = arith.cmpi ne, %convert_element_type3A_94, %cond3A_95 : i32
    scf.if %cond3A_96 {
      %mul3A_118 = arith.constant 80 : i32
      %mul3A_119 = arith.muli %add3A_91, %mul3A_118 : i32
      %mul3A_120 = arith.constant 80 : i32
      %mul3A_121 = arith.muli %add3A_91, %mul3A_120 : i32
      "tpu.region"() ({
        %run_scoped3A = tpu.sem_alloc : memref<!tpu.dma_semaphore, #tpu.memory_space<semaphore_mem>>
        %dma_start3A = arith.constant 0 : i32
        %dma_start3A_122 = tpu.memref_slice %arg7[%arg0, %mul3A_121, %dma_start3A] : memref<2x10000x128xf32, #tpu.memory_space<hbm>> -> memref<1x80x128xf32, #tpu.memory_space<hbm>>
        %dma_start3A_123 = tpu.memref_squeeze %dma_start3A_122 : memref<1x80x128xf32, #tpu.memory_space<hbm>> -> memref<80x128xf32, #tpu.memory_space<hbm>>
        %dma_start3A_124 = arith.constant 0 : i32
        %dma_start3A_125 = tpu.memref_slice %arg12[%mul3A_119, %dma_start3A_124] : memref<10000x128xf32, #tpu.memory_space<vmem_shared>> -> memref<80x128xf32, #tpu.memory_space<vmem_shared>>
        tpu.enqueue_dma source(%dma_start3A_125 : memref<80x128xf32, #tpu.memory_space<vmem_shared>>) target(%dma_start3A_123 : memref<80x128xf32, #tpu.memory_space<hbm>>) target_semaphore(%run_scoped3A : memref<!tpu.dma_semaphore, #tpu.memory_space<semaphore_mem>>)
        %dma_wait3A = arith.constant 0 : i32
        %dma_wait3A_126 = tpu.memref_slice %arg7[%arg0, %mul3A_121, %dma_wait3A] : memref<2x10000x128xf32, #tpu.memory_space<hbm>> -> memref<1x80x128xf32, #tpu.memory_space<hbm>>
        %dma_wait3A_127 = tpu.memref_squeeze %dma_wait3A_126 : memref<1x80x128xf32, #tpu.memory_space<hbm>> -> memref<80x128xf32, #tpu.memory_space<hbm>>
        %dma_wait3A_128 = arith.constant 0 : i32
        %dma_wait3A_129 = tpu.memref_slice %arg12[%mul3A_119, %dma_wait3A_128] : memref<10000x128xf32, #tpu.memory_space<vmem_shared>> -> memref<80x128xf32, #tpu.memory_space<vmem_shared>>
        tpu.wait_dma2 semaphore(%run_scoped3A : memref<!tpu.dma_semaphore, #tpu.memory_space<semaphore_mem>>) src(%dma_wait3A_129 : memref<80x128xf32, #tpu.memory_space<vmem_shared>>) dst(%dma_wait3A_127 : memref<80x128xf32, #tpu.memory_space<hbm>>)
        tpu.yield
      }) : () -> ()
    } else {
    }
    %add3A_97 = arith.constant 80 : i32
    %add3A_98 = arith.addi %arg1, %add3A_97 : i32
    %lt3A_99 = arith.constant 125 : i32
    %lt3A_100 = arith.cmpi slt, %add3A_98, %lt3A_99 : i32
    %convert_element_type3A_101 = arith.extui %lt3A_100 : i1 to i32
    %cond3A_102 = arith.constant 0 : i32
    %cond3A_103 = arith.cmpi ne, %convert_element_type3A_101, %cond3A_102 : i32
    scf.if %cond3A_103 {
      %mul3A_118 = arith.constant 80 : i32
      %mul3A_119 = arith.muli %add3A_98, %mul3A_118 : i32
      %mul3A_120 = arith.constant 80 : i32
      %mul3A_121 = arith.muli %add3A_98, %mul3A_120 : i32
      "tpu.region"() ({
        %run_scoped3A = tpu.sem_alloc : memref<!tpu.dma_semaphore, #tpu.memory_space<semaphore_mem>>
        %dma_start3A = arith.constant 0 : i32
        %dma_start3A_122 = tpu.memref_slice %arg7[%arg0, %mul3A_121, %dma_start3A] : memref<2x10000x128xf32, #tpu.memory_space<hbm>> -> memref<1x80x128xf32, #tpu.memory_space<hbm>>
        %dma_start3A_123 = tpu.memref_squeeze %dma_start3A_122 : memref<1x80x128xf32, #tpu.memory_space<hbm>> -> memref<80x128xf32, #tpu.memory_space<hbm>>
        %dma_start3A_124 = arith.constant 0 : i32
        %dma_start3A_125 = tpu.memref_slice %arg12[%mul3A_119, %dma_start3A_124] : memref<10000x128xf32, #tpu.memory_space<vmem_shared>> -> memref<80x128xf32, #tpu.memory_space<vmem_shared>>
        tpu.enqueue_dma source(%dma_start3A_125 : memref<80x128xf32, #tpu.memory_space<vmem_shared>>) target(%dma_start3A_123 : memref<80x128xf32, #tpu.memory_space<hbm>>) target_semaphore(%run_scoped3A : memref<!tpu.dma_semaphore, #tpu.memory_space<semaphore_mem>>)
        %dma_wait3A = arith.constant 0 : i32
        %dma_wait3A_126 = tpu.memref_slice %arg7[%arg0, %mul3A_121, %dma_wait3A] : memref<2x10000x128xf32, #tpu.memory_space<hbm>> -> memref<1x80x128xf32, #tpu.memory_space<hbm>>
        %dma_wait3A_127 = tpu.memref_squeeze %dma_wait3A_126 : memref<1x80x128xf32, #tpu.memory_space<hbm>> -> memref<80x128xf32, #tpu.memory_space<hbm>>
        %dma_wait3A_128 = arith.constant 0 : i32
        %dma_wait3A_129 = tpu.memref_slice %arg12[%mul3A_119, %dma_wait3A_128] : memref<10000x128xf32, #tpu.memory_space<vmem_shared>> -> memref<80x128xf32, #tpu.memory_space<vmem_shared>>
        tpu.wait_dma2 semaphore(%run_scoped3A : memref<!tpu.dma_semaphore, #tpu.memory_space<semaphore_mem>>) src(%dma_wait3A_129 : memref<80x128xf32, #tpu.memory_space<vmem_shared>>) dst(%dma_wait3A_127 : memref<80x128xf32, #tpu.memory_space<hbm>>)
        tpu.yield
      }) : () -> ()
    } else {
    }
    %add3A_104 = arith.constant 96 : i32
    %add3A_105 = arith.addi %arg1, %add3A_104 : i32
    %lt3A_106 = arith.constant 125 : i32
    %lt3A_107 = arith.cmpi slt, %add3A_105, %lt3A_106 : i32
    %convert_element_type3A_108 = arith.extui %lt3A_107 : i1 to i32
    %cond3A_109 = arith.constant 0 : i32
    %cond3A_110 = arith.cmpi ne, %convert_element_type3A_108, %cond3A_109 : i32
    scf.if %cond3A_110 {
      %mul3A_118 = arith.constant 80 : i32
      %mul3A_119 = arith.muli %add3A_105, %mul3A_118 : i32
      %mul3A_120 = arith.constant 80 : i32
      %mul3A_121 = arith.muli %add3A_105, %mul3A_120 : i32
      "tpu.region"() ({
        %run_scoped3A = tpu.sem_alloc : memref<!tpu.dma_semaphore, #tpu.memory_space<semaphore_mem>>
        %dma_start3A = arith.constant 0 : i32
        %dma_start3A_122 = tpu.memref_slice %arg7[%arg0, %mul3A_121, %dma_start3A] : memref<2x10000x128xf32, #tpu.memory_space<hbm>> -> memref<1x80x128xf32, #tpu.memory_space<hbm>>
        %dma_start3A_123 = tpu.memref_squeeze %dma_start3A_122 : memref<1x80x128xf32, #tpu.memory_space<hbm>> -> memref<80x128xf32, #tpu.memory_space<hbm>>
        %dma_start3A_124 = arith.constant 0 : i32
        %dma_start3A_125 = tpu.memref_slice %arg12[%mul3A_119, %dma_start3A_124] : memref<10000x128xf32, #tpu.memory_space<vmem_shared>> -> memref<80x128xf32, #tpu.memory_space<vmem_shared>>
        tpu.enqueue_dma source(%dma_start3A_125 : memref<80x128xf32, #tpu.memory_space<vmem_shared>>) target(%dma_start3A_123 : memref<80x128xf32, #tpu.memory_space<hbm>>) target_semaphore(%run_scoped3A : memref<!tpu.dma_semaphore, #tpu.memory_space<semaphore_mem>>)
        %dma_wait3A = arith.constant 0 : i32
        %dma_wait3A_126 = tpu.memref_slice %arg7[%arg0, %mul3A_121, %dma_wait3A] : memref<2x10000x128xf32, #tpu.memory_space<hbm>> -> memref<1x80x128xf32, #tpu.memory_space<hbm>>
        %dma_wait3A_127 = tpu.memref_squeeze %dma_wait3A_126 : memref<1x80x128xf32, #tpu.memory_space<hbm>> -> memref<80x128xf32, #tpu.memory_space<hbm>>
        %dma_wait3A_128 = arith.constant 0 : i32
        %dma_wait3A_129 = tpu.memref_slice %arg12[%mul3A_119, %dma_wait3A_128] : memref<10000x128xf32, #tpu.memory_space<vmem_shared>> -> memref<80x128xf32, #tpu.memory_space<vmem_shared>>
        tpu.wait_dma2 semaphore(%run_scoped3A : memref<!tpu.dma_semaphore, #tpu.memory_space<semaphore_mem>>) src(%dma_wait3A_129 : memref<80x128xf32, #tpu.memory_space<vmem_shared>>) dst(%dma_wait3A_127 : memref<80x128xf32, #tpu.memory_space<hbm>>)
        tpu.yield
      }) : () -> ()
    } else {
    }
    %add3A_111 = arith.constant 112 : i32
    %add3A_112 = arith.addi %arg1, %add3A_111 : i32
    %lt3A_113 = arith.constant 125 : i32
    %lt3A_114 = arith.cmpi slt, %add3A_112, %lt3A_113 : i32
    %convert_element_type3A_115 = arith.extui %lt3A_114 : i1 to i32
    %cond3A_116 = arith.constant 0 : i32
    %cond3A_117 = arith.cmpi ne, %convert_element_type3A_115, %cond3A_116 : i32
    scf.if %cond3A_117 {
      %mul3A_118 = arith.constant 80 : i32
      %mul3A_119 = arith.muli %add3A_112, %mul3A_118 : i32
      %mul3A_120 = arith.constant 80 : i32
      %mul3A_121 = arith.muli %add3A_112, %mul3A_120 : i32
      "tpu.region"() ({
        %run_scoped3A = tpu.sem_alloc : memref<!tpu.dma_semaphore, #tpu.memory_space<semaphore_mem>>
        %dma_start3A = arith.constant 0 : i32
        %dma_start3A_122 = tpu.memref_slice %arg7[%arg0, %mul3A_121, %dma_start3A] : memref<2x10000x128xf32, #tpu.memory_space<hbm>> -> memref<1x80x128xf32, #tpu.memory_space<hbm>>
        %dma_start3A_123 = tpu.memref_squeeze %dma_start3A_122 : memref<1x80x128xf32, #tpu.memory_space<hbm>> -> memref<80x128xf32, #tpu.memory_space<hbm>>
        %dma_start3A_124 = arith.constant 0 : i32
        %dma_start3A_125 = tpu.memref_slice %arg12[%mul3A_119, %dma_start3A_124] : memref<10000x128xf32, #tpu.memory_space<vmem_shared>> -> memref<80x128xf32, #tpu.memory_space<vmem_shared>>
        tpu.enqueue_dma source(%dma_start3A_125 : memref<80x128xf32, #tpu.memory_space<vmem_shared>>) target(%dma_start3A_123 : memref<80x128xf32, #tpu.memory_space<hbm>>) target_semaphore(%run_scoped3A : memref<!tpu.dma_semaphore, #tpu.memory_space<semaphore_mem>>)
        %dma_wait3A = arith.constant 0 : i32
        %dma_wait3A_126 = tpu.memref_slice %arg7[%arg0, %mul3A_121, %dma_wait3A] : memref<2x10000x128xf32, #tpu.memory_space<hbm>> -> memref<1x80x128xf32, #tpu.memory_space<hbm>>
        %dma_wait3A_127 = tpu.memref_squeeze %dma_wait3A_126 : memref<1x80x128xf32, #tpu.memory_space<hbm>> -> memref<80x128xf32, #tpu.memory_space<hbm>>
        %dma_wait3A_128 = arith.constant 0 : i32
        %dma_wait3A_129 = tpu.memref_slice %arg12[%mul3A_119, %dma_wait3A_128] : memref<10000x128xf32, #tpu.memory_space<vmem_shared>> -> memref<80x128xf32, #tpu.memory_space<vmem_shared>>
        tpu.wait_dma2 semaphore(%run_scoped3A : memref<!tpu.dma_semaphore, #tpu.memory_space<semaphore_mem>>) src(%dma_wait3A_129 : memref<80x128xf32, #tpu.memory_space<vmem_shared>>) dst(%dma_wait3A_127 : memref<80x128xf32, #tpu.memory_space<hbm>>)
        tpu.yield
      }) : () -> ()
    } else {
    }
    return
  }
}

module attributes {stable_mosaic.version = 14 : i64} {
  func.func @_transform_body(%arg0: i32, %arg1: memref<1000x128xf32, #tpu.memory_space<vmem>>, %arg2: memref<1000x128xf32, #tpu.memory_space<vmem>>, %arg3: memref<128x64xf32, #tpu.memory_space<vmem>>, %arg4: memref<1x64xf32, #tpu.memory_space<vmem>>, %arg5: memref<128x64xf32, #tpu.memory_space<vmem>>, %arg6: memref<1x64xf32, #tpu.memory_space<vmem>>, %arg7: memref<1000x64xf32, #tpu.memory_space<vmem>>, %arg8: memref<1000x64xf32, #tpu.memory_space<vmem>>) attributes {dimension_semantics = [#tpu.dimension_semantics<arbitrary>], iteration_bounds = array<i64: 10>, scalar_prefetch = 0 : i64, scratch_operands = 0 : i64, tpu.core_type = #tpu.core_type<tc>, window_params = [{transform_indices = @transform_0, window_bounds = array<i64: 1000, 128>}, {transform_indices = @transform_1, window_bounds = array<i64: 1000, 128>}, {pipeline_mode = #tpu.pipeline_mode<synchronous>, transform_indices = @transform_2, window_bounds = array<i64: 128, 64>}, {pipeline_mode = #tpu.pipeline_mode<synchronous>, transform_indices = @transform_3, window_bounds = array<i64: 1, 64>}, {pipeline_mode = #tpu.pipeline_mode<synchronous>, transform_indices = @transform_4, window_bounds = array<i64: 128, 64>}, {pipeline_mode = #tpu.pipeline_mode<synchronous>, transform_indices = @transform_5, window_bounds = array<i64: 1, 64>}, {transform_indices = @transform_6, window_bounds = array<i64: 1000, 64>}, {transform_indices = @transform_7, window_bounds = array<i64: 1000, 64>}]} {
    %get3A = arith.constant 0 : index
    %get3A_0 = arith.constant 0 : index
    %get3A_1 = vector.load %arg1[%get3A, %get3A_0] : memref<1000x128xf32, #tpu.memory_space<vmem>>, vector<1000x128xf32>
    %get3A_2 = arith.constant 0 : index
    %get3A_3 = arith.constant 0 : index
    %get3A_4 = vector.load %arg2[%get3A_2, %get3A_3] : memref<1000x128xf32, #tpu.memory_space<vmem>>, vector<1000x128xf32>
    %get3A_5 = arith.constant 0 : index
    %get3A_6 = arith.constant 0 : index
    %get3A_7 = vector.load %arg3[%get3A_5, %get3A_6] : memref<128x64xf32, #tpu.memory_space<vmem>>, vector<128x64xf32>
    %dot_general3A = arith.constant dense<0.000000e+00> : vector<1000x64xf32>
    %dot_general3A_8 = tpu.matmul %get3A_1, %get3A_7, %dot_general3A {dimension_numbers = #tpu.dot_dimension_numbers<[1], [0], [0], [1], [0, 0, 1, 1], [], []>, transpose_lhs_hint = false} : vector<1000x128xf32>, vector<128x64xf32>, vector<1000x64xf32> -> vector<1000x64xf32>
    %get3A_9 = arith.constant 0 : index
    %get3A_10 = arith.constant 0 : index
    %get3A_11 = vector.load %arg4[%get3A_9, %get3A_10] : memref<1x64xf32, #tpu.memory_space<vmem>>, vector<1x64xf32>
    %add3A = vector.broadcast %get3A_11 : vector<1x64xf32> to vector<1000x64xf32>
    %add3A_12 = arith.addf %dot_general3A_8, %add3A : vector<1000x64xf32>
    %swap3A = arith.constant 0 : index
    %swap3A_13 = arith.constant 0 : index
    %swap3A_14 = vector.load %arg7[%swap3A, %swap3A_13] : memref<1000x64xf32, #tpu.memory_space<vmem>>, vector<1000x64xf32>
    tpu.vector_store %arg7[%swap3A, %swap3A_13], %add3A_12 {strides = array<i32>} : memref<1000x64xf32, #tpu.memory_space<vmem>>, vector<1000x64xf32>,
    %get3A_15 = arith.constant 0 : index
    %get3A_16 = arith.constant 0 : index
    %get3A_17 = vector.load %arg5[%get3A_15, %get3A_16] : memref<128x64xf32, #tpu.memory_space<vmem>>, vector<128x64xf32>
    %dot_general3A_18 = arith.constant dense<0.000000e+00> : vector<1000x64xf32>
    %dot_general3A_19 = tpu.matmul %get3A_4, %get3A_17, %dot_general3A_18 {dimension_numbers = #tpu.dot_dimension_numbers<[1], [0], [0], [1], [0, 0, 1, 1], [], []>, transpose_lhs_hint = false} : vector<1000x128xf32>, vector<128x64xf32>, vector<1000x64xf32> -> vector<1000x64xf32>
    %get3A_20 = arith.constant 0 : index
    %get3A_21 = arith.constant 0 : index
    %get3A_22 = vector.load %arg6[%get3A_20, %get3A_21] : memref<1x64xf32, #tpu.memory_space<vmem>>, vector<1x64xf32>
    %add3A_23 = vector.broadcast %get3A_22 : vector<1x64xf32> to vector<1000x64xf32>
    %add3A_24 = arith.addf %dot_general3A_19, %add3A_23 : vector<1000x64xf32>
    %swap3A_25 = arith.constant 0 : index
    %swap3A_26 = arith.constant 0 : index
    %swap3A_27 = vector.load %arg8[%swap3A_25, %swap3A_26] : memref<1000x64xf32, #tpu.memory_space<vmem>>, vector<1000x64xf32>
    tpu.vector_store %arg8[%swap3A_25, %swap3A_26], %add3A_24 {strides = array<i32>} : memref<1000x64xf32, #tpu.memory_space<vmem>>, vector<1000x64xf32>,
    return
  }
  func.func @transform_0(%arg0: i32) -> (i32, i32) {
    %c0_i32 = arith.constant 0 : i32
    %c0_i32_0 = arith.constant 0 : i32
    return %arg0, %c0_i32 : i32, i32
  }
  func.func @transform_1(%arg0: i32) -> (i32, i32) {
    %c0_i32 = arith.constant 0 : i32
    %c0_i32_0 = arith.constant 0 : i32
    return %arg0, %c0_i32 : i32, i32
  }
  func.func @transform_2(%arg0: i32) -> (i32, i32) {
    %c0_i32 = arith.constant 0 : i32
    %c0_i32_0 = arith.constant 0 : i32
    %c0_i32_1 = arith.constant 0 : i32
    return %c0_i32, %c0_i32_0 : i32, i32
  }
  func.func @transform_3(%arg0: i32) -> (i32, i32) {
    %c0_i32 = arith.constant 0 : i32
    %c0_i32_0 = arith.constant 0 : i32
    %c0_i32_1 = arith.constant 0 : i32
    return %c0_i32, %c0_i32_0 : i32, i32
  }
  func.func @transform_4(%arg0: i32) -> (i32, i32) {
    %c0_i32 = arith.constant 0 : i32
    %c0_i32_0 = arith.constant 0 : i32
    %c0_i32_1 = arith.constant 0 : i32
    return %c0_i32, %c0_i32_0 : i32, i32
  }
  func.func @transform_5(%arg0: i32) -> (i32, i32) {
    %c0_i32 = arith.constant 0 : i32
    %c0_i32_0 = arith.constant 0 : i32
    %c0_i32_1 = arith.constant 0 : i32
    return %c0_i32, %c0_i32_0 : i32, i32
  }
  func.func @transform_6(%arg0: i32) -> (i32, i32) {
    %c0_i32 = arith.constant 0 : i32
    %c0_i32_0 = arith.constant 0 : i32
    return %arg0, %c0_i32 : i32, i32
  }
  func.func @transform_7(%arg0: i32) -> (i32, i32) {
    %c0_i32 = arith.constant 0 : i32
    %c0_i32_0 = arith.constant 0 : i32
    return %arg0, %c0_i32 : i32, i32
  }
}

module attributes {stable_mosaic.version = 14 : i64} {
  func.func @_topk_bilinear_body(%arg0: i32, %arg1: memref<64x9216xf32, #tpu.memory_space<vmem>>, %arg2: memref<9216x64xf32, #tpu.memory_space<vmem>>, %arg3: memref<64x64xf32, #tpu.memory_space<vmem>>, %arg4: memref<4096x64xf32, #tpu.memory_space<vmem>>, %arg5: memref<1x64xf32, #tpu.memory_space<vmem>>, %arg6: memref<64x64xf32, #tpu.memory_space<vmem>>, %arg7: memref<64x64xf32, #tpu.memory_space<vmem>>, %arg8: memref<1x64xf32, #tpu.memory_space<vmem>>, %arg9: memref<64x64xf32, #tpu.memory_space<vmem>>) attributes {dimension_semantics = [#tpu.dimension_semantics<arbitrary>], iteration_bounds = array<i64: 14>, scalar_prefetch = 0 : i64, scratch_operands = 0 : i64, tpu.core_type = #tpu.core_type<tc>, window_params = [{transform_indices = @transform_0, window_bounds = array<i64: 64, 9216>}, {pipeline_mode = #tpu.pipeline_mode<synchronous>, transform_indices = @transform_1, window_bounds = array<i64: 9216, 64>}, {transform_indices = @transform_2, window_bounds = array<i64: 64, 64>}, {pipeline_mode = #tpu.pipeline_mode<synchronous>, transform_indices = @transform_3, window_bounds = array<i64: 4096, 64>}, {pipeline_mode = #tpu.pipeline_mode<synchronous>, transform_indices = @transform_4, window_bounds = array<i64: 1, 64>}, {transform_indices = @transform_5, window_bounds = array<i64: 64, 64>}, {transform_indices = @transform_6, window_bounds = array<i64: 64, 64>}, {pipeline_mode = #tpu.pipeline_mode<synchronous>, transform_indices = @transform_7, window_bounds = array<i64: 1, 64>}, {transform_indices = @transform_8, window_bounds = array<i64: 64, 64>}]} {
    %get3A = arith.constant 0 : index
    %get3A_0 = arith.constant 0 : index
    %get3A_1 = vector.load %arg1[%get3A, %get3A_0] : memref<64x9216xf32, #tpu.memory_space<vmem>>, vector<64x9216xf32>
    %iota3A = tpu.iota {dimensions = array<i32: 1>} : vector<64x9216xi32>
    %lt3A = arith.constant 9216 : i32
    %lt3A_2 = vector.broadcast %lt3A : i32 to vector<64x9216xi32>
    %lt3A_3 = arith.cmpi slt, %iota3A, %lt3A_2 : vector<64x9216xi32>
    %jit3A = arith.constant -1.000000e+30 : f32
    %broadcast_in_dim3A = vector.broadcast %jit3A : f32 to vector<64x9216xf32>
    %select_n3A = arith.select %lt3A_3, %get3A_1, %broadcast_in_dim3A : vector<64x9216xi1>, vector<64x9216xf32>
    %broadcast_in_dim3A_4 = arith.constant 0.000000e+00 : f32
    %broadcast_in_dim3A_5 = vector.broadcast %broadcast_in_dim3A_4 : f32 to vector<64x9216xf32>
    %broadcast_in_dim3A_6 = arith.constant 0.000000e+00 : f32
    %broadcast_in_dim3A_7 = vector.broadcast %broadcast_in_dim3A_6 : f32 to vector<64x1xf32>
    %reduce_max3A = arith.constant dense<0xFF800000> : vector<64xf32>
    %reduce_max3A_8 = vector.multi_reduction <maximumf>, %select_n3A, %reduce_max3A [1] : vector<64x9216xf32> to vector<64xf32>
    %broadcast_in_dim3A_9 = vector.shape_cast %reduce_max3A_8 : vector<64xf32> to vector<64x1xf32>
    %eq3A = vector.broadcast %broadcast_in_dim3A_9 : vector<64x1xf32> to vector<64x9216xf32>
    %eq3A_10 = arith.cmpf oeq, %select_n3A, %eq3A : vector<64x9216xf32>
    %jit3A_11 = arith.constant 1073741824 : i32
    %broadcast_in_dim3A_12 = vector.broadcast %jit3A_11 : i32 to vector<64x9216xi32>
    %select_n3A_13 = arith.select %eq3A_10, %iota3A, %broadcast_in_dim3A_12 : vector<64x9216xi1>, vector<64x9216xi32>
    %reduce_min3A = arith.constant dense<2147483647> : vector<64xi32>
    %reduce_min3A_14 = vector.multi_reduction <minsi>, %select_n3A_13, %reduce_min3A [1] : vector<64x9216xi32> to vector<64xi32>
    %broadcast_in_dim3A_15 = vector.shape_cast %reduce_min3A_14 : vector<64xi32> to vector<64x1xi32>
    %eq3A_16 = vector.broadcast %broadcast_in_dim3A_15 : vector<64x1xi32> to vector<64x9216xi32>
    %eq3A_17 = arith.cmpi eq, %iota3A, %eq3A_16 : vector<64x9216xi32>
    %gt3A = arith.constant 0.000000e+00 : f32
    %gt3A_18 = vector.broadcast %gt3A : f32 to vector<64x1xf32>
    %gt3A_19 = arith.cmpf ogt, %broadcast_in_dim3A_9, %gt3A_18 : vector<64x1xf32>
    %and3A = vector.broadcast %gt3A_19 : vector<64x1xi1> to vector<64x9216xi1>
    %and3A_20 = arith.andi %eq3A_17, %and3A : vector<64x9216xi1>
    %jit3A_21 = arith.constant 1.000000e+00 : f32
    %jit3A_22 = arith.constant 0.000000e+00 : f32
    %broadcast_in_dim3A_23 = vector.broadcast %jit3A_21 : f32 to vector<64x9216xf32>
    %broadcast_in_dim3A_24 = vector.broadcast %jit3A_22 : f32 to vector<64x9216xf32>
    %select_n3A_25 = arith.select %and3A_20, %broadcast_in_dim3A_23, %broadcast_in_dim3A_24 : vector<64x9216xi1>, vector<64x9216xf32>
    %add3A = arith.addf %broadcast_in_dim3A_5, %select_n3A_25 : vector<64x9216xf32>
    %jit3A_26 = arith.constant 1.000000e+00 : f32
    %jit3A_27 = arith.constant 0.000000e+00 : f32
    %broadcast_in_dim3A_28 = vector.broadcast %jit3A_26 : f32 to vector<64x1xf32>
    %broadcast_in_dim3A_29 = vector.broadcast %jit3A_27 : f32 to vector<64x1xf32>
    %select_n3A_30 = arith.select %gt3A_19, %broadcast_in_dim3A_28, %broadcast_in_dim3A_29 : vector<64x1xi1>, vector<64x1xf32>
    %add3A_31 = arith.addf %broadcast_in_dim3A_7, %select_n3A_30 : vector<64x1xf32>
    %jit3A_32 = arith.constant -1.000000e+30 : f32
    %broadcast_in_dim3A_33 = vector.broadcast %jit3A_32 : f32 to vector<64x9216xf32>
    %select_n3A_34 = arith.select %eq3A_17, %broadcast_in_dim3A_33, %select_n3A : vector<64x9216xi1>, vector<64x9216xf32>
    %reduce_max3A_35 = arith.constant dense<0xFF800000> : vector<64xf32>
    %reduce_max3A_36 = vector.multi_reduction <maximumf>, %select_n3A_34, %reduce_max3A_35 [1] : vector<64x9216xf32> to vector<64xf32>
    %broadcast_in_dim3A_37 = vector.shape_cast %reduce_max3A_36 : vector<64xf32> to vector<64x1xf32>
    %eq3A_38 = vector.broadcast %broadcast_in_dim3A_37 : vector<64x1xf32> to vector<64x9216xf32>
    %eq3A_39 = arith.cmpf oeq, %select_n3A_34, %eq3A_38 : vector<64x9216xf32>
    %jit3A_40 = arith.constant 1073741824 : i32
    %broadcast_in_dim3A_41 = vector.broadcast %jit3A_40 : i32 to vector<64x9216xi32>
    %select_n3A_42 = arith.select %eq3A_39, %iota3A, %broadcast_in_dim3A_41 : vector<64x9216xi1>, vector<64x9216xi32>
    %reduce_min3A_43 = arith.constant dense<2147483647> : vector<64xi32>
    %reduce_min3A_44 = vector.multi_reduction <minsi>, %select_n3A_42, %reduce_min3A_43 [1] : vector<64x9216xi32> to vector<64xi32>
    %broadcast_in_dim3A_45 = vector.shape_cast %reduce_min3A_44 : vector<64xi32> to vector<64x1xi32>
    %eq3A_46 = vector.broadcast %broadcast_in_dim3A_45 : vector<64x1xi32> to vector<64x9216xi32>
    %eq3A_47 = arith.cmpi eq, %iota3A, %eq3A_46 : vector<64x9216xi32>
    %gt3A_48 = arith.constant 0.000000e+00 : f32
    %gt3A_49 = vector.broadcast %gt3A_48 : f32 to vector<64x1xf32>
    %gt3A_50 = arith.cmpf ogt, %broadcast_in_dim3A_37, %gt3A_49 : vector<64x1xf32>
    %and3A_51 = vector.broadcast %gt3A_50 : vector<64x1xi1> to vector<64x9216xi1>
    %and3A_52 = arith.andi %eq3A_47, %and3A_51 : vector<64x9216xi1>
    %jit3A_53 = arith.constant 1.000000e+00 : f32
    %jit3A_54 = arith.constant 0.000000e+00 : f32
    %broadcast_in_dim3A_55 = vector.broadcast %jit3A_53 : f32 to vector<64x9216xf32>
    %broadcast_in_dim3A_56 = vector.broadcast %jit3A_54 : f32 to vector<64x9216xf32>
    %select_n3A_57 = arith.select %and3A_52, %broadcast_in_dim3A_55, %broadcast_in_dim3A_56 : vector<64x9216xi1>, vector<64x9216xf32>
    %add3A_58 = arith.addf %add3A, %select_n3A_57 : vector<64x9216xf32>
    %jit3A_59 = arith.constant 1.000000e+00 : f32
    %jit3A_60 = arith.constant 0.000000e+00 : f32
    %broadcast_in_dim3A_61 = vector.broadcast %jit3A_59 : f32 to vector<64x1xf32>
    %broadcast_in_dim3A_62 = vector.broadcast %jit3A_60 : f32 to vector<64x1xf32>
    %select_n3A_63 = arith.select %gt3A_50, %broadcast_in_dim3A_61, %broadcast_in_dim3A_62 : vector<64x1xi1>, vector<64x1xf32>
    %add3A_64 = arith.addf %add3A_31, %select_n3A_63 : vector<64x1xf32>
    %jit3A_65 = arith.constant -1.000000e+30 : f32
    %broadcast_in_dim3A_66 = vector.broadcast %jit3A_65 : f32 to vector<64x9216xf32>
    %select_n3A_67 = arith.select %eq3A_47, %broadcast_in_dim3A_66, %select_n3A_34 : vector<64x9216xi1>, vector<64x9216xf32>
    %reduce_max3A_68 = arith.constant dense<0xFF800000> : vector<64xf32>
    %reduce_max3A_69 = vector.multi_reduction <maximumf>, %select_n3A_67, %reduce_max3A_68 [1] : vector<64x9216xf32> to vector<64xf32>
    %broadcast_in_dim3A_70 = vector.shape_cast %reduce_max3A_69 : vector<64xf32> to vector<64x1xf32>
    %eq3A_71 = vector.broadcast %broadcast_in_dim3A_70 : vector<64x1xf32> to vector<64x9216xf32>
    %eq3A_72 = arith.cmpf oeq, %select_n3A_67, %eq3A_71 : vector<64x9216xf32>
    %jit3A_73 = arith.constant 1073741824 : i32
    %broadcast_in_dim3A_74 = vector.broadcast %jit3A_73 : i32 to vector<64x9216xi32>
    %select_n3A_75 = arith.select %eq3A_72, %iota3A, %broadcast_in_dim3A_74 : vector<64x9216xi1>, vector<64x9216xi32>
    %reduce_min3A_76 = arith.constant dense<2147483647> : vector<64xi32>
    %reduce_min3A_77 = vector.multi_reduction <minsi>, %select_n3A_75, %reduce_min3A_76 [1] : vector<64x9216xi32> to vector<64xi32>
    %broadcast_in_dim3A_78 = vector.shape_cast %reduce_min3A_77 : vector<64xi32> to vector<64x1xi32>
    %eq3A_79 = vector.broadcast %broadcast_in_dim3A_78 : vector<64x1xi32> to vector<64x9216xi32>
    %eq3A_80 = arith.cmpi eq, %iota3A, %eq3A_79 : vector<64x9216xi32>
    %gt3A_81 = arith.constant 0.000000e+00 : f32
    %gt3A_82 = vector.broadcast %gt3A_81 : f32 to vector<64x1xf32>
    %gt3A_83 = arith.cmpf ogt, %broadcast_in_dim3A_70, %gt3A_82 : vector<64x1xf32>
    %and3A_84 = vector.broadcast %gt3A_83 : vector<64x1xi1> to vector<64x9216xi1>
    %and3A_85 = arith.andi %eq3A_80, %and3A_84 : vector<64x9216xi1>
    %jit3A_86 = arith.constant 1.000000e+00 : f32
    %jit3A_87 = arith.constant 0.000000e+00 : f32
    %broadcast_in_dim3A_88 = vector.broadcast %jit3A_86 : f32 to vector<64x9216xf32>
    %broadcast_in_dim3A_89 = vector.broadcast %jit3A_87 : f32 to vector<64x9216xf32>
    %select_n3A_90 = arith.select %and3A_85, %broadcast_in_dim3A_88, %broadcast_in_dim3A_89 : vector<64x9216xi1>, vector<64x9216xf32>
    %add3A_91 = arith.addf %add3A_58, %select_n3A_90 : vector<64x9216xf32>
    %jit3A_92 = arith.constant 1.000000e+00 : f32
    %jit3A_93 = arith.constant 0.000000e+00 : f32
    %broadcast_in_dim3A_94 = vector.broadcast %jit3A_92 : f32 to vector<64x1xf32>
    %broadcast_in_dim3A_95 = vector.broadcast %jit3A_93 : f32 to vector<64x1xf32>
    %select_n3A_96 = arith.select %gt3A_83, %broadcast_in_dim3A_94, %broadcast_in_dim3A_95 : vector<64x1xi1>, vector<64x1xf32>
    %add3A_97 = arith.addf %add3A_64, %select_n3A_96 : vector<64x1xf32>
    %get3A_98 = arith.constant 0 : index
    %get3A_99 = arith.constant 0 : index
    %get3A_100 = vector.load %arg2[%get3A_98, %get3A_99] : memref<9216x64xf32, #tpu.memory_space<vmem>>, vector<9216x64xf32>
    %dot_general3A = arith.constant dense<0.000000e+00> : vector<64x64xf32>
    %dot_general3A_101 = tpu.matmul %add3A_91, %get3A_100, %dot_general3A {dimension_numbers = #tpu.dot_dimension_numbers<[1], [0], [0], [1], [0, 0, 1, 1], [], []>, transpose_lhs_hint = false} : vector<64x9216xf32>, vector<9216x64xf32>, vector<64x64xf32> -> vector<64x64xf32>
    %max3A = arith.constant 1.000000e+00 : f32
    %max3A_102 = vector.broadcast %max3A : f32 to vector<64x1xf32>
    %max3A_103 = arith.maximumf %add3A_97, %max3A_102 : vector<64x1xf32>
    %div3A = vector.broadcast %max3A_103 : vector<64x1xf32> to vector<64x64xf32>
    %div3A_104 = arith.divf %dot_general3A_101, %div3A : vector<64x64xf32>
    %get3A_105 = arith.constant 0 : index
    %get3A_106 = arith.constant 0 : index
    %get3A_107 = vector.load %arg3[%get3A_105, %get3A_106] : memref<64x64xf32, #tpu.memory_space<vmem>>, vector<64x64xf32>
    %broadcast_in_dim3A_108 = vector.shape_cast %get3A_107 : vector<64x64xf32> to vector<64x64x1xf32>
    %broadcast_in_dim3A_109 = vector.shape_cast %div3A_104 : vector<64x64xf32> to vector<64x1x64xf32>
    %mul3A = vector.broadcast %broadcast_in_dim3A_108 : vector<64x64x1xf32> to vector<64x64x64xf32>
    %mul3A_110 = vector.broadcast %broadcast_in_dim3A_109 : vector<64x1x64xf32> to vector<64x64x64xf32>
    %mul3A_111 = arith.mulf %mul3A, %mul3A_110 : vector<64x64x64xf32>
    %reshape3A = vector.shape_cast %mul3A_111 : vector<64x64x64xf32> to vector<64x4096xf32>
    %get3A_112 = arith.constant 0 : index
    %get3A_113 = arith.constant 0 : index
    %get3A_114 = vector.load %arg4[%get3A_112, %get3A_113] : memref<4096x64xf32, #tpu.memory_space<vmem>>, vector<4096x64xf32>
    %dot_general3A_115 = arith.constant dense<0.000000e+00> : vector<64x64xf32>
    %dot_general3A_116 = tpu.matmul %reshape3A, %get3A_114, %dot_general3A_115 {dimension_numbers = #tpu.dot_dimension_numbers<[1], [0], [0], [1], [0, 0, 1, 1], [], []>, transpose_lhs_hint = false} : vector<64x4096xf32>, vector<4096x64xf32>, vector<64x64xf32> -> vector<64x64xf32>
    %get3A_117 = arith.constant 0 : index
    %get3A_118 = arith.constant 0 : index
    %get3A_119 = vector.load %arg5[%get3A_117, %get3A_118] : memref<1x64xf32, #tpu.memory_space<vmem>>, vector<1x64xf32>
    %add3A_120 = vector.broadcast %get3A_119 : vector<1x64xf32> to vector<64x64xf32>
    %add3A_121 = arith.addf %dot_general3A_116, %add3A_120 : vector<64x64xf32>
    %gt3A_122 = arith.constant 0.000000e+00 : f32
    %gt3A_123 = vector.broadcast %gt3A_122 : f32 to vector<64x1xf32>
    %gt3A_124 = arith.cmpf ogt, %add3A_97, %gt3A_123 : vector<64x1xf32>
    %jit3A_125 = arith.constant 0.000000e+00 : f32
    %broadcast_in_dim3A_126 = vector.shape_cast %gt3A_124 : vector<64x1xi1> to vector<64x1xi1>
    %broadcast_in_dim3A_127 = vector.broadcast %broadcast_in_dim3A_126 : vector<64x1xi1> to vector<64x64xi1>
    %broadcast_in_dim3A_128 = vector.broadcast %jit3A_125 : f32 to vector<64x64xf32>
    %select_n3A_129 = arith.select %broadcast_in_dim3A_127, %add3A_121, %broadcast_in_dim3A_128 : vector<64x64xi1>, vector<64x64xf32>
    %get3A_130 = arith.constant 0 : index
    %get3A_131 = arith.constant 0 : index
    %get3A_132 = vector.load %arg8[%get3A_130, %get3A_131] : memref<1x64xf32, #tpu.memory_space<vmem>>, vector<1x64xf32>
    %logistic3A = arith.negf %get3A_132 : vector<1x64xf32>
    %logistic3A_133 = math.exp %logistic3A : vector<1x64xf32>
    %logistic3A_134 = arith.constant 1.000000e+00 : f32
    %logistic3A_135 = vector.broadcast %logistic3A_134 : f32 to vector<1x64xf32>
    %logistic3A_136 = arith.addf %logistic3A_135, %logistic3A_133 : vector<1x64xf32>
    %logistic3A_137 = arith.divf %logistic3A_135, %logistic3A_136 : vector<1x64xf32>
    %ge3A = arith.constant 0.000000e+00 : f32
    %ge3A_138 = vector.broadcast %ge3A : f32 to vector<64x64xf32>
    %ge3A_139 = arith.cmpf oge, %select_n3A_129, %ge3A_138 : vector<64x64xf32>
    %mul3A_140 = arith.constant 0.00999999977 : f32
    %mul3A_141 = vector.broadcast %mul3A_140 : f32 to vector<64x64xf32>
    %mul3A_142 = arith.mulf %mul3A_141, %select_n3A_129 : vector<64x64xf32>
    %select_n3A_143 = arith.select %ge3A_139, %select_n3A_129, %mul3A_142 : vector<64x64xi1>, vector<64x64xf32>
    %mul3A_144 = vector.broadcast %logistic3A_137 : vector<1x64xf32> to vector<64x64xf32>
    %mul3A_145 = arith.mulf %mul3A_144, %select_n3A_143 : vector<64x64xf32>
    %sub3A = arith.constant 1.000000e+00 : f32
    %sub3A_146 = vector.broadcast %sub3A : f32 to vector<1x64xf32>
    %sub3A_147 = arith.subf %sub3A_146, %logistic3A_137 : vector<1x64xf32>
    %get3A_148 = arith.constant 0 : index
    %get3A_149 = arith.constant 0 : index
    %get3A_150 = vector.load %arg7[%get3A_148, %get3A_149] : memref<64x64xf32, #tpu.memory_space<vmem>>, vector<64x64xf32>
    %mul3A_151 = vector.broadcast %sub3A_147 : vector<1x64xf32> to vector<64x64xf32>
    %mul3A_152 = arith.mulf %mul3A_151, %get3A_150 : vector<64x64xf32>
    %add3A_153 = arith.addf %mul3A_145, %mul3A_152 : vector<64x64xf32>
    %get3A_154 = arith.constant 0 : index
    %get3A_155 = arith.constant 0 : index
    %get3A_156 = vector.load %arg6[%get3A_154, %get3A_155] : memref<64x64xf32, #tpu.memory_space<vmem>>, vector<64x64xf32>
    %add3A_157 = arith.addf %get3A_156, %add3A_153 : vector<64x64xf32>
    %swap3A = arith.constant 0 : index
    %swap3A_158 = arith.constant 0 : index
    %swap3A_159 = vector.load %arg9[%swap3A, %swap3A_158] : memref<64x64xf32, #tpu.memory_space<vmem>>, vector<64x64xf32>
    tpu.vector_store %arg9[%swap3A, %swap3A_158], %add3A_157 {strides = array<i32>} : memref<64x64xf32, #tpu.memory_space<vmem>>, vector<64x64xf32>,
    return
  }
  func.func @transform_0(%arg0: i32) -> (i32, i32) {
    %c0_i32 = arith.constant 0 : i32
    %c0_i32_0 = arith.constant 0 : i32
    return %arg0, %c0_i32 : i32, i32
  }
  func.func @transform_1(%arg0: i32) -> (i32, i32) {
    %c0_i32 = arith.constant 0 : i32
    %c0_i32_0 = arith.constant 0 : i32
    %c0_i32_1 = arith.constant 0 : i32
    return %c0_i32, %c0_i32_0 : i32, i32
  }
  func.func @transform_2(%arg0: i32) -> (i32, i32) {
    %c0_i32 = arith.constant 0 : i32
    %c0_i32_0 = arith.constant 0 : i32
    return %arg0, %c0_i32 : i32, i32
  }
  func.func @transform_3(%arg0: i32) -> (i32, i32) {
    %c0_i32 = arith.constant 0 : i32
    %c0_i32_0 = arith.constant 0 : i32
    %c0_i32_1 = arith.constant 0 : i32
    return %c0_i32, %c0_i32_0 : i32, i32
  }
  func.func @transform_4(%arg0: i32) -> (i32, i32) {
    %c0_i32 = arith.constant 0 : i32
    %c0_i32_0 = arith.constant 0 : i32
    %c0_i32_1 = arith.constant 0 : i32
    return %c0_i32, %c0_i32_0 : i32, i32
  }
  func.func @transform_5(%arg0: i32) -> (i32, i32) {
    %c0_i32 = arith.constant 0 : i32
    %c0_i32_0 = arith.constant 0 : i32
    return %arg0, %c0_i32 : i32, i32
  }
  func.func @transform_6(%arg0: i32) -> (i32, i32) {
    %c0_i32 = arith.constant 0 : i32
    %c0_i32_0 = arith.constant 0 : i32
    return %arg0, %c0_i32 : i32, i32
  }
  func.func @transform_7(%arg0: i32) -> (i32, i32) {
    %c0_i32 = arith.constant 0 : i32
    %c0_i32_0 = arith.constant 0 : i32
    %c0_i32_1 = arith.constant 0 : i32
    return %c0_i32, %c0_i32_0 : i32, i32
  }
  func.func @transform_8(%arg0: i32) -> (i32, i32) {
    %c0_i32 = arith.constant 0 : i32
    %c0_i32_0 = arith.constant 0 : i32
    return %arg0, %c0_i32 : i32, i32
  }
}

module attributes {stable_mosaic.version = 14 : i64} {
  func.func @_topk_bilinear_body(%arg0: i32, %arg1: memref<128x896xf32, #tpu.memory_space<vmem>>, %arg2: memref<896x64xf32, #tpu.memory_space<vmem>>, %arg3: memref<128x64xf32, #tpu.memory_space<vmem>>, %arg4: memref<4096x64xf32, #tpu.memory_space<vmem>>, %arg5: memref<1x64xf32, #tpu.memory_space<vmem>>, %arg6: memref<128x64xf32, #tpu.memory_space<vmem>>, %arg7: memref<128x64xf32, #tpu.memory_space<vmem>>, %arg8: memref<1x64xf32, #tpu.memory_space<vmem>>, %arg9: memref<128x64xf32, #tpu.memory_space<vmem>>) attributes {dimension_semantics = [#tpu.dimension_semantics<arbitrary>], iteration_bounds = array<i64: 72>, scalar_prefetch = 0 : i64, scratch_operands = 0 : i64, tpu.core_type = #tpu.core_type<tc>, window_params = [{transform_indices = @transform_0, window_bounds = array<i64: 128, 896>}, {pipeline_mode = #tpu.pipeline_mode<synchronous>, transform_indices = @transform_1, window_bounds = array<i64: 896, 64>}, {transform_indices = @transform_2, window_bounds = array<i64: 128, 64>}, {pipeline_mode = #tpu.pipeline_mode<synchronous>, transform_indices = @transform_3, window_bounds = array<i64: 4096, 64>}, {pipeline_mode = #tpu.pipeline_mode<synchronous>, transform_indices = @transform_4, window_bounds = array<i64: 1, 64>}, {transform_indices = @transform_5, window_bounds = array<i64: 128, 64>}, {transform_indices = @transform_6, window_bounds = array<i64: 128, 64>}, {pipeline_mode = #tpu.pipeline_mode<synchronous>, transform_indices = @transform_7, window_bounds = array<i64: 1, 64>}, {transform_indices = @transform_8, window_bounds = array<i64: 128, 64>}]} {
    %get3A = arith.constant 0 : index
    %get3A_0 = arith.constant 0 : index
    %get3A_1 = vector.load %arg1[%get3A, %get3A_0] : memref<128x896xf32, #tpu.memory_space<vmem>>, vector<128x896xf32>
    %iota3A = tpu.iota {dimensions = array<i32: 1>} : vector<128x896xi32>
    %lt3A = arith.constant 896 : i32
    %lt3A_2 = vector.broadcast %lt3A : i32 to vector<128x896xi32>
    %lt3A_3 = arith.cmpi slt, %iota3A, %lt3A_2 : vector<128x896xi32>
    %jit3A = arith.constant -1.000000e+30 : f32
    %broadcast_in_dim3A = vector.broadcast %jit3A : f32 to vector<128x896xf32>
    %select_n3A = arith.select %lt3A_3, %get3A_1, %broadcast_in_dim3A : vector<128x896xi1>, vector<128x896xf32>
    %broadcast_in_dim3A_4 = arith.constant 0.000000e+00 : f32
    %broadcast_in_dim3A_5 = vector.broadcast %broadcast_in_dim3A_4 : f32 to vector<128x896xf32>
    %broadcast_in_dim3A_6 = arith.constant 0.000000e+00 : f32
    %broadcast_in_dim3A_7 = vector.broadcast %broadcast_in_dim3A_6 : f32 to vector<128x1xf32>
    %reduce_max3A = arith.constant dense<0xFF800000> : vector<128xf32>
    %reduce_max3A_8 = vector.multi_reduction <maximumf>, %select_n3A, %reduce_max3A [1] : vector<128x896xf32> to vector<128xf32>
    %broadcast_in_dim3A_9 = vector.shape_cast %reduce_max3A_8 : vector<128xf32> to vector<128x1xf32>
    %eq3A = vector.broadcast %broadcast_in_dim3A_9 : vector<128x1xf32> to vector<128x896xf32>
    %eq3A_10 = arith.cmpf oeq, %select_n3A, %eq3A : vector<128x896xf32>
    %jit3A_11 = arith.constant 1073741824 : i32
    %broadcast_in_dim3A_12 = vector.broadcast %jit3A_11 : i32 to vector<128x896xi32>
    %select_n3A_13 = arith.select %eq3A_10, %iota3A, %broadcast_in_dim3A_12 : vector<128x896xi1>, vector<128x896xi32>
    %reduce_min3A = arith.constant dense<2147483647> : vector<128xi32>
    %reduce_min3A_14 = vector.multi_reduction <minsi>, %select_n3A_13, %reduce_min3A [1] : vector<128x896xi32> to vector<128xi32>
    %broadcast_in_dim3A_15 = vector.shape_cast %reduce_min3A_14 : vector<128xi32> to vector<128x1xi32>
    %eq3A_16 = vector.broadcast %broadcast_in_dim3A_15 : vector<128x1xi32> to vector<128x896xi32>
    %eq3A_17 = arith.cmpi eq, %iota3A, %eq3A_16 : vector<128x896xi32>
    %gt3A = arith.constant 0.000000e+00 : f32
    %gt3A_18 = vector.broadcast %gt3A : f32 to vector<128x1xf32>
    %gt3A_19 = arith.cmpf ogt, %broadcast_in_dim3A_9, %gt3A_18 : vector<128x1xf32>
    %and3A = vector.broadcast %gt3A_19 : vector<128x1xi1> to vector<128x896xi1>
    %and3A_20 = arith.andi %eq3A_17, %and3A : vector<128x896xi1>
    %jit3A_21 = arith.constant 1.000000e+00 : f32
    %jit3A_22 = arith.constant 0.000000e+00 : f32
    %broadcast_in_dim3A_23 = vector.broadcast %jit3A_21 : f32 to vector<128x896xf32>
    %broadcast_in_dim3A_24 = vector.broadcast %jit3A_22 : f32 to vector<128x896xf32>
    %select_n3A_25 = arith.select %and3A_20, %broadcast_in_dim3A_23, %broadcast_in_dim3A_24 : vector<128x896xi1>, vector<128x896xf32>
    %add3A = arith.addf %broadcast_in_dim3A_5, %select_n3A_25 : vector<128x896xf32>
    %jit3A_26 = arith.constant 1.000000e+00 : f32
    %jit3A_27 = arith.constant 0.000000e+00 : f32
    %broadcast_in_dim3A_28 = vector.broadcast %jit3A_26 : f32 to vector<128x1xf32>
    %broadcast_in_dim3A_29 = vector.broadcast %jit3A_27 : f32 to vector<128x1xf32>
    %select_n3A_30 = arith.select %gt3A_19, %broadcast_in_dim3A_28, %broadcast_in_dim3A_29 : vector<128x1xi1>, vector<128x1xf32>
    %add3A_31 = arith.addf %broadcast_in_dim3A_7, %select_n3A_30 : vector<128x1xf32>
    %jit3A_32 = arith.constant -1.000000e+30 : f32
    %broadcast_in_dim3A_33 = vector.broadcast %jit3A_32 : f32 to vector<128x896xf32>
    %select_n3A_34 = arith.select %eq3A_17, %broadcast_in_dim3A_33, %select_n3A : vector<128x896xi1>, vector<128x896xf32>
    %reduce_max3A_35 = arith.constant dense<0xFF800000> : vector<128xf32>
    %reduce_max3A_36 = vector.multi_reduction <maximumf>, %select_n3A_34, %reduce_max3A_35 [1] : vector<128x896xf32> to vector<128xf32>
    %broadcast_in_dim3A_37 = vector.shape_cast %reduce_max3A_36 : vector<128xf32> to vector<128x1xf32>
    %eq3A_38 = vector.broadcast %broadcast_in_dim3A_37 : vector<128x1xf32> to vector<128x896xf32>
    %eq3A_39 = arith.cmpf oeq, %select_n3A_34, %eq3A_38 : vector<128x896xf32>
    %jit3A_40 = arith.constant 1073741824 : i32
    %broadcast_in_dim3A_41 = vector.broadcast %jit3A_40 : i32 to vector<128x896xi32>
    %select_n3A_42 = arith.select %eq3A_39, %iota3A, %broadcast_in_dim3A_41 : vector<128x896xi1>, vector<128x896xi32>
    %reduce_min3A_43 = arith.constant dense<2147483647> : vector<128xi32>
    %reduce_min3A_44 = vector.multi_reduction <minsi>, %select_n3A_42, %reduce_min3A_43 [1] : vector<128x896xi32> to vector<128xi32>
    %broadcast_in_dim3A_45 = vector.shape_cast %reduce_min3A_44 : vector<128xi32> to vector<128x1xi32>
    %eq3A_46 = vector.broadcast %broadcast_in_dim3A_45 : vector<128x1xi32> to vector<128x896xi32>
    %eq3A_47 = arith.cmpi eq, %iota3A, %eq3A_46 : vector<128x896xi32>
    %gt3A_48 = arith.constant 0.000000e+00 : f32
    %gt3A_49 = vector.broadcast %gt3A_48 : f32 to vector<128x1xf32>
    %gt3A_50 = arith.cmpf ogt, %broadcast_in_dim3A_37, %gt3A_49 : vector<128x1xf32>
    %and3A_51 = vector.broadcast %gt3A_50 : vector<128x1xi1> to vector<128x896xi1>
    %and3A_52 = arith.andi %eq3A_47, %and3A_51 : vector<128x896xi1>
    %jit3A_53 = arith.constant 1.000000e+00 : f32
    %jit3A_54 = arith.constant 0.000000e+00 : f32
    %broadcast_in_dim3A_55 = vector.broadcast %jit3A_53 : f32 to vector<128x896xf32>
    %broadcast_in_dim3A_56 = vector.broadcast %jit3A_54 : f32 to vector<128x896xf32>
    %select_n3A_57 = arith.select %and3A_52, %broadcast_in_dim3A_55, %broadcast_in_dim3A_56 : vector<128x896xi1>, vector<128x896xf32>
    %add3A_58 = arith.addf %add3A, %select_n3A_57 : vector<128x896xf32>
    %jit3A_59 = arith.constant 1.000000e+00 : f32
    %jit3A_60 = arith.constant 0.000000e+00 : f32
    %broadcast_in_dim3A_61 = vector.broadcast %jit3A_59 : f32 to vector<128x1xf32>
    %broadcast_in_dim3A_62 = vector.broadcast %jit3A_60 : f32 to vector<128x1xf32>
    %select_n3A_63 = arith.select %gt3A_50, %broadcast_in_dim3A_61, %broadcast_in_dim3A_62 : vector<128x1xi1>, vector<128x1xf32>
    %add3A_64 = arith.addf %add3A_31, %select_n3A_63 : vector<128x1xf32>
    %jit3A_65 = arith.constant -1.000000e+30 : f32
    %broadcast_in_dim3A_66 = vector.broadcast %jit3A_65 : f32 to vector<128x896xf32>
    %select_n3A_67 = arith.select %eq3A_47, %broadcast_in_dim3A_66, %select_n3A_34 : vector<128x896xi1>, vector<128x896xf32>
    %reduce_max3A_68 = arith.constant dense<0xFF800000> : vector<128xf32>
    %reduce_max3A_69 = vector.multi_reduction <maximumf>, %select_n3A_67, %reduce_max3A_68 [1] : vector<128x896xf32> to vector<128xf32>
    %broadcast_in_dim3A_70 = vector.shape_cast %reduce_max3A_69 : vector<128xf32> to vector<128x1xf32>
    %eq3A_71 = vector.broadcast %broadcast_in_dim3A_70 : vector<128x1xf32> to vector<128x896xf32>
    %eq3A_72 = arith.cmpf oeq, %select_n3A_67, %eq3A_71 : vector<128x896xf32>
    %jit3A_73 = arith.constant 1073741824 : i32
    %broadcast_in_dim3A_74 = vector.broadcast %jit3A_73 : i32 to vector<128x896xi32>
    %select_n3A_75 = arith.select %eq3A_72, %iota3A, %broadcast_in_dim3A_74 : vector<128x896xi1>, vector<128x896xi32>
    %reduce_min3A_76 = arith.constant dense<2147483647> : vector<128xi32>
    %reduce_min3A_77 = vector.multi_reduction <minsi>, %select_n3A_75, %reduce_min3A_76 [1] : vector<128x896xi32> to vector<128xi32>
    %broadcast_in_dim3A_78 = vector.shape_cast %reduce_min3A_77 : vector<128xi32> to vector<128x1xi32>
    %eq3A_79 = vector.broadcast %broadcast_in_dim3A_78 : vector<128x1xi32> to vector<128x896xi32>
    %eq3A_80 = arith.cmpi eq, %iota3A, %eq3A_79 : vector<128x896xi32>
    %gt3A_81 = arith.constant 0.000000e+00 : f32
    %gt3A_82 = vector.broadcast %gt3A_81 : f32 to vector<128x1xf32>
    %gt3A_83 = arith.cmpf ogt, %broadcast_in_dim3A_70, %gt3A_82 : vector<128x1xf32>
    %and3A_84 = vector.broadcast %gt3A_83 : vector<128x1xi1> to vector<128x896xi1>
    %and3A_85 = arith.andi %eq3A_80, %and3A_84 : vector<128x896xi1>
    %jit3A_86 = arith.constant 1.000000e+00 : f32
    %jit3A_87 = arith.constant 0.000000e+00 : f32
    %broadcast_in_dim3A_88 = vector.broadcast %jit3A_86 : f32 to vector<128x896xf32>
    %broadcast_in_dim3A_89 = vector.broadcast %jit3A_87 : f32 to vector<128x896xf32>
    %select_n3A_90 = arith.select %and3A_85, %broadcast_in_dim3A_88, %broadcast_in_dim3A_89 : vector<128x896xi1>, vector<128x896xf32>
    %add3A_91 = arith.addf %add3A_58, %select_n3A_90 : vector<128x896xf32>
    %jit3A_92 = arith.constant 1.000000e+00 : f32
    %jit3A_93 = arith.constant 0.000000e+00 : f32
    %broadcast_in_dim3A_94 = vector.broadcast %jit3A_92 : f32 to vector<128x1xf32>
    %broadcast_in_dim3A_95 = vector.broadcast %jit3A_93 : f32 to vector<128x1xf32>
    %select_n3A_96 = arith.select %gt3A_83, %broadcast_in_dim3A_94, %broadcast_in_dim3A_95 : vector<128x1xi1>, vector<128x1xf32>
    %add3A_97 = arith.addf %add3A_64, %select_n3A_96 : vector<128x1xf32>
    %get3A_98 = arith.constant 0 : index
    %get3A_99 = arith.constant 0 : index
    %get3A_100 = vector.load %arg2[%get3A_98, %get3A_99] : memref<896x64xf32, #tpu.memory_space<vmem>>, vector<896x64xf32>
    %dot_general3A = arith.constant dense<0.000000e+00> : vector<128x64xf32>
    %dot_general3A_101 = tpu.matmul %add3A_91, %get3A_100, %dot_general3A {dimension_numbers = #tpu.dot_dimension_numbers<[1], [0], [0], [1], [0, 0, 1, 1], [], []>, transpose_lhs_hint = false} : vector<128x896xf32>, vector<896x64xf32>, vector<128x64xf32> -> vector<128x64xf32>
    %max3A = arith.constant 1.000000e+00 : f32
    %max3A_102 = vector.broadcast %max3A : f32 to vector<128x1xf32>
    %max3A_103 = arith.maximumf %add3A_97, %max3A_102 : vector<128x1xf32>
    %div3A = vector.broadcast %max3A_103 : vector<128x1xf32> to vector<128x64xf32>
    %div3A_104 = arith.divf %dot_general3A_101, %div3A : vector<128x64xf32>
    %get3A_105 = arith.constant 0 : index
    %get3A_106 = arith.constant 0 : index
    %get3A_107 = vector.load %arg3[%get3A_105, %get3A_106] : memref<128x64xf32, #tpu.memory_space<vmem>>, vector<128x64xf32>
    %broadcast_in_dim3A_108 = vector.shape_cast %get3A_107 : vector<128x64xf32> to vector<128x64x1xf32>
    %broadcast_in_dim3A_109 = vector.shape_cast %div3A_104 : vector<128x64xf32> to vector<128x1x64xf32>
    %mul3A = vector.broadcast %broadcast_in_dim3A_108 : vector<128x64x1xf32> to vector<128x64x64xf32>
    %mul3A_110 = vector.broadcast %broadcast_in_dim3A_109 : vector<128x1x64xf32> to vector<128x64x64xf32>
    %mul3A_111 = arith.mulf %mul3A, %mul3A_110 : vector<128x64x64xf32>
    %reshape3A = vector.shape_cast %mul3A_111 : vector<128x64x64xf32> to vector<128x4096xf32>
    %get3A_112 = arith.constant 0 : index
    %get3A_113 = arith.constant 0 : index
    %get3A_114 = vector.load %arg4[%get3A_112, %get3A_113] : memref<4096x64xf32, #tpu.memory_space<vmem>>, vector<4096x64xf32>
    %dot_general3A_115 = arith.constant dense<0.000000e+00> : vector<128x64xf32>
    %dot_general3A_116 = tpu.matmul %reshape3A, %get3A_114, %dot_general3A_115 {dimension_numbers = #tpu.dot_dimension_numbers<[1], [0], [0], [1], [0, 0, 1, 1], [], []>, transpose_lhs_hint = false} : vector<128x4096xf32>, vector<4096x64xf32>, vector<128x64xf32> -> vector<128x64xf32>
    %get3A_117 = arith.constant 0 : index
    %get3A_118 = arith.constant 0 : index
    %get3A_119 = vector.load %arg5[%get3A_117, %get3A_118] : memref<1x64xf32, #tpu.memory_space<vmem>>, vector<1x64xf32>
    %add3A_120 = vector.broadcast %get3A_119 : vector<1x64xf32> to vector<128x64xf32>
    %add3A_121 = arith.addf %dot_general3A_116, %add3A_120 : vector<128x64xf32>
    %gt3A_122 = arith.constant 0.000000e+00 : f32
    %gt3A_123 = vector.broadcast %gt3A_122 : f32 to vector<128x1xf32>
    %gt3A_124 = arith.cmpf ogt, %add3A_97, %gt3A_123 : vector<128x1xf32>
    %jit3A_125 = arith.constant 0.000000e+00 : f32
    %broadcast_in_dim3A_126 = vector.shape_cast %gt3A_124 : vector<128x1xi1> to vector<128x1xi1>
    %broadcast_in_dim3A_127 = vector.broadcast %broadcast_in_dim3A_126 : vector<128x1xi1> to vector<128x64xi1>
    %broadcast_in_dim3A_128 = vector.broadcast %jit3A_125 : f32 to vector<128x64xf32>
    %select_n3A_129 = arith.select %broadcast_in_dim3A_127, %add3A_121, %broadcast_in_dim3A_128 : vector<128x64xi1>, vector<128x64xf32>
    %get3A_130 = arith.constant 0 : index
    %get3A_131 = arith.constant 0 : index
    %get3A_132 = vector.load %arg8[%get3A_130, %get3A_131] : memref<1x64xf32, #tpu.memory_space<vmem>>, vector<1x64xf32>
    %logistic3A = arith.negf %get3A_132 : vector<1x64xf32>
    %logistic3A_133 = math.exp %logistic3A : vector<1x64xf32>
    %logistic3A_134 = arith.constant 1.000000e+00 : f32
    %logistic3A_135 = vector.broadcast %logistic3A_134 : f32 to vector<1x64xf32>
    %logistic3A_136 = arith.addf %logistic3A_135, %logistic3A_133 : vector<1x64xf32>
    %logistic3A_137 = arith.divf %logistic3A_135, %logistic3A_136 : vector<1x64xf32>
    %ge3A = arith.constant 0.000000e+00 : f32
    %ge3A_138 = vector.broadcast %ge3A : f32 to vector<128x64xf32>
    %ge3A_139 = arith.cmpf oge, %select_n3A_129, %ge3A_138 : vector<128x64xf32>
    %mul3A_140 = arith.constant 0.00999999977 : f32
    %mul3A_141 = vector.broadcast %mul3A_140 : f32 to vector<128x64xf32>
    %mul3A_142 = arith.mulf %mul3A_141, %select_n3A_129 : vector<128x64xf32>
    %select_n3A_143 = arith.select %ge3A_139, %select_n3A_129, %mul3A_142 : vector<128x64xi1>, vector<128x64xf32>
    %mul3A_144 = vector.broadcast %logistic3A_137 : vector<1x64xf32> to vector<128x64xf32>
    %mul3A_145 = arith.mulf %mul3A_144, %select_n3A_143 : vector<128x64xf32>
    %sub3A = arith.constant 1.000000e+00 : f32
    %sub3A_146 = vector.broadcast %sub3A : f32 to vector<1x64xf32>
    %sub3A_147 = arith.subf %sub3A_146, %logistic3A_137 : vector<1x64xf32>
    %get3A_148 = arith.constant 0 : index
    %get3A_149 = arith.constant 0 : index
    %get3A_150 = vector.load %arg7[%get3A_148, %get3A_149] : memref<128x64xf32, #tpu.memory_space<vmem>>, vector<128x64xf32>
    %mul3A_151 = vector.broadcast %sub3A_147 : vector<1x64xf32> to vector<128x64xf32>
    %mul3A_152 = arith.mulf %mul3A_151, %get3A_150 : vector<128x64xf32>
    %add3A_153 = arith.addf %mul3A_145, %mul3A_152 : vector<128x64xf32>
    %get3A_154 = arith.constant 0 : index
    %get3A_155 = arith.constant 0 : index
    %get3A_156 = vector.load %arg6[%get3A_154, %get3A_155] : memref<128x64xf32, #tpu.memory_space<vmem>>, vector<128x64xf32>
    %add3A_157 = arith.addf %get3A_156, %add3A_153 : vector<128x64xf32>
    %swap3A = arith.constant 0 : index
    %swap3A_158 = arith.constant 0 : index
    %swap3A_159 = vector.load %arg9[%swap3A, %swap3A_158] : memref<128x64xf32, #tpu.memory_space<vmem>>, vector<128x64xf32>
    tpu.vector_store %arg9[%swap3A, %swap3A_158], %add3A_157 {strides = array<i32>} : memref<128x64xf32, #tpu.memory_space<vmem>>, vector<128x64xf32>,
    return
  }
  func.func @transform_0(%arg0: i32) -> (i32, i32) {
    %c0_i32 = arith.constant 0 : i32
    %c0_i32_0 = arith.constant 0 : i32
    return %arg0, %c0_i32 : i32, i32
  }
  func.func @transform_1(%arg0: i32) -> (i32, i32) {
    %c0_i32 = arith.constant 0 : i32
    %c0_i32_0 = arith.constant 0 : i32
    %c0_i32_1 = arith.constant 0 : i32
    return %c0_i32, %c0_i32_0 : i32, i32
  }
  func.func @transform_2(%arg0: i32) -> (i32, i32) {
    %c0_i32 = arith.constant 0 : i32
    %c0_i32_0 = arith.constant 0 : i32
    return %arg0, %c0_i32 : i32, i32
  }
  func.func @transform_3(%arg0: i32) -> (i32, i32) {
    %c0_i32 = arith.constant 0 : i32
    %c0_i32_0 = arith.constant 0 : i32
    %c0_i32_1 = arith.constant 0 : i32
    return %c0_i32, %c0_i32_0 : i32, i32
  }
  func.func @transform_4(%arg0: i32) -> (i32, i32) {
    %c0_i32 = arith.constant 0 : i32
    %c0_i32_0 = arith.constant 0 : i32
    %c0_i32_1 = arith.constant 0 : i32
    return %c0_i32, %c0_i32_0 : i32, i32
  }
  func.func @transform_5(%arg0: i32) -> (i32, i32) {
    %c0_i32 = arith.constant 0 : i32
    %c0_i32_0 = arith.constant 0 : i32
    return %arg0, %c0_i32 : i32, i32
  }
  func.func @transform_6(%arg0: i32) -> (i32, i32) {
    %c0_i32 = arith.constant 0 : i32
    %c0_i32_0 = arith.constant 0 : i32
    return %arg0, %c0_i32 : i32, i32
  }
  func.func @transform_7(%arg0: i32) -> (i32, i32) {
    %c0_i32 = arith.constant 0 : i32
    %c0_i32_0 = arith.constant 0 : i32
    %c0_i32_1 = arith.constant 0 : i32
    return %c0_i32, %c0_i32_0 : i32, i32
  }
  func.func @transform_8(%arg0: i32) -> (i32, i32) {
    %c0_i32 = arith.constant 0 : i32
    %c0_i32_0 = arith.constant 0 : i32
    return %arg0, %c0_i32 : i32, i32
  }
}

</mosaic_0001>

<sc_bundles>
// kernel: kernel.6.cloned.1.call-start
scs
__scs_entry_jumppad:
0x0: {  	(pc) =	sbr.rel $0x88, $3  }
0x1: {  	(tag) =	ssettag $0x0;
	lr =	simm.s32 $0x1  }
0x2: {  	[smem:$0x3F98] =	sst lr;
	_ =	strace $0xD0000000  }
0x3: {  	_ = 	snop  }
0x4: {  	_ = 	snop  }
0x5: {  	_ = 	snop  }
0x6: {  	_ = 	snop  }
0x7: {  	_ = 	snop  }
__scs_overlays_trampoline_lowered:
0x8: {  	[smem:$0x3FA7] =	sst s0  }
0x9: {  	[smem:$0x3FA8] =	sst s1  }
0xa: {  	[smem:$0x3FA9] =	sst s2  }
0xb: {  	[smem:$0x3FAA] =	sst s3  }
0xc: {  	[smem:$0x3FAB] =	sst s4  }
0xd: {  	[smem:$0x3FAC] =	sst s5  }
0xe: {  	[smem:$0x3FAD] =	sst s6  }
0xf: {  	[smem:$0x3FAE] =	sst s7  }
0x10: {  	[smem:$0x3FAF] =	sst s8  }
0x11: {  	[smem:$0x3FB0] =	sst s9;
	s0 =	simm.s32 @!p0 $0x0  }
0x12: {  	s1 =	sld [smem:$0x3F96];
	s0 =	simm.s32 @p0 $0x1  }
0x13: {  	[smem:$0x3FB1] =	sst s0;
	s0 =	simm.s32 @!p1 $0x0  }
0x14: {  	s2 =	sld [smem:$0x3F95];
	s0 =	simm.s32 @p1 $0x1  }
0x15: {  	[smem:$0x3FB2] =	sst s0;
	s0 =	simm.s32 @!p2 $0x0  }
0x16: {  	s3 =	sld [smem:$0x3FDB];
	s0 =	simm.s32 @p2 $0x1  }
0x17: {  	s4 =	simm.s32 $0x1BF5;
	[smem:$0x3FB4] =	sst s0  }
0x18: {  	s0 =	sld [smem:$0x3F97];
	_ =	swait.ge [sflag:s4], $0x0  }
0x19: {  	s7 =	sld [smem:$0x3F98]  }
0x1a: {  	s8 =	sadd.s32 $0xFFFFE003, lr  }
0x1b: {  	s9 =	sadd.s32 $0xFFFFFEF7, lr;
	s5 =	simm.s32 $0xFFFFFFFF;
	p2 =	slt.u32 s8, $0xFFFFF086  }
0x1c: {  	p1 =	slt.u32 s9, $0xF7A;
	s5 =	simm.s32 @!p2 $0x0  }
0x1d: {  	s5 =	simm.s32 @p1 $0x1;
	p0 =	seq.s32 s7, s2  }
0x1e: {  	s7 =	smul.u32 @!p0 $0xF7A, s2;
	p2 =	seq.s32 @!p0 s5, $0x0  }
0x1f: {  	s9 =	smul.u32 $0xF7A, s1;
	s8 =	simm.s32 @!p0 $0x1BF5;
	p2 =	por !p2, p0  }
0x20: {  	[sflag:s8] =	ssyncset.s32 @!p0 $0xFFFFF086;
	s6 =	sadd.s32 @!p0 s3, s7;
	s7 =	simm.s32 @!p0 $0x108  }
0x21: {  	s3 =	sadd.s32 s3, s9;
	s6 =	sadd.s32 @!p0 $0x88, s6;
	s7 =	simm.s32 @p2 $0x1082  }
0x22: {  	[simem:s7], [sflag:s8] =	dma.local @!p0 [hbm:s6], $0xF7A  }
0x23: {  	s9 =	sor.u32 $0xD0000000, s2;
	s6 =	simm.s32 $0x108;
	_ =	swait.ge @!p0 [sflag:s8], $0x0  }
0x24: {  	s3 =	sadd.s32 $0x88, s3;
	s6 =	simm.s32 @!p1 $0x1082;
	[sflag:s4] =	ssyncset.s32 $0xFFFFF086  }
0x25: {  	[simem:s6], [sflag:s4] =	dma.local [hbm:s3], $0xF7A  }
0x26: {  	[smem:$0x3F98] =	sst s1;
	(tag) =	ssettag s2;
	_ =	strace s9  }
0x27: {  	s1 =	sld [smem:$0x3FA8]  }
0x28: {  	s2 =	sld [smem:$0x3FA9]  }
0x29: {  	s4 =	sld [smem:$0x3FAB]  }
0x2a: {  	p0 =	seq.s32 s5, $0x0;
	s5 =	sld [smem:$0x3FAC]  }
0x2b: {  	s6 =	sld [smem:$0x3FAD]  }
0x2c: {  	s7 =	sld [smem:$0x3FAE]  }
0x2d: {  	s3 =	simm.s32 $0x108;
	s8 =	sld [smem:$0x3FAF]  }
0x2e: {  	s3 =	simm.s32 @!p0 $0x1082;
	s9 =	sld [smem:$0x3FB0]  }
0x2f: {  	lr =	sadd.s32 s0, s3;
	s0 =	sld [smem:$0x3FA7]  }
0x30: {  	s3 =	sld [smem:$0x3FAA]  }
0x31: {  	[smem:$0x3FB3] =	sst s10  }
0x32: {  	s10 =	sld [smem:$0x3FB1];
	_ =	sdelay $0x3  }
0x33: {  	p0 =	seq.s32 s10, $0x1;
	s10 =	sld [smem:$0x3FB3];
	_ =	sdelay $0x3  }
0x34: {  	[smem:$0x3FB3] =	sst s10  }
0x35: {  	s10 =	sld [smem:$0x3FB2];
	_ =	sdelay $0x3  }
0x36: {  	p1 =	seq.s32 s10, $0x1;
	s10 =	sld [smem:$0x3FB3];
	_ =	sdelay $0x3  }
0x37: {  	[smem:$0x3FB3] =	sst s10  }
0x38: {  	s10 =	sld [smem:$0x3FB4]  }
0x39: {  	_ = 	snop;
	(pc) =	sbr.ind lr, $3  }
0x3a: {  	_ = 	snop  }
0x3b: {  	_ = 	snop  }
0x3c: {  	p2 =	seq.s32 s10, $0x1;
	s10 =	sld [smem:$0x3FB3]  }
0x3d: {  	_ =	shalt  }
0x3e: {  	_ =	shalt  }
0x3f: {  	_ =	shalt  }
0x40: {  	_ =	shalt  }
0x41: {  	_ =	shalt  }
0x42: {  	_ =	shalt  }
0x43: {  	_ =	shalt  }
0x44: {  	_ =	shalt  }
0x45: {  	_ =	shalt  }
0x46: {  	_ =	shalt  }
0x47: {  	_ =	shalt  }
0x48: {  	_ =	shalt  }
0x49: {  	_ =	shalt  }
0x4a: {  	_ =	shalt  }
0x4b: {  	_ =	shalt  }
0x4c: {  	_ =	shalt  }
0x4d: {  	_ =	shalt  }
0x4e: {  	_ =	shalt  }
0x4f: {  	_ =	shalt  }
0x50: {  	_ =	shalt  }
0x51: {  	_ =	shalt  }
0x52: {  	_ =	shalt  }
0x53: {  	_ =	shalt  }
0x54: {  	_ =	shalt  }
0x55: {  	_ =	shalt  }
0x56: {  	_ =	shalt  }
0x57: {  	_ =	shalt  }
0x58: {  	_ =	shalt  }
0x59: {  	_ =	shalt  }
0x5a: {  	_ =	shalt  }
0x5b: {  	_ =	shalt  }
0x5c: {  	_ =	shalt  }
0x5d: {  	_ =	shalt  }
0x5e: {  	_ =	shalt  }
0x5f: {  	_ =	shalt  }
0x60: {  	_ =	shalt  }
0x61: {  	_ =	shalt  }
0x62: {  	_ =	shalt  }
0x63: {  	_ =	shalt  }
0x64: {  	_ =	shalt  }
0x65: {  	_ =	shalt  }
0x66: {  	_ =	shalt  }
0x67: {  	_ =	shalt  }
0x68: {  	_ =	shalt  }
0x69: {  	_ =	shalt  }
0x6a: {  	_ =	shalt  }
0x6b: {  	_ =	shalt  }
0x6c: {  	_ =	shalt  }
0x6d: {  	_ =	shalt  }
0x6e: {  	_ =	shalt  }
0x6f: {  	_ =	shalt  }
0x70: {  	_ =	shalt  }
0x71: {  	_ =	shalt  }
0x72: {  	_ =	shalt  }
0x73: {  	_ =	shalt  }
0x74: {  	_ =	shalt  }
0x75: {  	_ =	shalt  }
0x76: {  	_ =	shalt  }
0x77: {  	_ =	shalt  }
0x78: {  	_ =	shalt  }
0x79: {  	_ =	shalt  }
0x7a: {  	_ =	shalt  }
0x7b: {  	_ =	shalt  }
0x7c: {  	_ =	shalt  }
0x7d: {  	_ =	shalt  }
0x7e: {  	_ =	shalt  }
0x7f: {  	_ =	shalt  }
0x80: {  	_ =	shalt  }
0x81: {  	_ =	shalt  }
0x82: {  	_ =	shalt  }
0x83: {  	_ =	shalt  }
0x84: {  	_ =	shalt  }
0x85: {  	_ =	shalt  }
0x86: {  	_ =	shalt  }
0x87: {  	_ =	shalt  }
.Lfunc_end0:
.L_simem_size_0:
called_computation.3_lowered:
.L_overlay_start_0:
0x88: {  	s2 =	sld [smem:$0x3FD9]  }
0x89: {  	s3 =	sld [smem:$0x3FFE];
	_ =	sdelay $0x1  }
0x8a: {  	s1 =	srdreg.scid  }
0x8b: {  	s0 =	sand.u32 $0x1, s1  }
0x8c: {  	s17 =	sshll.u32 s0, $0xA;
	s2 =	sadd.s32 s3, s2  }
0x8d: {  	s2 =	sadd.s32 s2, s17  }
0x8e: {  	[smem:$0x3FBF] =	sst s2  }
0x8f: {  	_ = 	snop  }
0x90: {  	s4 =	sld [smem:$0x3FC9]  }
0x91: {  	s18 =	sld [smem:$0x3FD0];
	(tm) =	ssettm $0x1  }
0x92: {  	s19 =	sld [smem:$0x3FFB];
	_ =	sdelay $0x3  }
0x93: {  	_ =	strace s19  }
0x94: {  	s2 =	sld [smem:$0x3FFC];
	_ =	sdelay $0x3  }
0x95: {  	_ =	strace s2  }
0x96: {  	s2 =	sld [smem:$0x3FFD];
	_ =	sdelay $0x3  }
0x97: {  	_ =	strace s2  }
0x98: {  	_ =	strace $0x8FFFFFFF  }
0x99: {  	s20 =	sld [smem:$0x3FDB];
	_ =	sdelay $0x1  }
0x9a: {  	s5 =	simm.s32 $_scs_section_size  }
0x9b: {  	s6 =	simm.s32 $_size__tile_overlayer_lowered;
	s7 =	simm.s32 $_tile_overlayer_lowered  }
0x9c: {  	s8 =	simm.s32 $0x1BFF;
	s21 =	sshll.u32 s7, $0x1;
	s5 =	sadd.s32 s5, s20  }
0x9d: {  	s22 =	simm.s32 $0x0;
	s6 =	sshll.u32 s6, $0x1;
	s7 =	sadd.s32 s21, s5  }
0x9e: {  	[timem:s22], [sflag:s8] =	dma.local [hbm:s7], s6  }
0x9f: {  	_ =	swait.ge [sflag:s8], s6  }
0xa0: {  	s6 =	ssub.s32 $0x0, s6;
	[sflag:s8] =	ssyncset.done $0x0  }
0xa1: {  	[sflag:s8] =	ssyncadd.s32 s6;
	_ =	sdelay $0x1  }
0xa2: {  	s23 =	simm.s32 $0x1B8B  }
0xa3: {  	_ =	swait.ge [sflag:s23], $0x1  }
0xa4: {  	[sflag:s23] =	ssyncset.done $0x0  }
0xa5: {  	[sflag:s23] =	ssyncadd.s32 $0xFFFFFFFF  }
0xa6: {  	s6 =	sld [smem:$0x0]  }
0xa7: {  	s7 =	sand.u32 $0xFFFFFFFE, s1  }
0xa8: {  	p0 =	sne.s32 s1, s7  }
0xa9: {  	s7 =	sshll.u32 @p0 s7, $0xE  }
0xaa: {  	s7 =	sadd.s32 @p0 $0x11B8D, s7;
	s8 =	sshll.u32 @p0 s6, $0x11  }
0xab: {  	s7 =	sor.u32 @p0 s8, s7  }
0xac: {  	[sflag:s7] =	ssyncadd.remote.s32 @p0 $0x1;
	_ =	sdelay $0x1  }
0xad: {  	s7 =	simm.s32 @p0 $0x1B8D  }
0xae: {  	_ =	swait.eq @p0 [sflag:s7], $0x1  }
0xaf: {  	[sflag:s7] =	ssyncadd.s32 @p0 $0xFFFFFFFF  }
0xb0: {  	s8 =	sshll.u32 @!p0 s1, $0xE  }
0xb1: {  	s8 =	sor.u32 @!p0 $0x4000, s8;
	s7 =	simm.s32 @!p0 $0x1B8D  }
0xb2: {  	s6 =	sshll.u32 @!p0 s6, $0x11;
	s8 =	sadd.s32 @!p0 $0x11B8D, s8;
	_ =	swait.eq @!p0 [sflag:s7], $0x1  }
0xb3: {  	s6 =	sor.u32 @!p0 s6, s8;
	[sflag:s7] =	ssyncadd.s32 @!p0 $0xFFFFFFFF  }
0xb4: {  	s25 =	simm.s32 $0x1B8E;
	s24 =	sld [smem:$0x3FFE];
	[sflag:s6] =	ssyncadd.remote.s32 @!p0 $0x1  }
0xb5: {  	s26 =	simm.s32 $execute0_lowered;
	[smem:$0x3FD2] =	sst s25  }
0xb6: {  	s7 =	sshll.u32 s26, $0x1;
	_ =	strace $0x80000055;
	[dreg:$0x1] =	wrdreg $0xFFFFFFFF  }
0xb7: {  	s28 =	simm.s32 $_size_execute0_lowered;
	s5 =	sadd.s32 s5, s7;
	[dreg:$0x0] =	wrdreg $0x0  }
0xb8: {  	s7 =	sshll.u32 s28, $0x1;
	[dreg:$0x2] =	wrdreg s5  }
0xb9: {  	[dreg:$0x3] =	wrdreg s7  }
0xba: {  	[dreg:$0x4] =	wrdreg $0xC0  }
0xbb: {  	_ =	task [dreg:s22], $0x5FFFF  }
0xbc: {  	[dreg:$0x1] =	wrdreg $0xFFFFFFFF  }
0xbd: {  	[dreg:$0x0] =	wrdreg $0x60  }
0xbe: {  	[dreg:$0x2] =	wrdreg s4  }
0xbf: {  	[dreg:$0x3] =	wrdreg s24  }
0xc0: {  	[dreg:$0x4] =	wrdreg s18  }
0xc1: {  	[dreg:$0x5] =	wrdreg $0xC5800  }
0xc2: {  	[dreg:$0x6] =	wrdreg $0xD  }
0xc3: {  	_ =	task.clear_ibuf [dreg:s22], $0x7FFFF;
	_ =	strace $0x90000055  }
0xc4: {  	s29 =	simm.s32 $0xD;
	_ =	strace $0x80000057  }
0xc5: {  	_ =	swait.ge [sflag:s29], $0x1  }
0xc6: {  	[sflag:s29] =	ssyncadd.s32 $0xFFFFFFFF  }
0xc7: {  	_ =	strace $0x90000057  }
0xc8: {  	_ =	sfence  }
0xc9: {  	s30 =	sld [smem:$0x0];
	_ =	sdelay $0x2  }
0xca: {  	s31 =	sshll.u32 s1, $0xD;
	s1 =	sshrl.u32 s1, $0x2  }
0xcb: {  	s4 =	sand.u32 $0x4000, s31;
	s1 =	sadd.s32 s1, s30  }
0xcc: {  	s0 =	sor.u32 s4, s0;
	s1 =	sshll.u32 s1, $0x11  }
0xcd: {  	s0 =	sor.u32 s1, s0  }
0xce: {  	s0 =	sadd.s32 $0x8F2B, s0  }
0xcf: {  	[sflag:s0] =	ssyncadd.remote.s32 $0x1  }
0xd0: {  	_ =	sfence.sel $0xFFFF  }
0xd1: {  	[dreg:$0x0] =	wrdreg $0xFFFFFFFF;
	(pc) =	sbr.abs _section_cstart, $3  }
0xd2: {  	[dreg:$0x1] =	wrdreg $0xFFFFFFFF  }
0xd3: {  	_ =	task.clear_ibuf [dreg:s22], $0x2FFFF;
	_ =	strace $0x9FFFFFFF  }
0xd4: {  	(tm) =	ssettm $0x7FFFFFFF  }
0xd5: {  	_ =	shalt  }
tec
execute0_lowered:
.L_overlay_start_1:
0x0: {  	(tag) =	ssettag $0x1  }
0x1: {  	s24 =	stileid.u32  }
0x2: {  	s0 =	srdreg.scid;
	s1 =	smul.u32 $0x4E20, s24  }
0x3: {  	s2 =	sand.u32 $0x1, s0;
	s10 =	smul.u32 $0x500, s24  }
0x4: {  	s12 =	sor.u32 $0x10, s24;
	s9 =	smul.u32 $0x4E200, s2  }
0x5: {  	s7 =	sor.u32 $0x20, s24;
	s11 =	smul.u32 $0x500, s12  }
0x6: {  	s6 =	sor.u32 $0x30, s24;
	s13 =	smul.u32 $0x500, s7  }
0x7: {  	s5 =	sor.u32 $0x40, s24;
	s14 =	smul.u32 $0x500, s6  }
0x8: {  	s0 =	sor.u32 $0x50, s24;
	s15 =	smul.u32 $0x500, s5  }
0x9: {  	s3 =	sor.u32 $0x60, s24;
	s16 =	smul.u32 $0x500, s0  }
0xa: {  	s4 =	sor.u32 $0x70, s24;
	s18 =	smul.u32 $0x500, s3  }
0xb: {  	s8 =	rddreg [dreg:$0x1];
	s21 =	smul.u32 $0x500, s4  }
0xc: {  	s17 =	rddreg [dreg:$0x2];
	s20 =	ssub.s32 $0x2, s2;
	s23 =	smul.u32 $0x138800, s2  }
0xd: {  	s19 =	sadd.s32 $0x34B600, s8;
	s28 =	smul.u32 $0x2800, s6;
	s22 =	sshrl.u32 s20, $0x1  }
0xe: {  	s6 =	smul.u32 $0xA000, s6;
	s10 =	sadd.s32 s19, s10;
	s2 =	ssub.s32 s20, s22  }
0xf: {  	s20 =	smul.u32 $0x2800, s24;
	[dreg:$0x6] =	wrdreg s10;
	s11 =	sadd.s32 s19, s11  }
0x10: {  	s22 =	smul.u32 $0x2800, s7;
	s25 =	sadd.s32 s19, s14;
	s26 =	sadd.s32 s19, s15  }
0x11: {  	s15 =	sadd.s32 s19, s16;
	s16 =	sadd.s32 s19, s18;
	[dreg:$0x7] =	wrdreg s11  }
0x12: {  	s18 =	sadd.s32 s19, s21;
	s21 =	smul.u32 $0x2800, s3;
	[dreg:$0x9] =	wrdreg s25  }
0x13: {  	p0 =	sgt.u32 s24, $0xC;
	s7 =	smul.u32 $0xA000, s7;
	[dreg:$0xa] =	wrdreg s26  }
0x14: {  	s9 =	sadd.s32 s1, s9;
	s3 =	smul.u32 $0xA000, s3;
	[dreg:$0xb] =	wrdreg s15  }
0x15: {  	s6 =	sshrl.u32 s6, $0x2;
	s9 =	sshrl.u32 s9, $0x3;
	[dreg:$0xc] =	wrdreg s16  }
0x16: {  	[dreg:$0xd] =	wrdreg s18;
	s25 =	smul.u32 $0x2800, s4;
	s11 =	simm.s32 $0x0  }
0x17: {  	s26 =	sadd.s32 $0x372800, s8;
	s4 =	smul.u32 $0xA000, s4;
	s2 =	smax.u32 s2, $0x1  }
0x18: {  	s9 =	sadd.s32 s17, s9;
	s17 =	sadd.s32 s19, s13;
	s19 =	sadd.s32 s20, s23  }
0x19: {  	s20 =	smul.u32 $0x2800, s0;
	s10 =	sadd.s32 s23, s22;
	[smem:$0x7FF] =	sst s11  }
0x1a: {  	s16 =	sadd.s32 s23, s21;
	s21 =	rddreg [dreg:$0x3];
	s0 =	smul.u32 $0xA000, s0  }
0x1b: {  	s22 =	sadd.s32 s23, s28;
	[dreg:$0x5] =	wrdreg s9;
	s9 =	smul.u32 $0x2800, s12  }
0x1c: {  	s7 =	sshrl.u32 s7, $0x2;
	[dreg:$0x8] =	wrdreg s17;
	s17 =	smul.u32 $0x2800, s5  }
0x1d: {  	s3 =	sshrl.u32 s3, $0x2;
	s18 =	sadd.s32 s23, s25;
	s12 =	smul.u32 $0xA000, s12  }
0x1e: {  	s28 =	sshrl.u32 s10, $0x3;
	s10 =	sshrl.u32 s22, $0x3;
	s22 =	smul.u32 $0xA000, s24  }
0x1f: {  	s14 =	sshrl.u32 s19, $0x3;
	s19 =	rddreg [dreg:$0x0];
	s5 =	smul.u32 $0xA000, s5  }
0x20: {  	s7 =	sadd.s32 s7, s21;
	s29 =	sadd.s32 s6, s21;
	s4 =	sshrl.u32 s4, $0x2  }
0x21: {  	s6 =	simm.s32 $0x1;
	s15 =	sadd.s32 s23, s20;
	s14 =	sadd.s32 s26, s14  }
0x22: {  	s18 =	sshrl.u32 s18, $0x3;
	s20 =	sshrl.u32 s1, $0x3;
	s0 =	sshrl.u32 s0, $0x2  }
0x23: {  	s9 =	sadd.s32 s23, s9;
	s13 =	sadd.s32 s23, s17;
	[dreg:$0xe] =	wrdreg s14  }
0x24: {  	s15 =	sshrl.u32 s15, $0x3;
	s17 =	sshrl.u32 s16, $0x3;
	s9 =	sshrl.u32 s9, $0x3  }
0x25: {  	s23 =	sadd.s32 $0xAC00, s8;
	s13 =	sshrl.u32 s13, $0x3;
	s9 =	sadd.s32 s26, s9  }
0x26: {  	s5 =	sshrl.u32 s5, $0x2;
	s14 =	sadd.s32 s26, s13;
	[dreg:$0xf] =	wrdreg s9  }
0x27: {  	s31 =	sadd.s32 s0, s21;
	s9 =	sadd.s32 s26, s28;
	[dreg:$0x12] =	wrdreg s14  }
0x28: {  	s0 =	sadd.s32 s4, s21;
	[dreg:$0x10] =	wrdreg s9;
	s9 =	sadd.s32 s26, s10  }
0x29: {  	s4 =	simm.s32 $0x50;
	[dreg:$0x11] =	wrdreg s9;
	s9 =	sadd.s32 s26, s15  }
0x2a: {  	s30 =	sadd.s32 s5, s21;
	[dreg:$0x13] =	wrdreg s9;
	s9 =	sadd.s32 s26, s17  }
0x2b: {  	[dreg:$0x14] =	wrdreg s9;
	s9 =	sadd.s32 s26, s18;
	s26 =	sshrl.u32 s22, $0x2  }
0x2c: {  	[dreg:$0x15] =	wrdreg s9;
	s9 =	sadd.s32 s20, s8;
	s8 =	sadd.s32 s26, s21  }
0x2d: {  	s5 =	simm.s32 $0x9D80;
	_ =	strace $0x80000056;
	[dreg:$0x17] =	wrdreg s8  }
0x2e: {  	s28 =	sshrl.u32 s12, $0x2;
	s25 =	sadd.s32 $0xE00, s9;
	[dreg:$0x19] =	wrdreg s7  }
0x2f: {  	s18 =	sadd.s32 s3, s21;
	s8 =	sadd.s32 s28, s21;
	[dreg:$0x16] =	wrdreg s25  }
0x30: {  	s3 =	simm.s32 $0x2;
	s7 =	simm.s32 $0x0;
	[dreg:$0x18] =	wrdreg s8  }
.LBB2_1:
0x31: {  	s8 =	rddreg [dreg:$0x16];
	s9 =	simm.s32 $0x80  }
0x32: {  	[tilespmem:s9], [sflag:$0x2] =	stream.linear.gather [hbm4b:s8+s11], $0x4E20, $0x38;
	[tilespmem:$0x1FE00] =	vst v63  }
0x33: {  	_ =	swait.ge [sflag:s3], $0x4E20  }
0x34: {  	s22 =	simm.s32 $0x4F00;
	[sflag:s3] =	ssyncset.done $0x0  }
0x35: {  	s24 =	stileid.u32;
	s20 =	rddreg [dreg:$0x5];
	[sflag:s3] =	ssyncadd.s32 $0xFFFFB1E0  }
0x36: {  	[tilespmem:s22], [sflag:$0x2] =	stream.linear.gather [hbm4b:s20+s11], $0x4E20, $0x38;
	[tilespmem:$0x1FE00] =	vst v63  }
0x37: {  	s8 =	sshll.u32 s24, $0x6;
	_ =	swait.ge [sflag:s3], $0x4E20  }
0x38: {  	s8 =	sor.u32 $0x1C02, s8;
	[sflag:s3] =	ssyncset.done $0x0;
	s25 =	rddreg [dreg:$0x17]  }
0x39: {  	s10 =	rddreg [dreg:$0x6];
	[sflag:s3] =	ssyncadd.s32 $0xFFFFB1E0;
	s9 =	sshrl.u32 s25, $0x3  }
0x3a: {  	[spmem:s9], [sflag:s8] =	dma.local [hbm:s10], $0x500  }
0x3b: {  	_ =	swait.ge [sflag:s3], $0x500  }
0x3c: {  	[sflag:s3] =	ssyncset.done $0x0;
	s26 =	rddreg [dreg:$0x18]  }
0x3d: {  	s12 =	rddreg [dreg:$0x7];
	[sflag:s3] =	ssyncadd.s32 $0xFFFFFB00;
	s10 =	sshrl.u32 s26, $0x3  }
0x3e: {  	[spmem:s10], [sflag:s8] =	dma.local [hbm:s12], $0x500  }
0x3f: {  	_ =	swait.ge [sflag:s3], $0x500  }
0x40: {  	[sflag:s3] =	ssyncset.done $0x0;
	s28 =	rddreg [dreg:$0x19]  }
0x41: {  	s13 =	rddreg [dreg:$0x8];
	[sflag:s3] =	ssyncadd.s32 $0xFFFFFB00;
	s12 =	sshrl.u32 s28, $0x3  }
0x42: {  	[spmem:s12], [sflag:s8] =	dma.local [hbm:s13], $0x500  }
0x43: {  	_ =	swait.ge [sflag:s3], $0x500  }
0x44: {  	[sflag:s3] =	ssyncset.done $0x0  }
0x45: {  	s13 =	sshrl.u32 s29, $0x3;
	s14 =	rddreg [dreg:$0x9];
	[sflag:s3] =	ssyncadd.s32 $0xFFFFFB00  }
0x46: {  	[spmem:s13], [sflag:s8] =	dma.local [hbm:s14], $0x500  }
0x47: {  	_ =	swait.ge [sflag:s3], $0x500  }
0x48: {  	[sflag:s3] =	ssyncset.done $0x0  }
0x49: {  	s14 =	sshrl.u32 s30, $0x3;
	s15 =	rddreg [dreg:$0xa];
	[sflag:s3] =	ssyncadd.s32 $0xFFFFFB00  }
0x4a: {  	[spmem:s14], [sflag:s8] =	dma.local [hbm:s15], $0x500  }
0x4b: {  	_ =	swait.ge [sflag:s3], $0x500  }
0x4c: {  	[sflag:s3] =	ssyncset.done $0x0  }
0x4d: {  	s15 =	sshrl.u32 s31, $0x3;
	s16 =	rddreg [dreg:$0xb];
	[sflag:s3] =	ssyncadd.s32 $0xFFFFFB00  }
0x4e: {  	[spmem:s15], [sflag:s8] =	dma.local [hbm:s16], $0x500  }
0x4f: {  	_ =	swait.ge [sflag:s3], $0x500  }
0x50: {  	[sflag:s3] =	ssyncset.done $0x0  }
0x51: {  	s16 =	sshrl.u32 s18, $0x3;
	s17 =	rddreg [dreg:$0xc];
	[sflag:s3] =	ssyncadd.s32 $0xFFFFFB00  }
0x52: {  	[spmem:s16], [sflag:s8] =	dma.local [hbm:s17], $0x500  }
0x53: {  	_ =	swait.ge [sflag:s3], $0x500  }
0x54: {  	[sflag:s3] =	ssyncset.done $0x0  }
0x55: {  	s17 =	sshrl.u32 @!p0 s0, $0x3;
	s20 =	rddreg [dreg:$0xd];
	[sflag:s3] =	ssyncadd.s32 $0xFFFFFB00  }
0x56: {  	[spmem:s17], [sflag:s8] =	dma.local @!p0 [hbm:s20], $0x500  }
0x57: {  	s20 =	simm.s32 @!p0 $0x2  }
0x58: {  	_ =	swait.ge @!p0 [sflag:s20], $0x500  }
0x59: {  	[sflag:s20] =	ssyncset.done @!p0 $0x0  }
0x5a: {  	[sflag:s20] =	ssyncadd.s32 @!p0 $0xFFFFFB00  }
0x5b: {  	s22 =	simm.s32 $0x0;
	s20 =	simm.s32 $0x4F00;
	[bflag:$0x0] =	sbarrier.arrive $0xFFFF  }
.LBB2_2:
0x5c: {  	s24 =	smul.u32 $0x50, s22;
	_ =	sdelay $0x1  }
0x5d: {  	s25 =	sadd.s32 s1, s24  }
0x5e: {  	s25 =	sshrl.u32 s25, $0x3  }
0x5f: {  	s26 =	simm.s32 $0x0;
	s25 =	sadd.s32 s23, s25  }
0x60: {  	[tilespmem:s26], [sflag:$0x2] =	stream.linear.gather [hbm4b:s25+s26], $0x50, $0x38;
	[tilespmem:$0x1FE00] =	vst v63  }
0x61: {  	_ =	swait.ge [sflag:s3], $0x50  }
0x62: {  	[sflag:s3] =	ssyncset.done $0x0  }
0x63: {  	s24 =	sadd.s32 $0x80, s24;
	[sflag:s3] =	ssyncadd.s32 $0xFFFFFFB0  }
0x64: {  	[tilespmem:s5], [sflag:$0x1] =	stream.indirect.gather [hbm4b:s19+s4], $0x80, s24, s4, $0xb8;
	[tilespmem:$0x1FE00] =	vst v63  }
0x65: {  	_ =	swait.ge [sflag:s6], $0x2800  }
0x66: {  	[sflag:s6] =	ssyncset.done $0x0  }
0x67: {  	s24 =	simm.s32 $0x9DC0;
	[sflag:s6] =	ssyncadd.s32 $0xFFFFD800  }
0x68: {  	v4 =	vld [tilespmem:s24+$0x30]  }
0x69: {  	v7 =	vld [tilespmem:s24+$0x10]  }
0x6a: {  	s28 =	sadd.s32 $0x0, s20;
	v5 =	vld [tilespmem:s24+$0xFFFFFFC0]  }
0x6b: {  	v1 =	vld.msk [tilespmem:s28+$0x0 ss:$0x0], $0xffff  }
0x6c: {  	v9 =	vld [tilespmem:s24+$0xFFFFFFE0]  }
0x6d: {  	v0 =	vld [tilespmem:s24+$0xFFFFFFF0]  }
0x6e: {  	v2 =	vld [tilespmem:s24+$0x20]  }
0x6f: {  	v3 =	vld [tilespmem:s24+$0xFFFFFFD0]  }
0x70: {  	v8 =	vmul.f32 v4, v1;
	v4 =	vld [tilespmem:s24+$0x0]  }
0x71: {  	v6 =	vmul.f32 v1, v5  }
0x72: {  	s25 =	simm.s32 $0x4;
	s26 =	simm.s32 $0x9DC0;
	v5 =	vmul.f32 v9, v1;
	v7 =	vmul.f32 v7, v1  }
.LBB2_3:
0x73: {  	p1 =	sne.s32 s25, $0x13C  }
0x74: {  	v3 =	vmul.f32 v3, v1;
	v2 =	vmul.f32 v2, v1;
	[tilespmem:s24+$0x30] =	vst v8;
	s26 =	sadd.s32 $0x80, s26;
	s28 =	smov.u32 s25;
	s25 =	sadd.s32 $0x4, s25  }
0x75: {  	[tilespmem:s24+$0xFFFFFFC0] =	vst v6;
	v6 =	vmul.f32 v0, v1;
	v1 =	vmul.f32 v4, v1  }
0x76: {  	[tilespmem:s24+$0x10] =	vst v7  }
0x77: {  	[tilespmem:s24+$0xFFFFFFE0] =	vst v5  }
0x78: {  	v0 =	vld [tilespmem:s26+$0xFFFFFFF0];
	[tilespmem:s24+$0xFFFFFFF0] =	vst v6  }
0x79: {  	v5 =	vld [tilespmem:s26+$0x30];
	[tilespmem:s24+$0x0] =	vst v1  }
0x7a: {  	s28 =	sshra.s32 s28, $0x2;
	v7 =	vld [tilespmem:s26+$0x10];
	[tilespmem:s24+$0x20] =	vst v2  }
0x7b: {  	s28 =	sadd.s32 s28, s20;
	v6 =	vld [tilespmem:s26+$0xFFFFFFC0];
	[tilespmem:s24+$0xFFFFFFD0] =	vst v3;
	s24 =	smov.u32 s26  }
0x7c: {  	v1 =	vld.msk [tilespmem:s28+$0x0 ss:$0x0], $0xffff  }
0x7d: {  	v9 =	vld [tilespmem:s26+$0xFFFFFFE0]  }
0x7e: {  	v2 =	vld [tilespmem:s26+$0x20]  }
.Ltmp0:
0x7f: {  	v3 =	vld [tilespmem:s26+$0xFFFFFFD0];
	(pc) =	sbr.rel @p1 .LBB2_3-.Ltmp0, $3  }
0x80: {  	v4 =	vld [tilespmem:s26+$0x0];
	_ =	sdelay $0x1  }
0x81: {  	v6 =	vmul.f32 v1, v6;
	v8 =	vmul.f32 v5, v1  }
0x82: {  	v7 =	vmul.f32 v7, v1;
	v5 =	vmul.f32 v9, v1  }
0x83: {  	[tilespmem:s24+$0x30] =	vst v8  }
0x84: {  	[tilespmem:s24+$0xFFFFFFC0] =	vst v6  }
0x85: {  	v0 =	vmul.f32 v0, v1;
	[tilespmem:s24+$0x10] =	vst v7  }
0x86: {  	v2 =	vmul.f32 v2, v1;
	[tilespmem:s24+$0xFFFFFFE0] =	vst v5  }
0x87: {  	v63 =	vmul.f32 v3, v1;
	[tilespmem:s24+$0xFFFFFFF0] =	vst v0  }
0x88: {  	s22 =	sadd.s32 $0x1, s22;
	v4 =	vmul.f32 v4, v1;
	[tilespmem:s24+$0x20] =	vst v2  }
0x89: {  	p1 =	sne.s32 s22, $0xFA;
	[tilespmem:s24+$0xFFFFFFD0] =	vst v63  }
.Ltmp1:
0x8a: {  	[tilespmem:s24+$0x0] =	vst v4;
	(pc) =	sbr.rel @p1 .LBB2_2-.Ltmp1, $4  }
0x8b: {  	[spmem:s21] =	stream.indirect.scatter.add.f32 [tilespmem:s5], [sflag:$0x2], $0x80, s11, s4, $0xb8;
	[tilespmem:$0x1FE00] =	vst v63  }
0x8c: {  	_ =	swait.ge [sflag:s3], $0x2800  }
0x8d: {  	[sflag:s3] =	ssyncset.done $0x0  }
0x8e: {  	s20 =	sadd.s32 $0x50, s20;
	[sflag:s3] =	ssyncadd.s32 $0xFFFFD800  }
0x8f: {  	[bflag:$0x0] =	sbarrier.arrive $0xFFFF  }
0x90: {  	s20 =	rddreg [dreg:$0xe]  }
0x91: {  	[hbm:s20], [sflag:s8] =	dma.local [spmem:s9], $0x500  }
0x92: {  	_ =	swait.ge [sflag:s3], $0x500  }
0x93: {  	[sflag:s3] =	ssyncset.done $0x0  }
0x94: {  	s20 =	rddreg [dreg:$0xf];
	[sflag:s3] =	ssyncadd.s32 $0xFFFFFB00  }
0x95: {  	[hbm:s20], [sflag:s8] =	dma.local [spmem:s10], $0x500  }
0x96: {  	_ =	swait.ge [sflag:s3], $0x500  }
0x97: {  	[sflag:s3] =	ssyncset.done $0x0  }
0x98: {  	s22 =	rddreg [dreg:$0x10];
	[sflag:s3] =	ssyncadd.s32 $0xFFFFFB00  }
0x99: {  	[hbm:s22], [sflag:s8] =	dma.local [spmem:s12], $0x500  }
0x9a: {  	_ =	swait.ge [sflag:s3], $0x500  }
0x9b: {  	[sflag:s3] =	ssyncset.done $0x0  }
0x9c: {  	s24 =	rddreg [dreg:$0x11];
	[sflag:s3] =	ssyncadd.s32 $0xFFFFFB00  }
0x9d: {  	[hbm:s24], [sflag:s8] =	dma.local [spmem:s13], $0x500  }
0x9e: {  	_ =	swait.ge [sflag:s3], $0x500  }
0x9f: {  	[sflag:s3] =	ssyncset.done $0x0  }
0xa0: {  	s25 =	rddreg [dreg:$0x12];
	[sflag:s3] =	ssyncadd.s32 $0xFFFFFB00  }
0xa1: {  	[hbm:s25], [sflag:s8] =	dma.local [spmem:s14], $0x500  }
0xa2: {  	_ =	swait.ge [sflag:s3], $0x500  }
0xa3: {  	[sflag:s3] =	ssyncset.done $0x0  }
0xa4: {  	s26 =	rddreg [dreg:$0x13];
	[sflag:s3] =	ssyncadd.s32 $0xFFFFFB00  }
0xa5: {  	[hbm:s26], [sflag:s8] =	dma.local [spmem:s15], $0x500  }
0xa6: {  	_ =	swait.ge [sflag:s3], $0x500  }
0xa7: {  	[sflag:s3] =	ssyncset.done $0x0  }
0xa8: {  	s28 =	rddreg [dreg:$0x14];
	[sflag:s3] =	ssyncadd.s32 $0xFFFFFB00  }
0xa9: {  	[hbm:s28], [sflag:s8] =	dma.local [spmem:s16], $0x500  }
0xaa: {  	_ =	swait.ge [sflag:s3], $0x500  }
0xab: {  	s7 =	sadd.s32 $0x1, s7;
	[sflag:s3] =	ssyncset.done $0x0  }
0xac: {  	p1 =	sne.s32 s7, s2;
	s9 =	rddreg [dreg:$0x15];
	[sflag:s3] =	ssyncadd.s32 $0xFFFFFB00  }
0xad: {  	[hbm:s9], [sflag:s8] =	dma.local @!p0 [spmem:s17], $0x500  }
.Ltmp2:
0xae: {  	_ = 	snop;
	(pc) =	sbr.rel @p1 .LBB2_1-.Ltmp2, $4  }
0xaf: {  	s8 =	simm.s32 @!p0 $0x2  }
0xb0: {  	_ =	swait.ge @!p0 [sflag:s8], $0x500  }
0xb1: {  	[sflag:s8] =	ssyncset.done @!p0 $0x0  }
0xb2: {  	[sflag:s8] =	ssyncadd.s32 @!p0 $0xFFFFFB00  }
0xb3: {  	_ =	sfence.sel $0x180000  }
0xb4: {  	[bflag:$0x0] =	sbarrier.arrive $0xFFFF  }
0xb5: {  	_ =	strace $0x90000056  }
0xb6: {  	s0 =	stileid.u32;
	[bflag:$0x2] =	sbarrier.arrive $0xFFFF  }
0xb7: {  	p0 =	sne.s32 s0, $0x0;
	s0 =	rddreg [dreg:$0x4]  }
0xb8: {  	s0 =	sadd.s32 @!p0 $0x100000, s0  }
0xb9: {  	[sflag:s0] =	ssyncadd.tile.s32 @!p0 $0x1;
	_ =	shalt  }
.Lfunc_end2:
_tile_overlayer_lowered:
.L_overlay_start_2:
0xba: {  	(tag) =	ssettag $0x2  }
0xbb: {  	s0 =	rddreg [dreg:$0x0];
	s2 =	stileid.u32  }
0xbc: {  	s1 =	rddreg [dreg:$0x1];
	p0 =	sne.s32 s2, $0x0  }
0xbd: {  	s3 =	rddreg [dreg:$0x2];
	[bflag:$0x3] =	sbarrier.arrive $0xFFFF;
	s2 =	simm.s32 @!p0 $0x1C02  }
0xbe: {  	[timem:s3], [sflag:s2] =	dma.local @!p0 [hbm:s0], s1  }
0xbf: {  	s0 =	simm.s32 @!p0 $0x2  }
0xc0: {  	_ =	swait.ge @!p0 [sflag:s0], s1  }
0xc1: {  	s1 =	ssub.s32 @!p0 $0x0, s1;
	[sflag:s0] =	ssyncset.done @!p0 $0x0  }
0xc2: {  	[sflag:s0] =	ssyncadd.s32 @!p0 s1  }
0xc3: {  	[bflag:$0x3] =	sbarrier.arrive $0xFFFF  }
0xc4: {  	_ =	shalt  }

// kernel: scatter_offload_async_start.1
scs
__scs_entry_jumppad:
0x0: {  	(pc) =	sbr.rel $0x88, $3  }
0x1: {  	(tag) =	ssettag $0x0;
	lr =	simm.s32 $0x1  }
0x2: {  	[smem:$0x3F98] =	sst lr;
	_ =	strace $0xD0000000  }
0x3: {  	_ = 	snop  }
0x4: {  	_ = 	snop  }
0x5: {  	_ = 	snop  }
0x6: {  	_ = 	snop  }
0x7: {  	_ = 	snop  }
__scs_overlays_trampoline_lowered:
0x8: {  	[smem:$0x3FA7] =	sst s0  }
0x9: {  	[smem:$0x3FA8] =	sst s1  }
0xa: {  	[smem:$0x3FA9] =	sst s2  }
0xb: {  	[smem:$0x3FAA] =	sst s3  }
0xc: {  	[smem:$0x3FAB] =	sst s4  }
0xd: {  	[smem:$0x3FAC] =	sst s5  }
0xe: {  	[smem:$0x3FAD] =	sst s6  }
0xf: {  	[smem:$0x3FAE] =	sst s7  }
0x10: {  	[smem:$0x3FAF] =	sst s8  }
0x11: {  	[smem:$0x3FB0] =	sst s9;
	s0 =	simm.s32 @!p0 $0x0  }
0x12: {  	s1 =	sld [smem:$0x3F96];
	s0 =	simm.s32 @p0 $0x1  }
0x13: {  	[smem:$0x3FB1] =	sst s0;
	s0 =	simm.s32 @!p1 $0x0  }
0x14: {  	s2 =	sld [smem:$0x3F95];
	s0 =	simm.s32 @p1 $0x1  }
0x15: {  	[smem:$0x3FB2] =	sst s0;
	s0 =	simm.s32 @!p2 $0x0  }
0x16: {  	s3 =	sld [smem:$0x3FDB];
	s0 =	simm.s32 @p2 $0x1  }
0x17: {  	s4 =	simm.s32 $0x1BF5;
	[smem:$0x3FB4] =	sst s0  }
0x18: {  	s0 =	sld [smem:$0x3F97];
	_ =	swait.ge [sflag:s4], $0x0  }
0x19: {  	s7 =	sld [smem:$0x3F98]  }
0x1a: {  	s8 =	sadd.s32 $0xFFFFE003, lr  }
0x1b: {  	s9 =	sadd.s32 $0xFFFFFEF7, lr;
	s5 =	simm.s32 $0xFFFFFFFF;
	p2 =	slt.u32 s8, $0xFFFFF086  }
0x1c: {  	p1 =	slt.u32 s9, $0xF7A;
	s5 =	simm.s32 @!p2 $0x0  }
0x1d: {  	s5 =	simm.s32 @p1 $0x1;
	p0 =	seq.s32 s7, s2  }
0x1e: {  	s7 =	smul.u32 @!p0 $0xF7A, s2;
	p2 =	seq.s32 @!p0 s5, $0x0  }
0x1f: {  	s9 =	smul.u32 $0xF7A, s1;
	s8 =	simm.s32 @!p0 $0x1BF5;
	p2 =	por !p2, p0  }
0x20: {  	[sflag:s8] =	ssyncset.s32 @!p0 $0xFFFFF086;
	s6 =	sadd.s32 @!p0 s3, s7;
	s7 =	simm.s32 @!p0 $0x108  }
0x21: {  	s3 =	sadd.s32 s3, s9;
	s6 =	sadd.s32 @!p0 $0x88, s6;
	s7 =	simm.s32 @p2 $0x1082  }
0x22: {  	[simem:s7], [sflag:s8] =	dma.local @!p0 [hbm:s6], $0xF7A  }
0x23: {  	s9 =	sor.u32 $0xD0000000, s2;
	s6 =	simm.s32 $0x108;
	_ =	swait.ge @!p0 [sflag:s8], $0x0  }
0x24: {  	s3 =	sadd.s32 $0x88, s3;
	s6 =	simm.s32 @!p1 $0x1082;
	[sflag:s4] =	ssyncset.s32 $0xFFFFF086  }
0x25: {  	[simem:s6], [sflag:s4] =	dma.local [hbm:s3], $0xF7A  }
0x26: {  	[smem:$0x3F98] =	sst s1;
	(tag) =	ssettag s2;
	_ =	strace s9  }
0x27: {  	s1 =	sld [smem:$0x3FA8]  }
0x28: {  	s2 =	sld [smem:$0x3FA9]  }
0x29: {  	s4 =	sld [smem:$0x3FAB]  }
0x2a: {  	p0 =	seq.s32 s5, $0x0;
	s5 =	sld [smem:$0x3FAC]  }
0x2b: {  	s6 =	sld [smem:$0x3FAD]  }
0x2c: {  	s7 =	sld [smem:$0x3FAE]  }
0x2d: {  	s3 =	simm.s32 $0x108;
	s8 =	sld [smem:$0x3FAF]  }
0x2e: {  	s3 =	simm.s32 @!p0 $0x1082;
	s9 =	sld [smem:$0x3FB0]  }
0x2f: {  	lr =	sadd.s32 s0, s3;
	s0 =	sld [smem:$0x3FA7]  }
0x30: {  	s3 =	sld [smem:$0x3FAA]  }
0x31: {  	[smem:$0x3FB3] =	sst s10  }
0x32: {  	s10 =	sld [smem:$0x3FB1];
	_ =	sdelay $0x3  }
0x33: {  	p0 =	seq.s32 s10, $0x1;
	s10 =	sld [smem:$0x3FB3];
	_ =	sdelay $0x3  }
0x34: {  	[smem:$0x3FB3] =	sst s10  }
0x35: {  	s10 =	sld [smem:$0x3FB2];
	_ =	sdelay $0x3  }
0x36: {  	p1 =	seq.s32 s10, $0x1;
	s10 =	sld [smem:$0x3FB3];
	_ =	sdelay $0x3  }
0x37: {  	[smem:$0x3FB3] =	sst s10  }
0x38: {  	s10 =	sld [smem:$0x3FB4]  }
0x39: {  	_ = 	snop;
	(pc) =	sbr.ind lr, $3  }
0x3a: {  	_ = 	snop  }
0x3b: {  	_ = 	snop  }
0x3c: {  	p2 =	seq.s32 s10, $0x1;
	s10 =	sld [smem:$0x3FB3]  }
0x3d: {  	_ =	shalt  }
0x3e: {  	_ =	shalt  }
0x3f: {  	_ =	shalt  }
0x40: {  	_ =	shalt  }
0x41: {  	_ =	shalt  }
0x42: {  	_ =	shalt  }
0x43: {  	_ =	shalt  }
0x44: {  	_ =	shalt  }
0x45: {  	_ =	shalt  }
0x46: {  	_ =	shalt  }
0x47: {  	_ =	shalt  }
0x48: {  	_ =	shalt  }
0x49: {  	_ =	shalt  }
0x4a: {  	_ =	shalt  }
0x4b: {  	_ =	shalt  }
0x4c: {  	_ =	shalt  }
0x4d: {  	_ =	shalt  }
0x4e: {  	_ =	shalt  }
0x4f: {  	_ =	shalt  }
0x50: {  	_ =	shalt  }
0x51: {  	_ =	shalt  }
0x52: {  	_ =	shalt  }
0x53: {  	_ =	shalt  }
0x54: {  	_ =	shalt  }
0x55: {  	_ =	shalt  }
0x56: {  	_ =	shalt  }
0x57: {  	_ =	shalt  }
0x58: {  	_ =	shalt  }
0x59: {  	_ =	shalt  }
0x5a: {  	_ =	shalt  }
0x5b: {  	_ =	shalt  }
0x5c: {  	_ =	shalt  }
0x5d: {  	_ =	shalt  }
0x5e: {  	_ =	shalt  }
0x5f: {  	_ =	shalt  }
0x60: {  	_ =	shalt  }
0x61: {  	_ =	shalt  }
0x62: {  	_ =	shalt  }
0x63: {  	_ =	shalt  }
0x64: {  	_ =	shalt  }
0x65: {  	_ =	shalt  }
0x66: {  	_ =	shalt  }
0x67: {  	_ =	shalt  }
0x68: {  	_ =	shalt  }
0x69: {  	_ =	shalt  }
0x6a: {  	_ =	shalt  }
0x6b: {  	_ =	shalt  }
0x6c: {  	_ =	shalt  }
0x6d: {  	_ =	shalt  }
0x6e: {  	_ =	shalt  }
0x6f: {  	_ =	shalt  }
0x70: {  	_ =	shalt  }
0x71: {  	_ =	shalt  }
0x72: {  	_ =	shalt  }
0x73: {  	_ =	shalt  }
0x74: {  	_ =	shalt  }
0x75: {  	_ =	shalt  }
0x76: {  	_ =	shalt  }
0x77: {  	_ =	shalt  }
0x78: {  	_ =	shalt  }
0x79: {  	_ =	shalt  }
0x7a: {  	_ =	shalt  }
0x7b: {  	_ =	shalt  }
0x7c: {  	_ =	shalt  }
0x7d: {  	_ =	shalt  }
0x7e: {  	_ =	shalt  }
0x7f: {  	_ =	shalt  }
0x80: {  	_ =	shalt  }
0x81: {  	_ =	shalt  }
0x82: {  	_ =	shalt  }
0x83: {  	_ =	shalt  }
0x84: {  	_ =	shalt  }
0x85: {  	_ =	shalt  }
0x86: {  	_ =	shalt  }
0x87: {  	_ =	shalt  }
.Lfunc_end0:
.L_simem_size_0:
called_computation.1_lowered:
.L_overlay_start_0:
0x88: {  	s0 =	sld [smem:$0x3FD9]  }
0x89: {  	s1 =	sld [smem:$0x3FFE];
	_ =	sdelay $0x3  }
0x8a: {  	s0 =	sadd.s32 s1, s0  }
0x8b: {  	[smem:$0x3FBF] =	sst s0  }
0x8c: {  	_ = 	snop  }
0x8d: {  	(tm) =	ssettm $0x1  }
0x8e: {  	s14 =	sld [smem:$0x3FFB];
	_ =	sdelay $0x3  }
0x8f: {  	_ =	strace s14  }
0x90: {  	s0 =	sld [smem:$0x3FFC];
	_ =	sdelay $0x3  }
0x91: {  	_ =	strace s0  }
0x92: {  	s0 =	sld [smem:$0x3FFD];
	_ =	sdelay $0x3  }
0x93: {  	_ =	strace s0  }
0x94: {  	_ =	strace $0x8FFFFFFF  }
0x95: {  	s15 =	sld [smem:$0x3FDB];
	_ =	sdelay $0x1  }
0x96: {  	s16 =	simm.s32 $_scs_section_size  }
0x97: {  	s2 =	simm.s32 $_size__tile_overlayer_lowered;
	s3 =	simm.s32 $_tile_overlayer_lowered  }
0x98: {  	s4 =	simm.s32 $0x1BFF;
	s17 =	sshll.u32 s3, $0x1;
	s1 =	sadd.s32 s16, s15  }
0x99: {  	s18 =	simm.s32 $0x0;
	s2 =	sshll.u32 s2, $0x1;
	s3 =	sadd.s32 s17, s1  }
0x9a: {  	[timem:s18], [sflag:s4] =	dma.local [hbm:s3], s2  }
0x9b: {  	_ =	swait.ge [sflag:s4], s2  }
0x9c: {  	s2 =	ssub.s32 $0x0, s2;
	[sflag:s4] =	ssyncset.done $0x0  }
0x9d: {  	[sflag:s4] =	ssyncadd.s32 s2;
	_ =	sdelay $0x1  }
0x9e: {  	s19 =	simm.s32 $0x1B8B  }
0x9f: {  	_ =	swait.ge [sflag:s19], $0x1  }
0xa0: {  	[sflag:s19] =	ssyncset.done $0x0  }
0xa1: {  	s21 =	simm.s32 $0x1B8E;
	s20 =	sld [smem:$0x3FFE];
	[sflag:s19] =	ssyncadd.s32 $0xFFFFFFFF  }
0xa2: {  	s22 =	simm.s32 $execute0_lowered;
	[smem:$0x3FD2] =	sst s21  }
0xa3: {  	s3 =	sshll.u32 s22, $0x1;
	_ =	strace $0x80000049;
	[dreg:$0x1] =	wrdreg $0xFFFFFFFF  }
0xa4: {  	s23 =	simm.s32 $_size_execute0_lowered;
	s3 =	sadd.s32 s1, s3;
	[dreg:$0x0] =	wrdreg $0x0  }
0xa5: {  	s4 =	sshll.u32 s23, $0x1;
	[dreg:$0x2] =	wrdreg s3  }
0xa6: {  	[dreg:$0x3] =	wrdreg s4  }
0xa7: {  	[dreg:$0x4] =	wrdreg $0xC0  }
0xa8: {  	s24 =	simm.s32 $execute1_lowered;
	_ =	task [dreg:s18], $0x5FFFF  }
0xa9: {  	s3 =	sshll.u32 s24, $0x1;
	[dreg:$0x1] =	wrdreg $0xFFFFFFFF  }
0xaa: {  	s1 =	sadd.s32 s1, s3;
	[dreg:$0x0] =	wrdreg $0x60  }
0xab: {  	[dreg:$0x2] =	wrdreg s1  }
0xac: {  	[dreg:$0x3] =	wrdreg s20  }
0xad: {  	[dreg:$0x4] =	wrdreg $0x9  }
0xae: {  	_ =	task.clear_ibuf [dreg:s18], $0x5FFFF;
	_ =	strace $0x90000049  }
0xaf: {  	s25 =	simm.s32 $0x9;
	_ =	strace $0x8000004B  }
0xb0: {  	_ =	swait.ge [sflag:s25], $0x1  }
0xb1: {  	[sflag:s25] =	ssyncadd.s32 $0xFFFFFFFF  }
0xb2: {  	_ =	strace $0x9000004B  }
0xb3: {  	_ =	strace $0x8000004C;
	[dreg:$0x1] =	wrdreg $0xFFFFFFFF  }
0xb4: {  	[dreg:$0x0] =	wrdreg $0x2030  }
0xb5: {  	[dreg:$0x2] =	wrdreg s20  }
0xb6: {  	[dreg:$0x3] =	wrdreg $0xA  }
0xb7: {  	_ =	task.clear_ibuf [dreg:s18], $0x4FFFF;
	_ =	strace $0x9000004C  }
0xb8: {  	s26 =	simm.s32 $0xA;
	_ =	strace $0x8000004E  }
0xb9: {  	_ =	swait.ge [sflag:s26], $0x1  }
0xba: {  	[sflag:s26] =	ssyncadd.s32 $0xFFFFFFFF  }
0xbb: {  	_ =	strace $0x9000004E  }
0xbc: {  	_ =	sfence  }
0xbd: {  	s28 =	sld [smem:$0x0];
	_ =	sdelay $0x1  }
0xbe: {  	s29 =	srdreg.scid  }
0xbf: {  	s30 =	sshll.u32 s29, $0xD;
	s31 =	sshrl.u32 s29, $0x2  }
0xc0: {  	s2 =	sand.u32 $0x1, s29;
	s3 =	sand.u32 $0x4000, s30;
	s1 =	sadd.s32 s31, s28  }
0xc1: {  	s2 =	sor.u32 s3, s2;
	s1 =	sshll.u32 s1, $0x11  }
0xc2: {  	s1 =	sor.u32 s1, s2  }
0xc3: {  	s1 =	sadd.s32 $0x8F2B, s1  }
0xc4: {  	[sflag:s1] =	ssyncadd.remote.s32 $0x1  }
0xc5: {  	_ =	sfence.sel $0xFFFF  }
0xc6: {  	[dreg:$0x0] =	wrdreg $0xFFFFFFFF;
	(pc) =	sbr.abs _section_cstart, $3  }
0xc7: {  	[dreg:$0x1] =	wrdreg $0xFFFFFFFF  }
0xc8: {  	_ =	task.clear_ibuf [dreg:s18], $0x2FFFF;
	_ =	strace $0x9FFFFFFF  }
0xc9: {  	(tm) =	ssettm $0x7FFFFFFF  }
tec
execute0_lowered:
.L_overlay_start_1:
0x0: {  	(tag) =	ssettag $0x1  }
0x1: {  	s3 =	rddreg [dreg:$0x0];
	s4 =	stileid.u32  }
0x2: {  	s5 =	rddreg [dreg:$0x1];
	s2 =	smul.u32 $0x3F00, s4  }
0x3: {  	s0 =	rddreg [dreg:$0x2];
	[bflag:$0x3] =	sbarrier.arrive $0xFFFF;
	s1 =	simm.s32 $_size_execute1_lowered  }
0x4: {  	s1 =	sshll.u32 s1, $0x1;
	p0 =	sne.s32 s4, $0x0;
	s6 =	ssub.s32 $0x7E0000, s2  }
0x5: {  	s4 =	simm.s32 @!p0 $0x1C3F;
	s7 =	simm.s32 @!p0 $0x4060;
	s8 =	smulhi.u32 $0x820821, s6  }
0x6: {  	[timem:s7], [sflag:s4] =	dma.local @!p0 [hbm:s3], s1  }
0x7: {  	s30 =	sshrl.u32 s8, $0x9  }
0x8: {  	s31 =	simm.s32 $0x2;
	s8 =	smul.u32 $0x3F000, s30  }
.Ltmp0:
0x9: {  	s10 =	simm.s32 $0x0;
	s9 =	simm.s32 $0x0;
	(pc) =	sbr.rel .LBB2_1-.Ltmp0, $4  }
0xa: {  	s3 =	sadd.s32 $0x43A00, s5;
	p1 =	sne.s32 s6, s8;
	s6 =	simm.s32 $0x1  }
0xb: {  	s4 =	simm.s32 $0x1;
	_ =	strace $0x8000004A;
	s6 =	simm.s32 @!p1 $0x0  }
0xc: {  	s5 =	sadd.s32 $0x13FA00, s5;
	[sflag:s4] =	ssyncpa.u1 $0x0;
	s6 =	sadd.s32 s6, s30  }
0xd: {  	[sflag:s31] =	ssyncpa.u1 $0x0;
	s8 =	smov.u32 s2;
	s7 =	sadd.s32 $0x1, s6  }
.LBB2_4:
0xe: {  	[tilespmem:s11+$0x30] =	vst v0  }
0xf: {  	[tilespmem:s11+$0x40] =	vst v1  }
0x10: {  	[tilespmem:s11+$0x50] =	vst v2  }
0x11: {  	[tilespmem:s11+$0x60] =	vst v3;
	s13 =	sshrl.u32 s10, $0x3  }
0x12: {  	[tilespmem:s11+$0xFFFFFF80] =	vst v4;
	s31 =	sand.u32 $0x7, s10;
	s30 =	sadd.s32 s5, s13  }
0x13: {  	[hbm4b:s30+s31] =	stream.linear.scatter [tilespmem:s12], [sflag:$0x2], $0x3F00, $0x38;
	[tilespmem:$0xFC00] =	vst v63  }
.LBB2_5:
0x14: {  	s12 =	sadd.s32 $0x3F000, s8  }
0x15: {  	p2 =	sgt.s32 s12, $0x7DFFFF  }
0x16: {  	s12 =	smov.u32 @p2 s2;
	p2 =	sne.s32 s9, s7  }
.Ltmp1:
0x17: {  	p1 =	slt.u32 s9, $0x2;
	(pc) =	sbr.rel @!p2 .LBB2_6-.Ltmp1, $4  }
0x18: {  	s11 =	simm.s32 @!p1 $0x2  }
0x19: {  	_ =	swait.ge @!p1 [sflag:s11], $0x3F00  }
0x1a: {  	s13 =	sadd.s32 $0x1, s9;
	s10 =	smov.u32 s8;
	[sflag:s11] =	ssyncset.done @!p1 $0x0  }
0x1b: {  	s9 =	smov.u32 s13;
	s8 =	smov.u32 s12;
	[sflag:s11] =	ssyncadd.s32 @!p1 $0xFFFFC100  }
.LBB2_1:
0x1c: {  	p1 =	sge.u32 s9, s6  }
0x1d: {  	s11 =	sxor.u32 @!p1 $0xFFFFFFFF, s9  }
0x1e: {  	s11 =	sand.u32 @!p1 $0x1, s11  }
0x1f: {  	s11 =	smul.u32 @!p1 $0xFC00, s11  }
0x20: {  	s31 =	sadd.s32 $0xFFFFFFFF, s9;
	s12 =	sshrl.u32 @!p1 s8, $0x3  }
0x21: {  	s13 =	sand.u32 @!p1 $0x7, s8;
	s12 =	sadd.s32 @!p1 s3, s12;
	s11 =	sshrl.u32 @!p1 s11, $0x2  }
0x22: {  	[tilespmem:s11], [sflag:$0x1] =	stream.linear.gather @!p1 [hbm4b:s12+s13], $0x3F00, $0x38;
	[tilespmem:$0xFC00] =	vst v63  }
0x23: {  	p1 =	sge.u32 s31, s6  }
.Ltmp2:
0x24: {  	_ = 	snop;
	(pc) =	sbr.rel @p1 .LBB2_5-.Ltmp2, $1  }
0x25: {  	_ =	sdelay $0x3  }
0x26: {  	s11 =	sand.u32 $0x1, s9  }
0x27: {  	_ =	swait.ge [sflag:s4], $0x3F00;
	s12 =	simm.s32 $0x3F00;
	p1 =	seq.s32 s11, $0x1  }
0x28: {  	[sflag:s4] =	ssyncset.done $0x0;
	s12 =	simm.s32 @!p1 $0x0  }
0x29: {  	[sflag:s4] =	ssyncadd.s32 $0xFFFFC100;
	s14 =	sor.u32 $0x80, s12  }
0x2a: {  	v0 =	vld [tilespmem:s14+$0x70]  }
0x2b: {  	v1 =	vld [tilespmem:s14+$0xFFFFFF90]  }
0x2c: {  	v2 =	vld [tilespmem:s14+$0xFFFFFFA0]  }
0x2d: {  	v3 =	vld [tilespmem:s14+$0xFFFFFFB0]  }
0x2e: {  	s11 =	sadd.s32 $0x7E80, s12;
	v4 =	vld [tilespmem:s14+$0xFFFFFFC0]  }
0x2f: {  	v5 =	vld [tilespmem:s14+$0xFFFFFFD0];
	[tilespmem:s11+$0x70] =	vst v0  }
0x30: {  	[tilespmem:s11+$0xFFFFFF90] =	vst v1;
	v0 =	vld [tilespmem:s14+$0xFFFFFFE0]  }
0x31: {  	[tilespmem:s11+$0xFFFFFFA0] =	vst v2;
	v1 =	vld [tilespmem:s14+$0xFFFFFFF0]  }
0x32: {  	[tilespmem:s11+$0xFFFFFFB0] =	vst v3;
	v2 =	vld [tilespmem:s14+$0x0]  }
0x33: {  	[tilespmem:s11+$0xFFFFFFC0] =	vst v4;
	v3 =	vld [tilespmem:s14+$0x10]  }
0x34: {  	[tilespmem:s11+$0xFFFFFFD0] =	vst v5;
	v5 =	vld [tilespmem:s14+$0x20]  }
0x35: {  	[tilespmem:s11+$0xFFFFFFE0] =	vst v0;
	v0 =	vld [tilespmem:s14+$0x30]  }
0x36: {  	[tilespmem:s11+$0xFFFFFFF0] =	vst v1;
	v1 =	vld [tilespmem:s14+$0x40]  }
0x37: {  	[tilespmem:s11+$0x0] =	vst v2;
	v2 =	vld [tilespmem:s14+$0x50]  }
0x38: {  	[tilespmem:s11+$0x10] =	vst v3;
	v3 =	vld [tilespmem:s14+$0x60]  }
0x39: {  	s13 =	simm.s32 $0x0;
	s12 =	sadd.s32 $0x7E00, s12;
	v4 =	vld [tilespmem:s14+$0xFFFFFF80];
	[tilespmem:s11+$0x20] =	vst v5;
	s14 =	sadd.s32 $0x100, s14  }
.LBB2_3:
0x3a: {  	v5 =	vld [tilespmem:s14+$0x70];
	s13 =	sadd.s32 $0x100, s13;
	[tilespmem:s11+$0x30] =	vst v0  }
0x3b: {  	v0 =	vld [tilespmem:s14+$0xFFFFFF90];
	p1 =	slt.u32 s13, $0x3E00;
	[tilespmem:s11+$0x40] =	vst v1  }
0x3c: {  	v1 =	vld [tilespmem:s14+$0xFFFFFFA0];
	[tilespmem:s11+$0x50] =	vst v2  }
0x3d: {  	v2 =	vld [tilespmem:s14+$0xFFFFFFB0];
	[tilespmem:s11+$0x60] =	vst v3  }
0x3e: {  	v3 =	vld [tilespmem:s14+$0xFFFFFFC0];
	[tilespmem:s11+$0xFFFFFF80] =	vst v4;
	s11 =	sadd.s32 $0x100, s11  }
0x3f: {  	v4 =	vld [tilespmem:s14+$0xFFFFFFD0];
	[tilespmem:s11+$0x70] =	vst v5  }
0x40: {  	[tilespmem:s11+$0xFFFFFF90] =	vst v0;
	v0 =	vld [tilespmem:s14+$0xFFFFFFE0]  }
0x41: {  	[tilespmem:s11+$0xFFFFFFA0] =	vst v1;
	v1 =	vld [tilespmem:s14+$0xFFFFFFF0]  }
0x42: {  	[tilespmem:s11+$0xFFFFFFB0] =	vst v2;
	v2 =	vld [tilespmem:s14+$0x0]  }
0x43: {  	[tilespmem:s11+$0xFFFFFFC0] =	vst v3;
	v3 =	vld [tilespmem:s14+$0x10]  }
0x44: {  	[tilespmem:s11+$0xFFFFFFD0] =	vst v4;
	v5 =	vld [tilespmem:s14+$0x20]  }
.Ltmp3:
0x45: {  	[tilespmem:s11+$0xFFFFFFE0] =	vst v0;
	v0 =	vld [tilespmem:s14+$0x30];
	(pc) =	sbr.rel @p1 .LBB2_3-.Ltmp3, $4  }
0x46: {  	[tilespmem:s11+$0xFFFFFFF0] =	vst v1;
	v1 =	vld [tilespmem:s14+$0x40]  }
0x47: {  	[tilespmem:s11+$0x0] =	vst v2;
	v2 =	vld [tilespmem:s14+$0x50]  }
0x48: {  	[tilespmem:s11+$0x10] =	vst v3;
	v3 =	vld [tilespmem:s14+$0x60]  }
0x49: {  	v4 =	vld [tilespmem:s14+$0xFFFFFF80];
	[tilespmem:s11+$0x20] =	vst v5;
	s14 =	sadd.s32 $0x100, s14  }
.Ltmp4:
0x4a: {  	_ = 	snop;
	(pc) =	sbr.rel .LBB2_4-.Ltmp4, $1  }
0x4b: {  	_ =	sdelay $0x3  }
.LBB2_6:
0x4c: {  	_ =	sfence.sel $0x180000  }
0x4d: {  	s2 =	simm.s32 $0x1;
	[bflag:$0x0] =	sbarrier.arrive $0xFFFF  }
0x4e: {  	s31 =	simm.s32 $0x2;
	[sflag:s2] =	ssyncpa.u1 $0x1  }
0x4f: {  	[sflag:s31] =	ssyncpa.u1 $0x1  }
0x50: {  	_ =	strace $0x9000004A  }
0x51: {  	s0 =	sadd.s32 @!p0 $0x100000, s0;
	[bflag:$0x2] =	sbarrier.arrive $0xFFFF  }
0x52: {  	[sflag:s0] =	ssyncadd.tile.s32 @!p0 $0x1;
	s0 =	simm.s32 @!p0 $0x3F  }
0x53: {  	_ =	swait.ge @!p0 [sflag:s0], s1  }
0x54: {  	s1 =	ssub.s32 @!p0 $0x0, s1;
	[sflag:s0] =	ssyncset.done @!p0 $0x0  }
0x55: {  	[sflag:s0] =	ssyncadd.s32 @!p0 s1  }
0x56: {  	[bflag:$0x3] =	sbarrier.arrive $0xFFFF  }
0x57: {  	_ =	shalt  }
.Lfunc_end2:
execute1_lowered:
.L_overlay_start_2:
0x58: {  	(tag) =	ssettag $0x2  }
0x59: {  	s0 =	rddreg [dreg:$0x0];
	_ =	strace $0x8000004D;
	s15 =	stileid.u32  }
0x5a: {  	s2 =	simm.s32 $0x1;
	s1 =	smin.u32 s15, $0x8;
	s3 =	sshll.u32 s15, $0x1  }
0x5b: {  	[sflag:s2] =	ssyncpa.u1 $0x0;
	s1 =	sadd.s32 s1, s3  }
0x5c: {  	v1 =	vimm.s32 $0xFFFFFFFF;
	p0 =	slt.u32 s15, $0x8;
	s4 =	smul.u32 $0x1F40, s1;
	s1 =	simm.s32 $0x5DC0  }
0x5d: {  	[tilespmem:$0x10] =	vst v1;
	s1 =	simm.s32 @!p0 $0x3E80  }
0x5e: {  	v0 =	vimm.f32 $-Inf;
	[tilespmem:$0x20] =	vst v1;
	s1 =	sadd.s32 s1, s4  }
0x5f: {  	[tilespmem:$0x30] =	vst v0;
	s5 =	smin.u32 s1, $0x4E200  }
0x60: {  	s7 =	simm.s32 $0x2;
	[tilespmem:$0x40] =	vst v0;
	s9 =	ssub.s32 s5, s4  }
0x61: {  	s8 =	simm.s32 $0x8;
	s30 =	simm.s32 $0x9;
	[tilespmem:$0x50] =	vst v0;
	p0 =	sgt.s32 s9, $0x0  }
0x62: {  	s16 =	simm.s32 $0x0;
	s17 =	simm.s32 $0xF0;
	[tilespmem:$0x60] =	vst v1;
	s9 =	simm.s32 @!p0 $0x0  }
0x63: {  	s18 =	simm.s32 $0xFFFFFFFF;
	s19 =	simm.s32 $0xFFFFC280;
	[tilespmem:$0x70] =	vst v1;
	s29 =	smulhi.u32 $0x10624DD3, s9  }
0x64: {  	s20 =	simm.s32 $0xFFFFFFFE;
	s21 =	simm.s32 $0xF;
	s25 =	simm.s32 $0x0;
	[tilespmem:$0x80] =	vst v1  }
0x65: {  	s24 =	simm.s32 $0x0;
	s6 =	sadd.s32 $0x1E800, s0;
	v1 =	vimm.s32 $0x0;
	[tilespmem:$0xB0] =	vst v0;
	s10 =	sshrl.u32 s29, $0x9  }
0x66: {  	s15 =	sshllo.u32 s15, $0x1;
	s13 =	sor.u32 $0x80, s3;
	[tilespmem:$0x90] =	vst v1;
	s11 =	smul.u32 $0x1F40, s10  }
0x67: {  	s14 =	sor.u32 $0x81, s3;
	[tilespmem:$0xA0] =	vst v1;
	[sflag:s7] =	ssyncpa.u1 $0x0;
	s7 =	simm.s32 $0x7  }
.Ltmp5:
0x68: {  	[sflag:s7] =	ssyncpa.u1 $0x0;
	p0 =	sne.s32 s9, s11;
	(pc) =	sbr.rel .LBB3_1-.Ltmp5, $4  }
0x69: {  	[sflag:s8] =	ssyncpa.u1 $0x0;
	s23 =	smov.u32 s4;
	s2 =	simm.s32 @!p0 $0x0  }
0x6a: {  	s1 =	sadd.s32 $0x13FA00, s0;
	s0 =	sadd.s32 $0x28600, s0;
	s10 =	sadd.s32 s2, s10  }
0x6b: {  	vm0 =	vmmov $0xffff;
	v2 =	vlaneseq.u32;
	vm1 =	vmxor vm1, vm1;
	[sflag:s30] =	ssyncpa.u1 $0x0;
	[dreg:$0x2] =	wrdreg s0;
	s31 =	sadd.s32 $0x1, s10  }
0x6c: {  	vm2 =	vmmov $0x1;
	v3 =	vimm.f32 $0.0e+00;
	vm3 =	vcmask $0x3F3C;
	p0 =	por $0x0, $0x0;
	s12 =	sadd.s32 $0x2, s10;
	[dreg:$0x3] =	wrdreg s31  }
.LBB3_9:
0x6d: {  	p1 =	slt.u32 s24, $0x3  }
0x6e: {  	s0 =	simm.s32 @!p1 $0x2  }
0x6f: {  	_ =	swait.ge @!p1 [sflag:s0], $0x1F40  }
0x70: {  	[sflag:s0] =	ssyncset.done @!p1 $0x0  }
0x71: {  	[sflag:s0] =	ssyncadd.s32 @!p1 $0xFFFFE0C0;
	s0 =	simm.s32 @!p1 $0x9  }
0x72: {  	_ =	swait.ge @!p1 [sflag:s0], $0x10  }
0x73: {  	[sflag:s0] =	ssyncset.done @!p1 $0x0  }
0x74: {  	[sflag:s0] =	ssyncadd.s32 @!p1 $0xFFFFFFF0;
	p1 =	sne.s32 s24, s12  }
.Ltmp6:
0x75: {  	s2 =	sadd.s32 $0x1F40, s23;
	(pc) =	sbr.rel @!p1 .LBB3_10-.Ltmp6, $4  }
0x76: {  	s9 =	smov.u32 s4;
	s31 =	sadd.s32 $0x1, s24;
	s17 =	sadd.s32 $0x1F40, s17  }
0x77: {  	s18 =	sadd.s32 $0x1, s18;
	s25 =	smov.u32 s23;
	p2 =	slt.s32 s2, s5  }
0x78: {  	p0 =	por !p0, !p0;
	s19 =	sadd.s32 $0x1F40, s19;
	s9 =	smov.u32 @p2 s2  }
0x79: {  	s20 =	sadd.s32 $0x1, s20;
	s23 =	smov.u32 s9;
	s24 =	smov.u32 s31  }
.LBB3_1:
0x7a: {  	p1 =	sge.u32 s24, s10  }
0x7b: {  	s0 =	smulhi.u32 @!p1 $0xAAAAAAAB, s24;
	_ =	sdelay $0x1  }
0x7c: {  	s0 =	sshrl.u32 @!p1 s0, $0x1  }
0x7d: {  	s0 =	smul.u32 @!p1 $0x3, s0;
	_ =	sdelay $0x1  }
0x7e: {  	s0 =	ssub.s32 @!p1 s24, s0  }
0x7f: {  	s0 =	smul.u32 @!p1 $0x7D00, s0;
	_ =	sdelay $0x1  }
0x80: {  	s2 =	sshrl.u32 @!p1 s23, $0x3;
	s0 =	sshrl.u32 @!p1 s0, $0x2  }
0x81: {  	s9 =	sand.u32 @!p1 $0x7, s23;
	s2 =	sadd.s32 @!p1 s6, s2;
	s0 =	sadd.s32 @!p1 $0x100, s0  }
0x82: {  	[tilespmem:s0], [sflag:$0x7] =	stream.linear.gather @!p1 [hbm4b:s2+s9], $0x1F40, $0x38;
	[tilespmem:$0x11A60] =	vst v63  }
0x83: {  	s0 =	sadd.s32 $0xFFFFFFFF, s24  }
0x84: {  	p1 =	sge.u32 s0, s10  }
.Ltmp7:
0x85: {  	_ = 	snop;
	(pc) =	sbr.rel @p1 .LBB3_5-.Ltmp7, $1  }
0x86: {  	_ =	sdelay $0x3  }
0x87: {  	s2 =	smulhi.u32 $0xAAAAAAAB, s0;
	_ =	sdelay $0x1  }
0x88: {  	s2 =	sshrl.u32 s2, $0x1  }
0x89: {  	s2 =	smul.u32 $0x3, s2;
	_ =	sdelay $0x1  }
0x8a: {  	s2 =	ssub.s32 s0, s2  }
0x8b: {  	s2 =	smul.u32 $0x7D00, s2  }
0x8c: {  	_ =	swait.ge [sflag:s7], $0x1F40  }
0x8d: {  	[sflag:s7] =	ssyncset.done $0x0;
	s2 =	sshrl.u32 s2, $0x2  }
0x8e: {  	[sflag:s7] =	ssyncadd.s32 $0xFFFFE0C0;
	(ifvalue) =	ssetifvalue $0xFFFFFFFF;
	v4 =	vld.msk [tilespmem:s2+$0x100 ss:$0x1], $0xffff;
	_ =	sdelay $0x2  }
0x8f: {  	s29 =	smulhi.u32 $0xAAAAAAAB, s18;
	p1 =	sne.s32 s24, $0x1  }
0x90: {  	v5 =	vimm.s32 @!p1 $0x0  }
0x91: {  	s2 =	sshrl.u32 s29, $0x1;
	v5 =	vperm.xlane @!p1 v4, v5  }
0x92: {  	s9 =	sshll.u32 s24, $0x4;
	s2 =	smul.u32 $0xFFFE8900, s2;
	vm4 =	vlt.u32 v4, $0x7E0000  }
0x93: {  	s9 =	sand.u32 $0x10, s9;
	v4 =	vnsel vm4, $0xFFFFFFFE, v4;
	vm4 =	vlt.u32 @!p1 v5, $0x7E0000  }
0x94: {  	s2 =	sshra.s32 s2, $0x2;
	[tilespmem:s9+$0x60] =	vst v4;
	v4 =	vnsel @!p1 vm4, $0xFFFFFFFE, v5  }
0x95: {  	s30 =	sadd.s32 s2, s17;
	[tilespmem:$0x80] =	vst @!p1 v4  }
0x96: {  	v4 =	vld.msk [tilespmem:s30+$0x0 ss:$0x1], $0xffff;
	_ =	sdelay $0x4  }
0x97: {  	(xrf1) =	vunique.msk.u32 $0xffff, v4;
	_ =	sdelay $0xd  }
0x98: {  	v5 =	vimm.s32 $0xFFFFFFFF;
	v6, _, _ =	vpop (xrf1)  }
0x99: {  	vm5 =	vne.s32 v4, v5;
	vm4 =	veq.s32 v6, v2  }
0x9a: {  	vm6 =	vlt.u32 v4, $0x7E0000;
	vm4 =	vmand vm5, vm4  }
0x9b: {  	vm4 =	vmand vm6, vm4  }
0x9c: {  	v5 =	vnsel vm4, $0xFFFFFFFF, v4  }
0x9d: {  	s31 =	sand.u32 $0x1, s0  }
0x9e: {  	s26 =	simm.s32 $0x1F40;
	p1 =	seq.s32 s31, $0x1  }
0x9f: {  	s26 =	simm.s32 @!p1 $0x0  }
0xa0: {  	s28 =	sadd.s32 $0x7DF0, s26;
	(ifvalue) =	ssetifvalue $0xFFFFFFFF  }
0xa1: {  	v4 =	vperm.xlane v4, v1;
	[tilespmem:s28], [sflag:$0x8] =	stream.indirect_vreg.gather [hbm4b:s1+s16], $0x1, v5, vm0, $0x4038;
	v5 =	vnsel vm6, $0xFFFFFFFE, v5;
	[tilespmem:$0x11A60] =	vst v63  }
0xa2: {  	s0 =	simm.s32 $0x0;
	s2 =	sadd.s32 $0xFFFFFFF0, s30;
	[tilespmem:s30+$0x0] =	vst v5  }
.LBB3_3:
0xa3: {  	v5 =	vld.msk [tilespmem:s2+$0x0 ss:$0x1], $0xffff;
	s0 =	sadd.s32 $0x10, s0;
	v6 =	vmov v4;
	s9 =	smov.u32 s2  }
0xa4: {  	p1 =	slt.u32 s0, $0x1F30;
	_ =	sdelay $0x4  }
0xa5: {  	v4 =	vperm.xlane v5, v1;
	(xrf1) =	vunique.msk.u32 $0xffff, v5;
	_ =	sdelay $0xd  }
0xa6: {  	v7, _, _ =	vpop (xrf1)  }
0xa7: {  	vm5 =	vne.s32 v5, v6;
	vm4 =	veq.s32 v7, v2  }
0xa8: {  	vm6 =	vlt.u32 v5, $0x7E0000;
	vm4 =	vmand vm5, vm4  }
0xa9: {  	vm4 =	vmand vm6, vm4  }
0xaa: {  	v5 =	vnsel vm4, $0xFFFFFFFF, v5  }
.Ltmp8:
0xab: {  	v6 =	vnsel vm6, $0xFFFFFFFE, v5;
	(pc) =	sbr.rel @p1 .LBB3_3-.Ltmp8, $3  }
0xac: {  	_ =	sdelay $0x1  }
0xad: {  	s2 =	sadd.s32 $0xFFFFFFF0, s2;
	s28 =	sadd.s32 $0xFFFFFFF0, s28;
	(ifvalue) =	ssetifvalue $0xFFFFFFFF  }
0xae: {  	[tilespmem:s28], [sflag:$0x8] =	stream.indirect_vreg.gather [hbm4b:s1+s16], $0x1, v5, vm0, $0x4038;
	[tilespmem:s9+$0x0] =	vst v6  }
0xaf: {  	s0 =	sshrl.u32 s25, $0x3;
	s2 =	rddreg [dreg:$0x2]  }
0xb0: {  	s31 =	sadd.s32 $0x9D40, s26;
	s0 =	sadd.s32 s2, s0  }
0xb1: {  	[tilespmem:s31], [sflag:$0x8] =	stream.linear.gather [hbm:s0], $0x1F40, $0x38;
	[tilespmem:$0x11A60] =	vst v63  }
.LBB3_5:
0xb2: {  	p1 =	slt.u32 s24, $0x2  }
0xb3: {  	p2 =	sge.u32 @!p1 s24, s12  }
0xb4: {  	p1 =	por p1, p2  }
.Ltmp9:
0xb5: {  	_ = 	snop;
	(pc) =	sbr.rel @p1 .LBB3_9-.Ltmp9, $1  }
0xb6: {  	_ =	sdelay $0x3  }
0xb7: {  	s0 =	sadd.s32 $0xFFFFFFFE, s24  }
0xb8: {  	s2 =	smulhi.u32 $0xAAAAAAAB, s0;
	_ =	sdelay $0x1  }
0xb9: {  	s2 =	sshrl.u32 s2, $0x1  }
0xba: {  	s2 =	smul.u32 $0x3, s2;
	_ =	sdelay $0x1  }
0xbb: {  	_ =	swait.ge [sflag:s8], $0x3E80;
	s0 =	ssub.s32 s0, s2  }
0xbc: {  	s9 =	rddreg [dreg:$0x3];
	s0 =	smul.u32 $0x1F40, s0  }
0xbd: {  	[sflag:s8] =	ssyncset.done $0x0;
	p1 =	sne.s32 s24, s9  }
0xbe: {  	[sflag:s8] =	ssyncadd.s32 $0xFFFFC180;
	s2 =	sadd.s32 @!p1 $0x203F, s0  }
0xbf: {  	[spmem:s14] =	stream.linear.scatter @!p1 [tilespmem:s2], [sflag:$0x1], $0x1, $0x38;
	[tilespmem:$0x11A60] =	vst v63  }
0xc0: {  	s2 =	simm.s32 @!p1 $0x1  }
0xc1: {  	_ =	swait.ge @!p1 [sflag:s2], $0x1  }
0xc2: {  	s9 =	sshll.u32 s24, $0x4;
	[sflag:s2] =	ssyncset.done @!p1 $0x0  }
0xc3: {  	s25 =	sand.u32 $0x10, s9;
	[sflag:s2] =	ssyncadd.s32 @!p1 $0xFFFFFFFF  }
0xc4: {  	s2 =	sxor.u32 $0x10, s25;
	v5 =	vld [tilespmem:s25+$0x10]  }
0xc5: {  	v6 =	vld [tilespmem:s2+$0x60]  }
0xc6: {  	v4 =	vld [tilespmem:$0x80];
	_ =	sdelay $0x2  }
0xc7: {  	(v2sf) =	vpush v5, $0x0  }
0xc8: {  	(v2sf) =	vpush v6, $0x0  }
0xc9: {  	(v2sf) =	vpush v4, $0x0;
	_ =	sdelay $0xc  }
0xca: {  	s11 =	spop (v2sf)  }
0xcb: {  	s22 =	spop (v2sf)  }
0xcc: {  	s28 =	spop (v2sf)  }
0xcd: {  	p2 =	seq.s32 s11, s22;
	p3 =	seq.s32 s28, s11  }
0xce: {  	p3 =	por p2, p3  }
0xcf: {  	s26 =	sand.u32 $0x1, s24;
	v5 =	vpsel p3, $0xFFFFFFFF, v5  }
0xd0: {  	s29 =	smul.u32 $0x1F40, s26;
	[tilespmem:s25+$0x10] =	vst.msk $0x1, v5  }
0xd1: {  	v5 =	vld [tilespmem:$0x30]  }
0xd2: {  	v6 =	vld [tilespmem:s29+$0x9D40]  }
0xd3: {  	v7 =	vld [tilespmem:s25+$0x40];
	_ =	sdelay $0x2  }
0xd4: {  	vm4 =	vmmov vm1  }
0xd5: {  	vm5 =	vmmov vm2;
	s9 =	sshll.u32 s26, $0x4;
	vm4 =	vmmov @p2 vm2;
	v6 =	vmax.f32 v5, v6  }
0xd6: {  	s26 =	sor.u32 $0x11A40, s9;
	vm5 =	vmmov @p3 vm1;
	v5 =	vmax.f32 v5, v7;
	[tilespmem:s29+$0x9D40] =	vst.msk vm4, v6  }
0xd7: {  	[tilespmem:s26+$0x0] =	vst.msk vm5, v5  }
0xd8: {  	v5 =	vld [tilespmem:s29+$0x7DF0];
	_ =	sdelay $0x4  }
0xd9: {  	v5 =	vshift.insert v5, v3, s21  }
0xda: {  	s11 =	sor.u32 $0x40, s2  }
0xdb: {  	v6 =	vimm.f32 $-Inf;
	[tilespmem:s11+$0x0] =	vst.msk $0x1, v5  }
0xdc: {  	[tilespmem:s29+$0x7DFF] =	vst.msk $0x1, v6  }
0xdd: {  	v5 =	vld [tilespmem:s0+$0x2030]  }
0xde: {  	s22 =	smulhi.u32 $0xAAAAAAAB, s20;
	_ =	sdelay $0x1  }
0xdf: {  	s9 =	simm.s32 $0x1;
	s0 =	sshrl.u32 s22, $0x1  }
0xe0: {  	s9 =	simm.s32 @!p0 $0x0;
	s0 =	smul.u32 $0xFFFE8900, s0  }
0xe1: {  	s9 =	smul.u32 $0x7D00, s9;
	v5 =	vshift.insert v5, v1, s21  }
0xe2: {  	s0 =	sshra.s32 s0, $0x2  }
0xe3: {  	s9 =	sshrl.u32 s9, $0x2;
	s22 =	sadd.s32 s0, s19;
	[tilespmem:s2+$0x10] =	vst.msk $0x1, v5  }
0xe4: {  	s2 =	sadd.s32 $0x9D40, s9;
	v7 =	vld [tilespmem:s22+$0x0]  }
0xe5: {  	v8 =	vld [tilespmem:s2+$0x0];
	_ =	sdelay $0x4  }
0xe6: {  	vm4 =	vne.s32 v7, $0xFFFFFFFF;
	v6 =	vmax.f32 v8, v6  }
0xe7: {  	(xrf0) =	vmax.seg.scan.f32 vm4, v6  }
0xe8: {  	s11 =	sadd.s32 $0x5EC0, s9;
	v8 =	vld [tilespmem:$0xA0]  }
0xe9: {  	v9 =	vld [tilespmem:s11+$0x0];
	_ =	sdelay $0x1  }
0xea: {  	v6 =	vperm.xlane v5, v1;
	_ =	sdelay $0x1  }
0xeb: {  	vm6 =	veq.s32 v7, v4;
	vm7 =	veq.s32 v7, v6;
	vm5 =	veq.s32 v8, $0x1;
	v8, _, _ =	vpop (xrf0)  }
0xec: {  	vm8 =	vgt.u32 v7, $0xFFFFFFFD;
	vm7 =	vmor vm7, vm6;
	v9 =	vmax.f32 v8, v9  }
0xed: {  	s30 =	sadd.s32 $0xDBC0, s9;
	v10 =	vld [tilespmem:$0x90];
	vm7 =	vmor vm7, vm8;
	v9 =	vsel vm6, v8, v9  }
0xee: {  	[tilespmem:s30+$0x0] =	vst v9;
	v9 =	vsel vm7, $0xFFFFFFFF, v7;
	_ =	sdelay $0x1  }
0xef: {  	vm9 =	vmand vm4, vm3  }
0xf0: {  	s31 =	simm.s32 $0x0;
	s9 =	sadd.s32 $0x10, s11;
	s0 =	sadd.s32 $0x10, s2;
	v11 =	vsel vm9, $0xFF800000, v8  }
0xf1: {  	s2 =	sadd.s32 $0x10, s22;
	s22 =	sadd.s32 $0x10, s30;
	vm4 =	vmor vm5, vm6;
	v7 =	vsel vm6, v8, v10;
	v8 =	vshift.insert v11, v0, s21;
	(ifvalue) =	ssetifvalue $0xFFFFFFFF  }
.LBB3_7:
0xf2: {  	[hbm4b:s1+s16] =	stream.indirect_vreg.scatter [tilespmem:s30], [sflag:$0x2], $0x1, v9, vm0, $0x4038;
	[tilespmem:$0x11A60] =	vst v63  }
0xf3: {  	s31 =	sadd.s32 $0x10, s31;
	s30 =	smov.u32 s22;
	v9 =	vld [tilespmem:s2+$0x0]  }
0xf4: {  	p2 =	slt.u32 s31, $0x1F30;
	v10 =	vld [tilespmem:s0+$0x0];
	_ =	sdelay $0x4  }
0xf5: {  	vm5 =	vne.s32 v9, $0xFFFFFFFF;
	v8 =	vmax.f32 v10, v8  }
0xf6: {  	(xrf0) =	vmax.seg.scan.f32 vm5, v8;
	_ =	sdelay $0x1  }
0xf7: {  	v8 =	vld [tilespmem:s9+$0x0]  }
0xf8: {  	vm6 =	veq.s32 v9, v4;
	vm7 =	veq.s32 v9, v6  }
0xf9: {  	vm8 =	vgt.u32 v9, $0xFFFFFFFD;
	vm4 =	vmor vm4, vm6;
	vm7 =	vmor vm7, vm6  }
0xfa: {  	vm7 =	vmor vm7, vm8  }
.Ltmp10:
0xfb: {  	vm5 =	vmand vm5, vm3;
	v9 =	vsel vm7, $0xFFFFFFFF, v9;
	v10, _, _ =	vpop (xrf0);
	(pc) =	sbr.rel @p2 .LBB3_7-.Ltmp10, $4  }
0xfc: {  	v7 =	vsel vm6, v10, v7;
	v8 =	vmax.f32 v10, v8;
	v11 =	vsel vm5, $0xFF800000, v10  }
0xfd: {  	v10 =	vsel vm6, v10, v8;
	v8 =	vshift.insert v11, v0, s21  }
0xfe: {  	s2 =	sadd.s32 $0x10, s2;
	s0 =	sadd.s32 $0x10, s0;
	[tilespmem:s22+$0x0] =	vst v10  }
0xff: {  	s9 =	sadd.s32 $0x10, s9;
	s22 =	sadd.s32 $0x10, s22;
	(ifvalue) =	ssetifvalue $0xFFFFFFFF  }
0x100: {  	_ =	sdelay $0x3  }
0x101: {  	[hbm4b:s1+s16] =	stream.indirect_vreg.scatter [tilespmem:s30], [sflag:$0x2], $0x1, v9, vm0, $0x4038;
	[tilespmem:$0x11A60] =	vst v63  }
0x102: {  	v4 =	vld [tilespmem:s29+$0xFAF0];
	_ =	sdelay $0x4  }
0x103: {  	v4 =	vshift.insert v4, v3, s21  }
0x104: {  	s0 =	simm.s32 $0x30  }
0x105: {  	[tilespmem:s0+$0x0] =	vst.msk $0x1, v4  }
0x106: {  	v4 =	vsel vm4, $0x1, v1;
	[tilespmem:$0x90] =	vst v7  }
0x107: {  	s0 =	sadd.s32 @!p1 $0xFAFF, s29;
	[tilespmem:$0xA0] =	vst v4  }
0x108: {  	[spmem:s15] =	stream.linear.scatter @!p1 [tilespmem:s0], [sflag:$0x1], $0x1, $0x38;
	[tilespmem:$0x11A60] =	vst v63  }
0x109: {  	s0 =	simm.s32 @!p1 $0x1  }
0x10a: {  	v4 =	vmctz.xlane @!p1 vm4;
	_ =	swait.ge @!p1 [sflag:s0], $0x1  }
0x10b: {  	(v2sf) =	vpush @!p1 v5, $0x0  }
0x10c: {  	(v2sf) =	vpush @!p1 v4, $0x0;
	_ =	sdelay $0xd  }
0x10d: {  	s2 =	spop @!p1 (v2sf)  }
0x10e: {  	s9 =	spop @!p1 (v2sf)  }
0x10f: {  	p2 =	sne.s32 @!p1 s28, s2;
	p3 =	slt.s32 @!p1 s9, $0xF  }
0x110: {  	[sflag:s0] =	ssyncset.done @!p1 $0x0;
	p2 =	por p2, p1;
	p3 =	por !p3, p1  }
0x111: {  	[sflag:s0] =	ssyncadd.s32 @!p1 $0xFFFFFFFF;
	v4 =	vimm.s32 @!p2 $0xFFFFFFFF;
	s9 =	simm.s32 @p3 $0xF  }
0x112: {  	[tilespmem:$0x80] =	vst @!p2 v4;
	s2 =	sadd.s32 @!p1 $0x90, s9  }
0x113: {  	[spmem:s3] =	stream.linear.scatter @!p1 [tilespmem:s2], [sflag:$0x1], $0x1, $0x38;
	[tilespmem:$0x11A60] =	vst v63  }
0x114: {  	_ =	swait.ge @!p1 [sflag:s0], $0x1  }
0x115: {  	[sflag:s0] =	ssyncset.done @!p1 $0x0  }
0x116: {  	s2 =	simm.s32 @!p1 $0x80;
	[sflag:s0] =	ssyncadd.s32 @!p1 $0xFFFFFFFF  }
0x117: {  	[spmem:s13] =	stream.linear.scatter @!p1 [tilespmem:s2], [sflag:$0x1], $0x1, $0x38;
	[tilespmem:$0x11A60] =	vst v63  }
0x118: {  	_ =	swait.ge @!p1 [sflag:s0], $0x1  }
0x119: {  	[sflag:s0] =	ssyncset.done @!p1 $0x0  }
0x11a: {  	[sflag:s0] =	ssyncadd.s32 @!p1 $0xFFFFFFFF;
	(ifvalue) =	ssetifvalue $0xFFFFFFFF;
	v4 =	vld [tilespmem:s25+$0x10];
	_ =	sdelay $0x3  }
.Ltmp11:
0x11b: {  	_ = 	snop;
	(pc) =	sbr.rel .LBB3_9-.Ltmp11, $3  }
0x11c: {  	_ =	sdelay $0x1  }
0x11d: {  	(ifvalue) =	ssetifvalue $0xFFFFFFFF  }
0x11e: {  	[hbm4b:s1+s16] =	stream.indirect_vreg.scatter [tilespmem:s26], [sflag:$0x9], $0x1, v4, vm0, $0x4038;
	[tilespmem:$0x11A60] =	vst v63  }
.LBB3_10:
0x11f: {  	_ =	sfence.sel $0x180000  }
0x120: {  	s0 =	simm.s32 $0x7;
	[bflag:$0x0] =	sbarrier.arrive $0xFFFF  }
0x121: {  	s26 =	simm.s32 $0x8;
	[sflag:s0] =	ssyncpa.u1 $0x1  }
0x122: {  	s28 =	simm.s32 $0x9;
	[sflag:s26] =	ssyncpa.u1 $0x1  }
0x123: {  	[sflag:s28] =	ssyncpa.u1 $0x1  }
0x124: {  	_ =	sfence.stream.spmem  }
0x125: {  	s29 =	simm.s32 $0x3;
	[bflag:$0x0] =	sbarrier.arrive $0xFFFF  }
0x126: {  	s30 =	simm.s32 $0x4;
	[sflag:s29] =	ssyncpa.u1 $0x1  }
0x127: {  	s31 =	simm.s32 $0x3C;
	s2 =	stileid.u32;
	[sflag:s30] =	ssyncpa.u1 $0x1  }
0x128: {  	p0 =	sne.s32 s2, $0x0;
	[sflag:s31] =	ssyncpa.u1 $0x1  }
0x129: {  	s0 =	simm.s32 @p0 $0x1;
	_ =	sfence @p0  }
0x12a: {  	[sflag:s0] =	ssyncpa.u1 @p0 $0x1;
	s0 =	simm.s32 @p0 $0x2  }
0x12b: {  	[sflag:s0] =	ssyncpa.u1 @p0 $0x1  }
0x12c: {  	_ =	strace @p0 $0x9000004D  }
0x12d: {  	[bflag:$0x2] =	sbarrier.arrive @p0 $0xFFFF  }
0x12e: {  	_ =	shalt @p0  }
.LBB3_11:
0x12f: {  	_ =	sfence.stream.spmem;
	s0 =	simm.s32 $0x5  }
0x130: {  	s2 =	simm.s32 $0x80;
	s3 =	simm.s32 $0xC0;
	[sflag:s0] =	ssyncpa.u1 $0x0  }
0x131: {  	[tilespmem:s3], [sflag:$0x5] =	stream.linear.gather [spmem:s2], $0x20, $0x38;
	[tilespmem:$0x11A60] =	vst v63  }
0x132: {  	s30 =	simm.s32 $0xE0;
	s2 =	simm.s32 $0x0  }
0x133: {  	[tilespmem:s30], [sflag:$0x5] =	stream.linear.gather [spmem:s2], $0x20, $0x38;
	[tilespmem:$0x11A60] =	vst v63  }
.Ltmp12:
0x134: {  	_ = 	snop;
	(pc) =	sbr.rel .LBB3_12-.Ltmp12, $4  }
0x135: {  	_ =	swait.ge [sflag:s0], $0x40  }
0x136: {  	[sflag:s0] =	ssyncset.done $0x0  }
0x137: {  	s31 =	simm.s32 $0x6;
	[sflag:s0] =	ssyncadd.s32 $0xFFFFFFC0  }
0x138: {  	s3 =	simm.s32 $0x0;
	[sflag:s31] =	ssyncpa.u1 $0x0  }
.LBB3_17:
0x139: {  	p0 =	sgt.u32 s4, $0x7DFFFF  }
0x13a: {  	s0 =	sshrl.u32 @!p0 s4, $0x3  }
0x13b: {  	s4 =	sand.u32 @!p0 $0x7, s4;
	s5 =	simm.s32 @!p0 $0xB0;
	s0 =	sadd.s32 @!p0 s1, s0  }
0x13c: {  	[tilespmem:s5], [sflag:$0x6] =	stream.linear.gather @!p0 [hbm4b:s0+s4], $0x1, $0x38;
	[tilespmem:$0x11A60] =	vst v63  }
0x13d: {  	s0 =	simm.s32 @!p0 $0x6  }
0x13e: {  	_ =	swait.ge @!p0 [sflag:s0], $0x1  }
0x13f: {  	[sflag:s0] =	ssyncset.done @!p0 $0x0  }
0x140: {  	[sflag:s0] =	ssyncadd.s32 @!p0 $0xFFFFFFFF  }
0x141: {  	v1 =	vld.msk @!p0 [tilespmem:$0xB0], $0x1  }
0x142: {  	v2 =	vld.msk @!p0 [tilespmem:s3+$0xE0], $0x1;
	_ =	sdelay $0x4  }
0x143: {  	v1 =	vmax.f32 @!p0 v2, v1  }
0x144: {  	[tilespmem:s3+$0xE0] =	vst.msk @!p0 $0x1, v1  }
0x145: {  	[tilespmem:s2+$0xC0] =	vst.msk $0x1, v0  }
0x146: {  	v0 =	vld.msk [tilespmem:s3+$0xE0], $0x1;
	_ =	sdelay $0x4  }
0x147: {  	[tilespmem:s2+$0xE0] =	vst.msk $0x1, v0;
	s2 =	sadd.s32 $0x1, s2  }
.LBB3_19:
0x148: {  	s3 =	sadd.s32 $0x1, s3  }
0x149: {  	p0 =	sne.s32 s3, $0x20  }
.Ltmp13:
0x14a: {  	_ = 	snop;
	(pc) =	sbr.rel @!p0 .LBB3_20-.Ltmp13, $1  }
0x14b: {  	_ =	sdelay $0x3  }
.LBB3_12:
0x14c: {  	v0 =	vld.msk [tilespmem:s3+$0xC0], $0x1;
	_ =	sdelay $0x4  }
0x14d: {  	(v2sf) =	vpush v0, $0x0;
	_ =	sdelay $0xe  }
0x14e: {  	s4 =	spop (v2sf)  }
0x14f: {  	p0 =	seq.s32 s4, $0xFFFFFFFF  }
.Ltmp14:
0x150: {  	_ = 	snop;
	(pc) =	sbr.rel @p0 .LBB3_19-.Ltmp14, $1  }
0x151: {  	_ =	sdelay $0x3  }
0x152: {  	p0 =	slt.s32 s2, $0x1  }
.Ltmp15:
0x153: {  	_ = 	snop;
	(pc) =	sbr.rel @p0 .LBB3_17-.Ltmp15, $1  }
0x154: {  	_ =	sdelay $0x3  }
0x155: {  	s0 =	simm.s32 $0xC0;
	p0 =	por $0x0, $0x0  }
0x156: {  	v1 =	vld.msk @!p0 [tilespmem:s0+$0x0], $0x1;
	_ =	sdelay $0x4  }
0x157: {  	(v2sf) =	vpush @!p0 v1, $0x0;
	_ =	sdelay $0xd  }
0x158: {  	p2 =	sne.s32 s2, $0x1  }
.Ltmp16:
0x159: {  	s5 =	spop @!p0 (v2sf);
	(pc) =	sbr.rel @!p2 .LBB3_16-.Ltmp16, $4  }
0x15a: {  	p1 =	seq.s32 @!p0 s4, s5  }
0x15b: {  	s5 =	simm.s32 $0x0;
	p1 =	por !p1, p0  }
0x15c: {  	s7 =	simm.s32 $0xFFFFFFFF;
	s5 =	simm.s32 @p1 $0xFFFFFFFF  }
0x15d: {  	s6 =	simm.s32 $0x1;
	s5 =	smov.u32 @p0 s7  }
.LBB3_15:
0x15e: {  	s7 =	smov.u32 s5;
	p0 =	sne.s32 s5, $0xFFFFFFFF  }
0x15f: {  	s0 =	sadd.s32 $0x1, s0;
	s5 =	smov.u32 s6;
	s6 =	sadd.s32 $0x1, s6  }
0x160: {  	p1 =	sne.s32 s2, s6;
	v1 =	vld.msk @!p0 [tilespmem:s0+$0x0], $0x1;
	_ =	sdelay $0x4  }
0x161: {  	(v2sf) =	vpush @!p0 v1, $0x0;
	_ =	sdelay $0xe  }
.Ltmp17:
0x162: {  	s8 =	spop @!p0 (v2sf);
	(pc) =	sbr.rel @p1 .LBB3_15-.Ltmp17, $4  }
0x163: {  	p2 =	seq.s32 @!p0 s4, s8  }
0x164: {  	p2 =	por !p2, p0  }
0x165: {  	s5 =	simm.s32 @p2 $0xFFFFFFFF  }
0x166: {  	s5 =	smov.u32 @p0 s7  }
.LBB3_16:
0x167: {  	p0 =	sne.s32 s5, $0xFFFFFFFF  }
.Ltmp18:
0x168: {  	_ = 	snop;
	(pc) =	sbr.rel @!p0 .LBB3_17-.Ltmp18, $1  }
0x169: {  	_ =	sdelay $0x3  }
0x16a: {  	v0 =	vld.msk [tilespmem:s3+$0xE0], $0x1  }
0x16b: {  	v1 =	vld.msk [tilespmem:s5+$0xE0], $0x1;
	_ =	sdelay $0x1  }
.Ltmp19:
0x16c: {  	_ = 	snop;
	(pc) =	sbr.rel .LBB3_19-.Ltmp19, $3  }
0x16d: {  	_ =	sdelay $0x1  }
0x16e: {  	v0 =	vmax.f32 v1, v0  }
0x16f: {  	[tilespmem:s5+$0xE0] =	vst.msk $0x1, v0  }
.LBB3_20:
0x170: {  	p0 =	slt.s32 s2, $0x1  }
.Ltmp20:
0x171: {  	_ = 	snop;
	(pc) =	sbr.rel @p0 .LBB3_24-.Ltmp20, $3  }
0x172: {  	_ =	sdelay $0x1  }
0x173: {  	s0 =	simm.s32 $0x6  }
0x174: {  	s3 =	simm.s32 $0x0;
	[sflag:s0] =	ssyncpa.u1 $0x1  }
0x175: {  	s0 =	simm.s32 $0xC0  }
0x176: {  	v0 =	vld.msk [tilespmem:s0+$0x0], $0x1;
	_ =	sdelay $0x4  }
0x177: {  	(v2sf) =	vpush v0, $0x0;
	_ =	sdelay $0xe  }
0x178: {  	s2 =	sadd.s32 $0xFFFFFFFF, s2;
	s4 =	spop (v2sf)  }
0x179: {  	p1 =	sne.s32 s2, $0x0;
	p0 =	sgt.u32 s4, $0x7DFFFF  }
.Ltmp21:
0x17a: {  	s5 =	sshrl.u32 @!p0 s4, $0x3;
	(pc) =	sbr.rel @!p1 .LBB3_23-.Ltmp21, $4  }
0x17b: {  	s0 =	simm.s32 $0xE0;
	s4 =	sand.u32 @!p0 $0x7, s4;
	s5 =	sadd.s32 @!p0 s1, s5  }
0x17c: {  	[hbm4b:s5+s4] =	stream.linear.scatter @!p0 [tilespmem:s0], [sflag:$0x5], $0x1, $0x38;
	[tilespmem:$0x11A60] =	vst v63  }
0x17d: {  	s5 =	simm.s32 $0x0  }
0x17e: {  	s4 =	simm.s32 $0xC1;
	s5 =	simm.s32 @!p0 $0x4  }
.LBB3_22:
0x17f: {  	v0 =	vld.msk [tilespmem:s4+$0x0], $0x1;
	s2 =	sadd.s32 $0xFFFFFFFF, s2;
	s3 =	sadd.s32 s3, s5  }
0x180: {  	p0 =	sne.s32 s2, $0x0;
	_ =	sdelay $0x3  }
0x181: {  	(v2sf) =	vpush v0, $0x0;
	_ =	sdelay $0xe  }
.Ltmp22:
0x182: {  	s6 =	spop (v2sf);
	(pc) =	sbr.rel @p0 .LBB3_22-.Ltmp22, $4  }
0x183: {  	s5 =	simm.s32 $0x0;
	p1 =	sgt.u32 s6, $0x7DFFFF  }
0x184: {  	s0 =	sadd.s32 $0x1, s0;
	s5 =	simm.s32 @!p1 $0x4;
	s7 =	sshrl.u32 @!p1 s6, $0x3  }
0x185: {  	s4 =	sadd.s32 $0x1, s4;
	s6 =	sand.u32 @!p1 $0x7, s6;
	s7 =	sadd.s32 @!p1 s1, s7  }
0x186: {  	[hbm4b:s7+s6] =	stream.linear.scatter @!p1 [tilespmem:s0], [sflag:$0x5], $0x1, $0x38;
	[tilespmem:$0x11A60] =	vst v63  }
.LBB3_23:
0x187: {  	s0 =	sadd.s32 s3, s5  }
0x188: {  	s3 =	sshrl.u32 s0, $0x2  }
.LBB3_24:
0x189: {  	s0 =	simm.s32 $0x5  }
0x18a: {  	_ =	swait.ge [sflag:s0], s3  }
0x18b: {  	s1 =	ssub.s32 $0x0, s3;
	[sflag:s0] =	ssyncset.done $0x0  }
0x18c: {  	[sflag:s0] =	ssyncadd.s32 s1  }
0x18d: {  	[sflag:s0] =	ssyncpa.u1 $0x1  }
0x18e: {  	s29 =	simm.s32 $0x1;
	_ =	sfence  }
0x18f: {  	s30 =	simm.s32 $0x2;
	[sflag:s29] =	ssyncpa.u1 $0x1  }
0x190: {  	[sflag:s30] =	ssyncpa.u1 $0x1  }
0x191: {  	_ =	strace $0x9000004D  }
0x192: {  	[bflag:$0x2] =	sbarrier.arrive $0xFFFF  }
0x193: {  	s31 =	rddreg [dreg:$0x1]  }
0x194: {  	s0 =	sadd.s32 $0x100000, s31  }
0x195: {  	[sflag:s0] =	ssyncadd.tile.s32 $0x1;
	_ =	shalt  }
.Lfunc_end3:
_tile_overlayer_lowered:
.L_overlay_start_3:
0x196: {  	(tag) =	ssettag $0x3  }
0x197: {  	s0 =	rddreg [dreg:$0x0];
	s2 =	stileid.u32  }
0x198: {  	s1 =	rddreg [dreg:$0x1];
	p0 =	sne.s32 s2, $0x0  }
0x199: {  	s3 =	rddreg [dreg:$0x2];
	[bflag:$0x3] =	sbarrier.arrive $0xFFFF;
	s2 =	simm.s32 @!p0 $0x1C01  }
0x19a: {  	[timem:s3], [sflag:s2] =	dma.local @!p0 [hbm:s0], s1  }
0x19b: {  	s0 =	simm.s32 @!p0 $0x1  }
0x19c: {  	_ =	swait.ge @!p0 [sflag:s0], s1  }
0x19d: {  	s1 =	ssub.s32 @!p0 $0x0, s1;
	[sflag:s0] =	ssyncset.done @!p0 $0x0  }
0x19e: {  	[sflag:s0] =	ssyncadd.s32 @!p0 s1  }
0x19f: {  	[bflag:$0x3] =	sbarrier.arrive $0xFFFF  }
0x1a0: {  	_ =	shalt  }

// kernel: scatter_offload_async_start.2
scs
__scs_entry_jumppad:
0x0: {  	(pc) =	sbr.rel $0x88, $3  }
0x1: {  	(tag) =	ssettag $0x0;
	lr =	simm.s32 $0x1  }
0x2: {  	[smem:$0x3F98] =	sst lr;
	_ =	strace $0xD0000000  }
0x3: {  	_ = 	snop  }
0x4: {  	_ = 	snop  }
0x5: {  	_ = 	snop  }
0x6: {  	_ = 	snop  }
0x7: {  	_ = 	snop  }
__scs_overlays_trampoline_lowered:
0x8: {  	[smem:$0x3FA7] =	sst s0  }
0x9: {  	[smem:$0x3FA8] =	sst s1  }
0xa: {  	[smem:$0x3FA9] =	sst s2  }
0xb: {  	[smem:$0x3FAA] =	sst s3  }
0xc: {  	[smem:$0x3FAB] =	sst s4  }
0xd: {  	[smem:$0x3FAC] =	sst s5  }
0xe: {  	[smem:$0x3FAD] =	sst s6  }
0xf: {  	[smem:$0x3FAE] =	sst s7  }
0x10: {  	[smem:$0x3FAF] =	sst s8  }
0x11: {  	[smem:$0x3FB0] =	sst s9;
	s0 =	simm.s32 @!p0 $0x0  }
0x12: {  	s1 =	sld [smem:$0x3F96];
	s0 =	simm.s32 @p0 $0x1  }
0x13: {  	[smem:$0x3FB1] =	sst s0;
	s0 =	simm.s32 @!p1 $0x0  }
0x14: {  	s2 =	sld [smem:$0x3F95];
	s0 =	simm.s32 @p1 $0x1  }
0x15: {  	[smem:$0x3FB2] =	sst s0;
	s0 =	simm.s32 @!p2 $0x0  }
0x16: {  	s3 =	sld [smem:$0x3FDB];
	s0 =	simm.s32 @p2 $0x1  }
0x17: {  	s4 =	simm.s32 $0x1BF5;
	[smem:$0x3FB4] =	sst s0  }
0x18: {  	s0 =	sld [smem:$0x3F97];
	_ =	swait.ge [sflag:s4], $0x0  }
0x19: {  	s7 =	sld [smem:$0x3F98]  }
0x1a: {  	s8 =	sadd.s32 $0xFFFFE003, lr  }
0x1b: {  	s9 =	sadd.s32 $0xFFFFFEF7, lr;
	s5 =	simm.s32 $0xFFFFFFFF;
	p2 =	slt.u32 s8, $0xFFFFF086  }
0x1c: {  	p1 =	slt.u32 s9, $0xF7A;
	s5 =	simm.s32 @!p2 $0x0  }
0x1d: {  	s5 =	simm.s32 @p1 $0x1;
	p0 =	seq.s32 s7, s2  }
0x1e: {  	s7 =	smul.u32 @!p0 $0xF7A, s2;
	p2 =	seq.s32 @!p0 s5, $0x0  }
0x1f: {  	s9 =	smul.u32 $0xF7A, s1;
	s8 =	simm.s32 @!p0 $0x1BF5;
	p2 =	por !p2, p0  }
0x20: {  	[sflag:s8] =	ssyncset.s32 @!p0 $0xFFFFF086;
	s6 =	sadd.s32 @!p0 s3, s7;
	s7 =	simm.s32 @!p0 $0x108  }
0x21: {  	s3 =	sadd.s32 s3, s9;
	s6 =	sadd.s32 @!p0 $0x88, s6;
	s7 =	simm.s32 @p2 $0x1082  }
0x22: {  	[simem:s7], [sflag:s8] =	dma.local @!p0 [hbm:s6], $0xF7A  }
0x23: {  	s9 =	sor.u32 $0xD0000000, s2;
	s6 =	simm.s32 $0x108;
	_ =	swait.ge @!p0 [sflag:s8], $0x0  }
0x24: {  	s3 =	sadd.s32 $0x88, s3;
	s6 =	simm.s32 @!p1 $0x1082;
	[sflag:s4] =	ssyncset.s32 $0xFFFFF086  }
0x25: {  	[simem:s6], [sflag:s4] =	dma.local [hbm:s3], $0xF7A  }
0x26: {  	[smem:$0x3F98] =	sst s1;
	(tag) =	ssettag s2;
	_ =	strace s9  }
0x27: {  	s1 =	sld [smem:$0x3FA8]  }
0x28: {  	s2 =	sld [smem:$0x3FA9]  }
0x29: {  	s4 =	sld [smem:$0x3FAB]  }
0x2a: {  	p0 =	seq.s32 s5, $0x0;
	s5 =	sld [smem:$0x3FAC]  }
0x2b: {  	s6 =	sld [smem:$0x3FAD]  }
0x2c: {  	s7 =	sld [smem:$0x3FAE]  }
0x2d: {  	s3 =	simm.s32 $0x108;
	s8 =	sld [smem:$0x3FAF]  }
0x2e: {  	s3 =	simm.s32 @!p0 $0x1082;
	s9 =	sld [smem:$0x3FB0]  }
0x2f: {  	lr =	sadd.s32 s0, s3;
	s0 =	sld [smem:$0x3FA7]  }
0x30: {  	s3 =	sld [smem:$0x3FAA]  }
0x31: {  	[smem:$0x3FB3] =	sst s10  }
0x32: {  	s10 =	sld [smem:$0x3FB1];
	_ =	sdelay $0x3  }
0x33: {  	p0 =	seq.s32 s10, $0x1;
	s10 =	sld [smem:$0x3FB3];
	_ =	sdelay $0x3  }
0x34: {  	[smem:$0x3FB3] =	sst s10  }
0x35: {  	s10 =	sld [smem:$0x3FB2];
	_ =	sdelay $0x3  }
0x36: {  	p1 =	seq.s32 s10, $0x1;
	s10 =	sld [smem:$0x3FB3];
	_ =	sdelay $0x3  }
0x37: {  	[smem:$0x3FB3] =	sst s10  }
0x38: {  	s10 =	sld [smem:$0x3FB4]  }
0x39: {  	_ = 	snop;
	(pc) =	sbr.ind lr, $3  }
0x3a: {  	_ = 	snop  }
0x3b: {  	_ = 	snop  }
0x3c: {  	p2 =	seq.s32 s10, $0x1;
	s10 =	sld [smem:$0x3FB3]  }
0x3d: {  	_ =	shalt  }
0x3e: {  	_ =	shalt  }
0x3f: {  	_ =	shalt  }
0x40: {  	_ =	shalt  }
0x41: {  	_ =	shalt  }
0x42: {  	_ =	shalt  }
0x43: {  	_ =	shalt  }
0x44: {  	_ =	shalt  }
0x45: {  	_ =	shalt  }
0x46: {  	_ =	shalt  }
0x47: {  	_ =	shalt  }
0x48: {  	_ =	shalt  }
0x49: {  	_ =	shalt  }
0x4a: {  	_ =	shalt  }
0x4b: {  	_ =	shalt  }
0x4c: {  	_ =	shalt  }
0x4d: {  	_ =	shalt  }
0x4e: {  	_ =	shalt  }
0x4f: {  	_ =	shalt  }
0x50: {  	_ =	shalt  }
0x51: {  	_ =	shalt  }
0x52: {  	_ =	shalt  }
0x53: {  	_ =	shalt  }
0x54: {  	_ =	shalt  }
0x55: {  	_ =	shalt  }
0x56: {  	_ =	shalt  }
0x57: {  	_ =	shalt  }
0x58: {  	_ =	shalt  }
0x59: {  	_ =	shalt  }
0x5a: {  	_ =	shalt  }
0x5b: {  	_ =	shalt  }
0x5c: {  	_ =	shalt  }
0x5d: {  	_ =	shalt  }
0x5e: {  	_ =	shalt  }
0x5f: {  	_ =	shalt  }
0x60: {  	_ =	shalt  }
0x61: {  	_ =	shalt  }
0x62: {  	_ =	shalt  }
0x63: {  	_ =	shalt  }
0x64: {  	_ =	shalt  }
0x65: {  	_ =	shalt  }
0x66: {  	_ =	shalt  }
0x67: {  	_ =	shalt  }
0x68: {  	_ =	shalt  }
0x69: {  	_ =	shalt  }
0x6a: {  	_ =	shalt  }
0x6b: {  	_ =	shalt  }
0x6c: {  	_ =	shalt  }
0x6d: {  	_ =	shalt  }
0x6e: {  	_ =	shalt  }
0x6f: {  	_ =	shalt  }
0x70: {  	_ =	shalt  }
0x71: {  	_ =	shalt  }
0x72: {  	_ =	shalt  }
0x73: {  	_ =	shalt  }
0x74: {  	_ =	shalt  }
0x75: {  	_ =	shalt  }
0x76: {  	_ =	shalt  }
0x77: {  	_ =	shalt  }
0x78: {  	_ =	shalt  }
0x79: {  	_ =	shalt  }
0x7a: {  	_ =	shalt  }
0x7b: {  	_ =	shalt  }
0x7c: {  	_ =	shalt  }
0x7d: {  	_ =	shalt  }
0x7e: {  	_ =	shalt  }
0x7f: {  	_ =	shalt  }
0x80: {  	_ =	shalt  }
0x81: {  	_ =	shalt  }
0x82: {  	_ =	shalt  }
0x83: {  	_ =	shalt  }
0x84: {  	_ =	shalt  }
0x85: {  	_ =	shalt  }
0x86: {  	_ =	shalt  }
0x87: {  	_ =	shalt  }
.Lfunc_end0:
.L_simem_size_0:
called_computation.2_lowered:
.L_overlay_start_0:
0x88: {  	s0 =	sld [smem:$0x3FD9]  }
0x89: {  	s1 =	sld [smem:$0x3FFE];
	_ =	sdelay $0x3  }
0x8a: {  	s0 =	sadd.s32 s1, s0  }
0x8b: {  	[smem:$0x3FBF] =	sst s0  }
0x8c: {  	_ = 	snop  }
0x8d: {  	(tm) =	ssettm $0x1  }
0x8e: {  	s14 =	sld [smem:$0x3FFB];
	_ =	sdelay $0x3  }
0x8f: {  	_ =	strace s14  }
0x90: {  	s0 =	sld [smem:$0x3FFC];
	_ =	sdelay $0x3  }
0x91: {  	_ =	strace s0  }
0x92: {  	s0 =	sld [smem:$0x3FFD];
	_ =	sdelay $0x3  }
0x93: {  	_ =	strace s0  }
0x94: {  	_ =	strace $0x8FFFFFFF  }
0x95: {  	s15 =	sld [smem:$0x3FDB];
	_ =	sdelay $0x1  }
0x96: {  	s16 =	simm.s32 $_scs_section_size  }
0x97: {  	s2 =	simm.s32 $_size__tile_overlayer_lowered;
	s3 =	simm.s32 $_tile_overlayer_lowered  }
0x98: {  	s4 =	simm.s32 $0x1BFF;
	s17 =	sshll.u32 s3, $0x1;
	s1 =	sadd.s32 s16, s15  }
0x99: {  	s18 =	simm.s32 $0x0;
	s2 =	sshll.u32 s2, $0x1;
	s3 =	sadd.s32 s17, s1  }
0x9a: {  	[timem:s18], [sflag:s4] =	dma.local [hbm:s3], s2  }
0x9b: {  	_ =	swait.ge [sflag:s4], s2  }
0x9c: {  	s2 =	ssub.s32 $0x0, s2;
	[sflag:s4] =	ssyncset.done $0x0  }
0x9d: {  	[sflag:s4] =	ssyncadd.s32 s2;
	_ =	sdelay $0x1  }
0x9e: {  	s19 =	simm.s32 $0x1B8B  }
0x9f: {  	_ =	swait.ge [sflag:s19], $0x1  }
0xa0: {  	[sflag:s19] =	ssyncset.done $0x0  }
0xa1: {  	s21 =	simm.s32 $0x1B8E;
	s20 =	sld [smem:$0x3FFE];
	[sflag:s19] =	ssyncadd.s32 $0xFFFFFFFF  }
0xa2: {  	s22 =	simm.s32 $execute0_lowered;
	[smem:$0x3FD2] =	sst s21  }
0xa3: {  	s3 =	sshll.u32 s22, $0x1;
	_ =	strace $0x8000004F;
	[dreg:$0x1] =	wrdreg $0xFFFFFFFF  }
0xa4: {  	s23 =	simm.s32 $_size_execute0_lowered;
	s3 =	sadd.s32 s1, s3;
	[dreg:$0x0] =	wrdreg $0x0  }
0xa5: {  	s4 =	sshll.u32 s23, $0x1;
	[dreg:$0x2] =	wrdreg s3  }
0xa6: {  	[dreg:$0x3] =	wrdreg s4  }
0xa7: {  	[dreg:$0x4] =	wrdreg $0xC0  }
0xa8: {  	s24 =	simm.s32 $execute1_lowered;
	_ =	task [dreg:s18], $0x5FFFF  }
0xa9: {  	s3 =	sshll.u32 s24, $0x1;
	[dreg:$0x1] =	wrdreg $0xFFFFFFFF  }
0xaa: {  	s1 =	sadd.s32 s1, s3;
	[dreg:$0x0] =	wrdreg $0x60  }
0xab: {  	[dreg:$0x2] =	wrdreg s1  }
0xac: {  	[dreg:$0x3] =	wrdreg s20  }
0xad: {  	[dreg:$0x4] =	wrdreg $0xB  }
0xae: {  	_ =	task.clear_ibuf [dreg:s18], $0x5FFFF;
	_ =	strace $0x9000004F  }
0xaf: {  	s25 =	simm.s32 $0xB;
	_ =	strace $0x80000051  }
0xb0: {  	_ =	swait.ge [sflag:s25], $0x1  }
0xb1: {  	[sflag:s25] =	ssyncadd.s32 $0xFFFFFFFF  }
0xb2: {  	_ =	strace $0x90000051  }
0xb3: {  	_ =	strace $0x80000052;
	[dreg:$0x1] =	wrdreg $0xFFFFFFFF  }
0xb4: {  	[dreg:$0x0] =	wrdreg $0x2030  }
0xb5: {  	[dreg:$0x2] =	wrdreg s20  }
0xb6: {  	[dreg:$0x3] =	wrdreg $0xC  }
0xb7: {  	_ =	task.clear_ibuf [dreg:s18], $0x4FFFF;
	_ =	strace $0x90000052  }
0xb8: {  	s26 =	simm.s32 $0xC;
	_ =	strace $0x80000054  }
0xb9: {  	_ =	swait.ge [sflag:s26], $0x1  }
0xba: {  	[sflag:s26] =	ssyncadd.s32 $0xFFFFFFFF  }
0xbb: {  	_ =	strace $0x90000054  }
0xbc: {  	_ =	sfence  }
0xbd: {  	s28 =	sld [smem:$0x0];
	_ =	sdelay $0x1  }
0xbe: {  	s29 =	srdreg.scid  }
0xbf: {  	s30 =	sshll.u32 s29, $0xD;
	s31 =	sshrl.u32 s29, $0x2  }
0xc0: {  	s2 =	sand.u32 $0x1, s29;
	s3 =	sand.u32 $0x4000, s30;
	s1 =	sadd.s32 s31, s28  }
0xc1: {  	s2 =	sor.u32 s3, s2;
	s1 =	sshll.u32 s1, $0x11  }
0xc2: {  	s1 =	sor.u32 s1, s2  }
0xc3: {  	s1 =	sadd.s32 $0x8F2B, s1  }
0xc4: {  	[sflag:s1] =	ssyncadd.remote.s32 $0x1  }
0xc5: {  	_ =	sfence.sel $0xFFFF  }
0xc6: {  	[dreg:$0x0] =	wrdreg $0xFFFFFFFF;
	(pc) =	sbr.abs _section_cstart, $3  }
0xc7: {  	[dreg:$0x1] =	wrdreg $0xFFFFFFFF  }
0xc8: {  	_ =	task.clear_ibuf [dreg:s18], $0x2FFFF;
	_ =	strace $0x9FFFFFFF  }
0xc9: {  	(tm) =	ssettm $0x7FFFFFFF  }
tec
execute0_lowered:
.L_overlay_start_1:
0x0: {  	(tag) =	ssettag $0x1  }
0x1: {  	s3 =	rddreg [dreg:$0x0];
	s4 =	stileid.u32  }
0x2: {  	s5 =	rddreg [dreg:$0x1];
	s2 =	smul.u32 $0x3F00, s4  }
0x3: {  	s0 =	rddreg [dreg:$0x2];
	[bflag:$0x3] =	sbarrier.arrive $0xFFFF;
	s1 =	simm.s32 $_size_execute1_lowered  }
0x4: {  	s1 =	sshll.u32 s1, $0x1;
	p0 =	sne.s32 s4, $0x0;
	s6 =	ssub.s32 $0x7E0000, s2  }
0x5: {  	s4 =	simm.s32 @!p0 $0x1C3F;
	s7 =	simm.s32 @!p0 $0x4060;
	s8 =	smulhi.u32 $0x820821, s6  }
0x6: {  	[timem:s7], [sflag:s4] =	dma.local @!p0 [hbm:s3], s1  }
0x7: {  	s30 =	sshrl.u32 s8, $0x9  }
0x8: {  	s31 =	simm.s32 $0x2;
	s8 =	smul.u32 $0x3F000, s30  }
.Ltmp0:
0x9: {  	s10 =	simm.s32 $0x0;
	s9 =	simm.s32 $0x0;
	(pc) =	sbr.rel .LBB2_1-.Ltmp0, $4  }
0xa: {  	s3 =	sadd.s32 $0x43A00, s5;
	p1 =	sne.s32 s6, s8;
	s6 =	simm.s32 $0x1  }
0xb: {  	s4 =	simm.s32 $0x1;
	_ =	strace $0x80000050;
	s6 =	simm.s32 @!p1 $0x0  }
0xc: {  	s5 =	sadd.s32 $0x24F600, s5;
	[sflag:s4] =	ssyncpa.u1 $0x0;
	s6 =	sadd.s32 s6, s30  }
0xd: {  	[sflag:s31] =	ssyncpa.u1 $0x0;
	s8 =	smov.u32 s2;
	s7 =	sadd.s32 $0x1, s6  }
.LBB2_4:
0xe: {  	[tilespmem:s11+$0x30] =	vst v0  }
0xf: {  	[tilespmem:s11+$0x40] =	vst v1  }
0x10: {  	[tilespmem:s11+$0x50] =	vst v2  }
0x11: {  	[tilespmem:s11+$0x60] =	vst v3;
	s13 =	sshrl.u32 s10, $0x3  }
0x12: {  	[tilespmem:s11+$0xFFFFFF80] =	vst v4;
	s31 =	sand.u32 $0x7, s10;
	s30 =	sadd.s32 s5, s13  }
0x13: {  	[hbm4b:s30+s31] =	stream.linear.scatter [tilespmem:s12], [sflag:$0x2], $0x3F00, $0x38;
	[tilespmem:$0xFC00] =	vst v63  }
.LBB2_5:
0x14: {  	s12 =	sadd.s32 $0x3F000, s8  }
0x15: {  	p2 =	sgt.s32 s12, $0x7DFFFF  }
0x16: {  	s12 =	smov.u32 @p2 s2;
	p2 =	sne.s32 s9, s7  }
.Ltmp1:
0x17: {  	p1 =	slt.u32 s9, $0x2;
	(pc) =	sbr.rel @!p2 .LBB2_6-.Ltmp1, $4  }
0x18: {  	s11 =	simm.s32 @!p1 $0x2  }
0x19: {  	_ =	swait.ge @!p1 [sflag:s11], $0x3F00  }
0x1a: {  	s13 =	sadd.s32 $0x1, s9;
	s10 =	smov.u32 s8;
	[sflag:s11] =	ssyncset.done @!p1 $0x0  }
0x1b: {  	s9 =	smov.u32 s13;
	s8 =	smov.u32 s12;
	[sflag:s11] =	ssyncadd.s32 @!p1 $0xFFFFC100  }
.LBB2_1:
0x1c: {  	p1 =	sge.u32 s9, s6  }
0x1d: {  	s11 =	sxor.u32 @!p1 $0xFFFFFFFF, s9  }
0x1e: {  	s11 =	sand.u32 @!p1 $0x1, s11  }
0x1f: {  	s11 =	smul.u32 @!p1 $0xFC00, s11  }
0x20: {  	s31 =	sadd.s32 $0xFFFFFFFF, s9;
	s12 =	sshrl.u32 @!p1 s8, $0x3  }
0x21: {  	s13 =	sand.u32 @!p1 $0x7, s8;
	s12 =	sadd.s32 @!p1 s3, s12;
	s11 =	sshrl.u32 @!p1 s11, $0x2  }
0x22: {  	[tilespmem:s11], [sflag:$0x1] =	stream.linear.gather @!p1 [hbm4b:s12+s13], $0x3F00, $0x38;
	[tilespmem:$0xFC00] =	vst v63  }
0x23: {  	p1 =	sge.u32 s31, s6  }
.Ltmp2:
0x24: {  	_ = 	snop;
	(pc) =	sbr.rel @p1 .LBB2_5-.Ltmp2, $1  }
0x25: {  	_ =	sdelay $0x3  }
0x26: {  	s11 =	sand.u32 $0x1, s9  }
0x27: {  	_ =	swait.ge [sflag:s4], $0x3F00;
	s12 =	simm.s32 $0x3F00;
	p1 =	seq.s32 s11, $0x1  }
0x28: {  	[sflag:s4] =	ssyncset.done $0x0;
	s12 =	simm.s32 @!p1 $0x0  }
0x29: {  	[sflag:s4] =	ssyncadd.s32 $0xFFFFC100;
	s14 =	sor.u32 $0x80, s12  }
0x2a: {  	v0 =	vld [tilespmem:s14+$0x70]  }
0x2b: {  	v1 =	vld [tilespmem:s14+$0xFFFFFF90]  }
0x2c: {  	v2 =	vld [tilespmem:s14+$0xFFFFFFA0]  }
0x2d: {  	v3 =	vld [tilespmem:s14+$0xFFFFFFB0]  }
0x2e: {  	s11 =	sadd.s32 $0x7E80, s12;
	v4 =	vld [tilespmem:s14+$0xFFFFFFC0]  }
0x2f: {  	v5 =	vld [tilespmem:s14+$0xFFFFFFD0];
	[tilespmem:s11+$0x70] =	vst v0  }
0x30: {  	[tilespmem:s11+$0xFFFFFF90] =	vst v1;
	v0 =	vld [tilespmem:s14+$0xFFFFFFE0]  }
0x31: {  	[tilespmem:s11+$0xFFFFFFA0] =	vst v2;
	v1 =	vld [tilespmem:s14+$0xFFFFFFF0]  }
0x32: {  	[tilespmem:s11+$0xFFFFFFB0] =	vst v3;
	v2 =	vld [tilespmem:s14+$0x0]  }
0x33: {  	[tilespmem:s11+$0xFFFFFFC0] =	vst v4;
	v3 =	vld [tilespmem:s14+$0x10]  }
0x34: {  	[tilespmem:s11+$0xFFFFFFD0] =	vst v5;
	v5 =	vld [tilespmem:s14+$0x20]  }
0x35: {  	[tilespmem:s11+$0xFFFFFFE0] =	vst v0;
	v0 =	vld [tilespmem:s14+$0x30]  }
0x36: {  	[tilespmem:s11+$0xFFFFFFF0] =	vst v1;
	v1 =	vld [tilespmem:s14+$0x40]  }
0x37: {  	[tilespmem:s11+$0x0] =	vst v2;
	v2 =	vld [tilespmem:s14+$0x50]  }
0x38: {  	[tilespmem:s11+$0x10] =	vst v3;
	v3 =	vld [tilespmem:s14+$0x60]  }
0x39: {  	s13 =	simm.s32 $0x0;
	s12 =	sadd.s32 $0x7E00, s12;
	v4 =	vld [tilespmem:s14+$0xFFFFFF80];
	[tilespmem:s11+$0x20] =	vst v5;
	s14 =	sadd.s32 $0x100, s14  }
.LBB2_3:
0x3a: {  	v5 =	vld [tilespmem:s14+$0x70];
	s13 =	sadd.s32 $0x100, s13;
	[tilespmem:s11+$0x30] =	vst v0  }
0x3b: {  	v0 =	vld [tilespmem:s14+$0xFFFFFF90];
	p1 =	slt.u32 s13, $0x3E00;
	[tilespmem:s11+$0x40] =	vst v1  }
0x3c: {  	v1 =	vld [tilespmem:s14+$0xFFFFFFA0];
	[tilespmem:s11+$0x50] =	vst v2  }
0x3d: {  	v2 =	vld [tilespmem:s14+$0xFFFFFFB0];
	[tilespmem:s11+$0x60] =	vst v3  }
0x3e: {  	v3 =	vld [tilespmem:s14+$0xFFFFFFC0];
	[tilespmem:s11+$0xFFFFFF80] =	vst v4;
	s11 =	sadd.s32 $0x100, s11  }
0x3f: {  	v4 =	vld [tilespmem:s14+$0xFFFFFFD0];
	[tilespmem:s11+$0x70] =	vst v5  }
0x40: {  	[tilespmem:s11+$0xFFFFFF90] =	vst v0;
	v0 =	vld [tilespmem:s14+$0xFFFFFFE0]  }
0x41: {  	[tilespmem:s11+$0xFFFFFFA0] =	vst v1;
	v1 =	vld [tilespmem:s14+$0xFFFFFFF0]  }
0x42: {  	[tilespmem:s11+$0xFFFFFFB0] =	vst v2;
	v2 =	vld [tilespmem:s14+$0x0]  }
0x43: {  	[tilespmem:s11+$0xFFFFFFC0] =	vst v3;
	v3 =	vld [tilespmem:s14+$0x10]  }
0x44: {  	[tilespmem:s11+$0xFFFFFFD0] =	vst v4;
	v5 =	vld [tilespmem:s14+$0x20]  }
.Ltmp3:
0x45: {  	[tilespmem:s11+$0xFFFFFFE0] =	vst v0;
	v0 =	vld [tilespmem:s14+$0x30];
	(pc) =	sbr.rel @p1 .LBB2_3-.Ltmp3, $4  }
0x46: {  	[tilespmem:s11+$0xFFFFFFF0] =	vst v1;
	v1 =	vld [tilespmem:s14+$0x40]  }
0x47: {  	[tilespmem:s11+$0x0] =	vst v2;
	v2 =	vld [tilespmem:s14+$0x50]  }
0x48: {  	[tilespmem:s11+$0x10] =	vst v3;
	v3 =	vld [tilespmem:s14+$0x60]  }
0x49: {  	v4 =	vld [tilespmem:s14+$0xFFFFFF80];
	[tilespmem:s11+$0x20] =	vst v5;
	s14 =	sadd.s32 $0x100, s14  }
.Ltmp4:
0x4a: {  	_ = 	snop;
	(pc) =	sbr.rel .LBB2_4-.Ltmp4, $1  }
0x4b: {  	_ =	sdelay $0x3  }
.LBB2_6:
0x4c: {  	_ =	sfence.sel $0x180000  }
0x4d: {  	s2 =	simm.s32 $0x1;
	[bflag:$0x0] =	sbarrier.arrive $0xFFFF  }
0x4e: {  	s31 =	simm.s32 $0x2;
	[sflag:s2] =	ssyncpa.u1 $0x1  }
0x4f: {  	[sflag:s31] =	ssyncpa.u1 $0x1  }
0x50: {  	_ =	strace $0x90000050  }
0x51: {  	s0 =	sadd.s32 @!p0 $0x100000, s0;
	[bflag:$0x2] =	sbarrier.arrive $0xFFFF  }
0x52: {  	[sflag:s0] =	ssyncadd.tile.s32 @!p0 $0x1;
	s0 =	simm.s32 @!p0 $0x3F  }
0x53: {  	_ =	swait.ge @!p0 [sflag:s0], s1  }
0x54: {  	s1 =	ssub.s32 @!p0 $0x0, s1;
	[sflag:s0] =	ssyncset.done @!p0 $0x0  }
0x55: {  	[sflag:s0] =	ssyncadd.s32 @!p0 s1  }
0x56: {  	[bflag:$0x3] =	sbarrier.arrive $0xFFFF  }
0x57: {  	_ =	shalt  }
.Lfunc_end2:
execute1_lowered:
.L_overlay_start_2:
0x58: {  	(tag) =	ssettag $0x2  }
0x59: {  	s0 =	rddreg [dreg:$0x0];
	_ =	strace $0x80000053;
	s15 =	stileid.u32  }
0x5a: {  	s2 =	simm.s32 $0x1;
	s1 =	smin.u32 s15, $0x8;
	s3 =	sshll.u32 s15, $0x1  }
0x5b: {  	[sflag:s2] =	ssyncpa.u1 $0x0;
	s1 =	sadd.s32 s1, s3  }
0x5c: {  	v1 =	vimm.s32 $0xFFFFFFFF;
	p0 =	slt.u32 s15, $0x8;
	s4 =	smul.u32 $0x1F40, s1;
	s1 =	simm.s32 $0x5DC0  }
0x5d: {  	[tilespmem:$0x10] =	vst v1;
	s1 =	simm.s32 @!p0 $0x3E80  }
0x5e: {  	v0 =	vimm.f32 $-Inf;
	[tilespmem:$0x20] =	vst v1;
	s1 =	sadd.s32 s1, s4  }
0x5f: {  	[tilespmem:$0x30] =	vst v0;
	s5 =	smin.u32 s1, $0x4E200  }
0x60: {  	s7 =	simm.s32 $0x2;
	[tilespmem:$0x40] =	vst v0;
	s9 =	ssub.s32 s5, s4  }
0x61: {  	s8 =	simm.s32 $0x8;
	s30 =	simm.s32 $0x9;
	[tilespmem:$0x50] =	vst v0;
	p0 =	sgt.s32 s9, $0x0  }
0x62: {  	s16 =	simm.s32 $0x0;
	s17 =	simm.s32 $0xF0;
	[tilespmem:$0x60] =	vst v1;
	s9 =	simm.s32 @!p0 $0x0  }
0x63: {  	s18 =	simm.s32 $0xFFFFFFFF;
	s19 =	simm.s32 $0xFFFFC280;
	[tilespmem:$0x70] =	vst v1;
	s29 =	smulhi.u32 $0x10624DD3, s9  }
0x64: {  	s20 =	simm.s32 $0xFFFFFFFE;
	s21 =	simm.s32 $0xF;
	s25 =	simm.s32 $0x0;
	[tilespmem:$0x80] =	vst v1  }
0x65: {  	s24 =	simm.s32 $0x0;
	s6 =	sadd.s32 $0x23BA00, s0;
	v1 =	vimm.s32 $0x0;
	[tilespmem:$0xB0] =	vst v0;
	s10 =	sshrl.u32 s29, $0x9  }
0x66: {  	s15 =	sshllo.u32 s15, $0x1;
	s13 =	sor.u32 $0x80, s3;
	[tilespmem:$0x90] =	vst v1;
	s11 =	smul.u32 $0x1F40, s10  }
0x67: {  	s14 =	sor.u32 $0x81, s3;
	[tilespmem:$0xA0] =	vst v1;
	[sflag:s7] =	ssyncpa.u1 $0x0;
	s7 =	simm.s32 $0x7  }
.Ltmp5:
0x68: {  	[sflag:s7] =	ssyncpa.u1 $0x0;
	p0 =	sne.s32 s9, s11;
	(pc) =	sbr.rel .LBB3_1-.Ltmp5, $4  }
0x69: {  	[sflag:s8] =	ssyncpa.u1 $0x0;
	s23 =	smov.u32 s4;
	s2 =	simm.s32 @!p0 $0x0  }
0x6a: {  	s1 =	sadd.s32 $0x24F600, s0;
	s0 =	sadd.s32 $0x245800, s0;
	s10 =	sadd.s32 s2, s10  }
0x6b: {  	vm0 =	vmmov $0xffff;
	v2 =	vlaneseq.u32;
	vm1 =	vmxor vm1, vm1;
	[sflag:s30] =	ssyncpa.u1 $0x0;
	[dreg:$0x2] =	wrdreg s0;
	s31 =	sadd.s32 $0x1, s10  }
0x6c: {  	vm2 =	vmmov $0x1;
	v3 =	vimm.f32 $0.0e+00;
	vm3 =	vcmask $0x3F3C;
	p0 =	por $0x0, $0x0;
	s12 =	sadd.s32 $0x2, s10;
	[dreg:$0x3] =	wrdreg s31  }
.LBB3_9:
0x6d: {  	p1 =	slt.u32 s24, $0x3  }
0x6e: {  	s0 =	simm.s32 @!p1 $0x2  }
0x6f: {  	_ =	swait.ge @!p1 [sflag:s0], $0x1F40  }
0x70: {  	[sflag:s0] =	ssyncset.done @!p1 $0x0  }
0x71: {  	[sflag:s0] =	ssyncadd.s32 @!p1 $0xFFFFE0C0;
	s0 =	simm.s32 @!p1 $0x9  }
0x72: {  	_ =	swait.ge @!p1 [sflag:s0], $0x10  }
0x73: {  	[sflag:s0] =	ssyncset.done @!p1 $0x0  }
0x74: {  	[sflag:s0] =	ssyncadd.s32 @!p1 $0xFFFFFFF0;
	p1 =	sne.s32 s24, s12  }
.Ltmp6:
0x75: {  	s2 =	sadd.s32 $0x1F40, s23;
	(pc) =	sbr.rel @!p1 .LBB3_10-.Ltmp6, $4  }
0x76: {  	s9 =	smov.u32 s4;
	s31 =	sadd.s32 $0x1, s24;
	s17 =	sadd.s32 $0x1F40, s17  }
0x77: {  	s18 =	sadd.s32 $0x1, s18;
	s25 =	smov.u32 s23;
	p2 =	slt.s32 s2, s5  }
0x78: {  	p0 =	por !p0, !p0;
	s19 =	sadd.s32 $0x1F40, s19;
	s9 =	smov.u32 @p2 s2  }
0x79: {  	s20 =	sadd.s32 $0x1, s20;
	s23 =	smov.u32 s9;
	s24 =	smov.u32 s31  }
.LBB3_1:
0x7a: {  	p1 =	sge.u32 s24, s10  }
0x7b: {  	s0 =	smulhi.u32 @!p1 $0xAAAAAAAB, s24;
	_ =	sdelay $0x1  }
0x7c: {  	s0 =	sshrl.u32 @!p1 s0, $0x1  }
0x7d: {  	s0 =	smul.u32 @!p1 $0x3, s0;
	_ =	sdelay $0x1  }
0x7e: {  	s0 =	ssub.s32 @!p1 s24, s0  }
0x7f: {  	s0 =	smul.u32 @!p1 $0x7D00, s0;
	_ =	sdelay $0x1  }
0x80: {  	s2 =	sshrl.u32 @!p1 s23, $0x3;
	s0 =	sshrl.u32 @!p1 s0, $0x2  }
0x81: {  	s9 =	sand.u32 @!p1 $0x7, s23;
	s2 =	sadd.s32 @!p1 s6, s2;
	s0 =	sadd.s32 @!p1 $0x100, s0  }
0x82: {  	[tilespmem:s0], [sflag:$0x7] =	stream.linear.gather @!p1 [hbm4b:s2+s9], $0x1F40, $0x38;
	[tilespmem:$0x11A60] =	vst v63  }
0x83: {  	s0 =	sadd.s32 $0xFFFFFFFF, s24  }
0x84: {  	p1 =	sge.u32 s0, s10  }
.Ltmp7:
0x85: {  	_ = 	snop;
	(pc) =	sbr.rel @p1 .LBB3_5-.Ltmp7, $1  }
0x86: {  	_ =	sdelay $0x3  }
0x87: {  	s2 =	smulhi.u32 $0xAAAAAAAB, s0;
	_ =	sdelay $0x1  }
0x88: {  	s2 =	sshrl.u32 s2, $0x1  }
0x89: {  	s2 =	smul.u32 $0x3, s2;
	_ =	sdelay $0x1  }
0x8a: {  	s2 =	ssub.s32 s0, s2  }
0x8b: {  	s2 =	smul.u32 $0x7D00, s2  }
0x8c: {  	_ =	swait.ge [sflag:s7], $0x1F40  }
0x8d: {  	[sflag:s7] =	ssyncset.done $0x0;
	s2 =	sshrl.u32 s2, $0x2  }
0x8e: {  	[sflag:s7] =	ssyncadd.s32 $0xFFFFE0C0;
	(ifvalue) =	ssetifvalue $0xFFFFFFFF;
	v4 =	vld.msk [tilespmem:s2+$0x100 ss:$0x1], $0xffff;
	_ =	sdelay $0x2  }
0x8f: {  	s29 =	smulhi.u32 $0xAAAAAAAB, s18;
	p1 =	sne.s32 s24, $0x1  }
0x90: {  	v5 =	vimm.s32 @!p1 $0x0  }
0x91: {  	s2 =	sshrl.u32 s29, $0x1;
	v5 =	vperm.xlane @!p1 v4, v5  }
0x92: {  	s9 =	sshll.u32 s24, $0x4;
	s2 =	smul.u32 $0xFFFE8900, s2;
	vm4 =	vlt.u32 v4, $0x7E0000  }
0x93: {  	s9 =	sand.u32 $0x10, s9;
	v4 =	vnsel vm4, $0xFFFFFFFE, v4;
	vm4 =	vlt.u32 @!p1 v5, $0x7E0000  }
0x94: {  	s2 =	sshra.s32 s2, $0x2;
	[tilespmem:s9+$0x60] =	vst v4;
	v4 =	vnsel @!p1 vm4, $0xFFFFFFFE, v5  }
0x95: {  	s30 =	sadd.s32 s2, s17;
	[tilespmem:$0x80] =	vst @!p1 v4  }
0x96: {  	v4 =	vld.msk [tilespmem:s30+$0x0 ss:$0x1], $0xffff;
	_ =	sdelay $0x4  }
0x97: {  	(xrf1) =	vunique.msk.u32 $0xffff, v4;
	_ =	sdelay $0xd  }
0x98: {  	v5 =	vimm.s32 $0xFFFFFFFF;
	v6, _, _ =	vpop (xrf1)  }
0x99: {  	vm5 =	vne.s32 v4, v5;
	vm4 =	veq.s32 v6, v2  }
0x9a: {  	vm6 =	vlt.u32 v4, $0x7E0000;
	vm4 =	vmand vm5, vm4  }
0x9b: {  	vm4 =	vmand vm6, vm4  }
0x9c: {  	v5 =	vnsel vm4, $0xFFFFFFFF, v4  }
0x9d: {  	s31 =	sand.u32 $0x1, s0  }
0x9e: {  	s26 =	simm.s32 $0x1F40;
	p1 =	seq.s32 s31, $0x1  }
0x9f: {  	s26 =	simm.s32 @!p1 $0x0  }
0xa0: {  	s28 =	sadd.s32 $0x7DF0, s26;
	(ifvalue) =	ssetifvalue $0xFFFFFFFF  }
0xa1: {  	v4 =	vperm.xlane v4, v1;
	[tilespmem:s28], [sflag:$0x8] =	stream.indirect_vreg.gather [hbm4b:s1+s16], $0x1, v5, vm0, $0x4038;
	v5 =	vnsel vm6, $0xFFFFFFFE, v5;
	[tilespmem:$0x11A60] =	vst v63  }
0xa2: {  	s0 =	simm.s32 $0x0;
	s2 =	sadd.s32 $0xFFFFFFF0, s30;
	[tilespmem:s30+$0x0] =	vst v5  }
.LBB3_3:
0xa3: {  	v5 =	vld.msk [tilespmem:s2+$0x0 ss:$0x1], $0xffff;
	s0 =	sadd.s32 $0x10, s0;
	v6 =	vmov v4;
	s9 =	smov.u32 s2  }
0xa4: {  	p1 =	slt.u32 s0, $0x1F30;
	_ =	sdelay $0x4  }
0xa5: {  	v4 =	vperm.xlane v5, v1;
	(xrf1) =	vunique.msk.u32 $0xffff, v5;
	_ =	sdelay $0xd  }
0xa6: {  	v7, _, _ =	vpop (xrf1)  }
0xa7: {  	vm5 =	vne.s32 v5, v6;
	vm4 =	veq.s32 v7, v2  }
0xa8: {  	vm6 =	vlt.u32 v5, $0x7E0000;
	vm4 =	vmand vm5, vm4  }
0xa9: {  	vm4 =	vmand vm6, vm4  }
0xaa: {  	v5 =	vnsel vm4, $0xFFFFFFFF, v5  }
.Ltmp8:
0xab: {  	v6 =	vnsel vm6, $0xFFFFFFFE, v5;
	(pc) =	sbr.rel @p1 .LBB3_3-.Ltmp8, $3  }
0xac: {  	_ =	sdelay $0x1  }
0xad: {  	s2 =	sadd.s32 $0xFFFFFFF0, s2;
	s28 =	sadd.s32 $0xFFFFFFF0, s28;
	(ifvalue) =	ssetifvalue $0xFFFFFFFF  }
0xae: {  	[tilespmem:s28], [sflag:$0x8] =	stream.indirect_vreg.gather [hbm4b:s1+s16], $0x1, v5, vm0, $0x4038;
	[tilespmem:s9+$0x0] =	vst v6  }
0xaf: {  	s0 =	sshrl.u32 s25, $0x3;
	s2 =	rddreg [dreg:$0x2]  }
0xb0: {  	s31 =	sadd.s32 $0x9D40, s26;
	s0 =	sadd.s32 s2, s0  }
0xb1: {  	[tilespmem:s31], [sflag:$0x8] =	stream.linear.gather [hbm:s0], $0x1F40, $0x38;
	[tilespmem:$0x11A60] =	vst v63  }
.LBB3_5:
0xb2: {  	p1 =	slt.u32 s24, $0x2  }
0xb3: {  	p2 =	sge.u32 @!p1 s24, s12  }
0xb4: {  	p1 =	por p1, p2  }
.Ltmp9:
0xb5: {  	_ = 	snop;
	(pc) =	sbr.rel @p1 .LBB3_9-.Ltmp9, $1  }
0xb6: {  	_ =	sdelay $0x3  }
0xb7: {  	s0 =	sadd.s32 $0xFFFFFFFE, s24  }
0xb8: {  	s2 =	smulhi.u32 $0xAAAAAAAB, s0;
	_ =	sdelay $0x1  }
0xb9: {  	s2 =	sshrl.u32 s2, $0x1  }
0xba: {  	s2 =	smul.u32 $0x3, s2;
	_ =	sdelay $0x1  }
0xbb: {  	_ =	swait.ge [sflag:s8], $0x3E80;
	s0 =	ssub.s32 s0, s2  }
0xbc: {  	s9 =	rddreg [dreg:$0x3];
	s0 =	smul.u32 $0x1F40, s0  }
0xbd: {  	[sflag:s8] =	ssyncset.done $0x0;
	p1 =	sne.s32 s24, s9  }
0xbe: {  	[sflag:s8] =	ssyncadd.s32 $0xFFFFC180;
	s2 =	sadd.s32 @!p1 $0x203F, s0  }
0xbf: {  	[spmem:s14] =	stream.linear.scatter @!p1 [tilespmem:s2], [sflag:$0x1], $0x1, $0x38;
	[tilespmem:$0x11A60] =	vst v63  }
0xc0: {  	s2 =	simm.s32 @!p1 $0x1  }
0xc1: {  	_ =	swait.ge @!p1 [sflag:s2], $0x1  }
0xc2: {  	s9 =	sshll.u32 s24, $0x4;
	[sflag:s2] =	ssyncset.done @!p1 $0x0  }
0xc3: {  	s25 =	sand.u32 $0x10, s9;
	[sflag:s2] =	ssyncadd.s32 @!p1 $0xFFFFFFFF  }
0xc4: {  	s2 =	sxor.u32 $0x10, s25;
	v5 =	vld [tilespmem:s25+$0x10]  }
0xc5: {  	v6 =	vld [tilespmem:s2+$0x60]  }
0xc6: {  	v4 =	vld [tilespmem:$0x80];
	_ =	sdelay $0x2  }
0xc7: {  	(v2sf) =	vpush v5, $0x0  }
0xc8: {  	(v2sf) =	vpush v6, $0x0  }
0xc9: {  	(v2sf) =	vpush v4, $0x0;
	_ =	sdelay $0xc  }
0xca: {  	s11 =	spop (v2sf)  }
0xcb: {  	s22 =	spop (v2sf)  }
0xcc: {  	s28 =	spop (v2sf)  }
0xcd: {  	p2 =	seq.s32 s11, s22;
	p3 =	seq.s32 s28, s11  }
0xce: {  	p3 =	por p2, p3  }
0xcf: {  	s26 =	sand.u32 $0x1, s24;
	v5 =	vpsel p3, $0xFFFFFFFF, v5  }
0xd0: {  	s29 =	smul.u32 $0x1F40, s26;
	[tilespmem:s25+$0x10] =	vst.msk $0x1, v5  }
0xd1: {  	v5 =	vld [tilespmem:$0x30]  }
0xd2: {  	v6 =	vld [tilespmem:s29+$0x9D40]  }
0xd3: {  	v7 =	vld [tilespmem:s25+$0x40];
	_ =	sdelay $0x2  }
0xd4: {  	vm4 =	vmmov vm1  }
0xd5: {  	vm5 =	vmmov vm2;
	s9 =	sshll.u32 s26, $0x4;
	vm4 =	vmmov @p2 vm2;
	v6 =	vmax.f32 v5, v6  }
0xd6: {  	s26 =	sor.u32 $0x11A40, s9;
	vm5 =	vmmov @p3 vm1;
	v5 =	vmax.f32 v5, v7;
	[tilespmem:s29+$0x9D40] =	vst.msk vm4, v6  }
0xd7: {  	[tilespmem:s26+$0x0] =	vst.msk vm5, v5  }
0xd8: {  	v5 =	vld [tilespmem:s29+$0x7DF0];
	_ =	sdelay $0x4  }
0xd9: {  	v5 =	vshift.insert v5, v3, s21  }
0xda: {  	s11 =	sor.u32 $0x40, s2  }
0xdb: {  	v6 =	vimm.f32 $-Inf;
	[tilespmem:s11+$0x0] =	vst.msk $0x1, v5  }
0xdc: {  	[tilespmem:s29+$0x7DFF] =	vst.msk $0x1, v6  }
0xdd: {  	v5 =	vld [tilespmem:s0+$0x2030]  }
0xde: {  	s22 =	smulhi.u32 $0xAAAAAAAB, s20;
	_ =	sdelay $0x1  }
0xdf: {  	s9 =	simm.s32 $0x1;
	s0 =	sshrl.u32 s22, $0x1  }
0xe0: {  	s9 =	simm.s32 @!p0 $0x0;
	s0 =	smul.u32 $0xFFFE8900, s0  }
0xe1: {  	s9 =	smul.u32 $0x7D00, s9;
	v5 =	vshift.insert v5, v1, s21  }
0xe2: {  	s0 =	sshra.s32 s0, $0x2  }
0xe3: {  	s9 =	sshrl.u32 s9, $0x2;
	s22 =	sadd.s32 s0, s19;
	[tilespmem:s2+$0x10] =	vst.msk $0x1, v5  }
0xe4: {  	s2 =	sadd.s32 $0x9D40, s9;
	v7 =	vld [tilespmem:s22+$0x0]  }
0xe5: {  	v8 =	vld [tilespmem:s2+$0x0];
	_ =	sdelay $0x4  }
0xe6: {  	vm4 =	vne.s32 v7, $0xFFFFFFFF;
	v6 =	vmax.f32 v8, v6  }
0xe7: {  	(xrf0) =	vmax.seg.scan.f32 vm4, v6  }
0xe8: {  	s11 =	sadd.s32 $0x5EC0, s9;
	v8 =	vld [tilespmem:$0xA0]  }
0xe9: {  	v9 =	vld [tilespmem:s11+$0x0];
	_ =	sdelay $0x1  }
0xea: {  	v6 =	vperm.xlane v5, v1;
	_ =	sdelay $0x1  }
0xeb: {  	vm6 =	veq.s32 v7, v4;
	vm7 =	veq.s32 v7, v6;
	vm5 =	veq.s32 v8, $0x1;
	v8, _, _ =	vpop (xrf0)  }
0xec: {  	vm8 =	vgt.u32 v7, $0xFFFFFFFD;
	vm7 =	vmor vm7, vm6;
	v9 =	vmax.f32 v8, v9  }
0xed: {  	s30 =	sadd.s32 $0xDBC0, s9;
	v10 =	vld [tilespmem:$0x90];
	vm7 =	vmor vm7, vm8;
	v9 =	vsel vm6, v8, v9  }
0xee: {  	[tilespmem:s30+$0x0] =	vst v9;
	v9 =	vsel vm7, $0xFFFFFFFF, v7;
	_ =	sdelay $0x1  }
0xef: {  	vm9 =	vmand vm4, vm3  }
0xf0: {  	s31 =	simm.s32 $0x0;
	s9 =	sadd.s32 $0x10, s11;
	s0 =	sadd.s32 $0x10, s2;
	v11 =	vsel vm9, $0xFF800000, v8  }
0xf1: {  	s2 =	sadd.s32 $0x10, s22;
	s22 =	sadd.s32 $0x10, s30;
	vm4 =	vmor vm5, vm6;
	v7 =	vsel vm6, v8, v10;
	v8 =	vshift.insert v11, v0, s21;
	(ifvalue) =	ssetifvalue $0xFFFFFFFF  }
.LBB3_7:
0xf2: {  	[hbm4b:s1+s16] =	stream.indirect_vreg.scatter [tilespmem:s30], [sflag:$0x2], $0x1, v9, vm0, $0x4038;
	[tilespmem:$0x11A60] =	vst v63  }
0xf3: {  	s31 =	sadd.s32 $0x10, s31;
	s30 =	smov.u32 s22;
	v9 =	vld [tilespmem:s2+$0x0]  }
0xf4: {  	p2 =	slt.u32 s31, $0x1F30;
	v10 =	vld [tilespmem:s0+$0x0];
	_ =	sdelay $0x4  }
0xf5: {  	vm5 =	vne.s32 v9, $0xFFFFFFFF;
	v8 =	vmax.f32 v10, v8  }
0xf6: {  	(xrf0) =	vmax.seg.scan.f32 vm5, v8;
	_ =	sdelay $0x1  }
0xf7: {  	v8 =	vld [tilespmem:s9+$0x0]  }
0xf8: {  	vm6 =	veq.s32 v9, v4;
	vm7 =	veq.s32 v9, v6  }
0xf9: {  	vm8 =	vgt.u32 v9, $0xFFFFFFFD;
	vm4 =	vmor vm4, vm6;
	vm7 =	vmor vm7, vm6  }
0xfa: {  	vm7 =	vmor vm7, vm8  }
.Ltmp10:
0xfb: {  	vm5 =	vmand vm5, vm3;
	v9 =	vsel vm7, $0xFFFFFFFF, v9;
	v10, _, _ =	vpop (xrf0);
	(pc) =	sbr.rel @p2 .LBB3_7-.Ltmp10, $4  }
0xfc: {  	v7 =	vsel vm6, v10, v7;
	v8 =	vmax.f32 v10, v8;
	v11 =	vsel vm5, $0xFF800000, v10  }
0xfd: {  	v10 =	vsel vm6, v10, v8;
	v8 =	vshift.insert v11, v0, s21  }
0xfe: {  	s2 =	sadd.s32 $0x10, s2;
	s0 =	sadd.s32 $0x10, s0;
	[tilespmem:s22+$0x0] =	vst v10  }
0xff: {  	s9 =	sadd.s32 $0x10, s9;
	s22 =	sadd.s32 $0x10, s22;
	(ifvalue) =	ssetifvalue $0xFFFFFFFF  }
0x100: {  	_ =	sdelay $0x3  }
0x101: {  	[hbm4b:s1+s16] =	stream.indirect_vreg.scatter [tilespmem:s30], [sflag:$0x2], $0x1, v9, vm0, $0x4038;
	[tilespmem:$0x11A60] =	vst v63  }
0x102: {  	v4 =	vld [tilespmem:s29+$0xFAF0];
	_ =	sdelay $0x4  }
0x103: {  	v4 =	vshift.insert v4, v3, s21  }
0x104: {  	s0 =	simm.s32 $0x30  }
0x105: {  	[tilespmem:s0+$0x0] =	vst.msk $0x1, v4  }
0x106: {  	v4 =	vsel vm4, $0x1, v1;
	[tilespmem:$0x90] =	vst v7  }
0x107: {  	s0 =	sadd.s32 @!p1 $0xFAFF, s29;
	[tilespmem:$0xA0] =	vst v4  }
0x108: {  	[spmem:s15] =	stream.linear.scatter @!p1 [tilespmem:s0], [sflag:$0x1], $0x1, $0x38;
	[tilespmem:$0x11A60] =	vst v63  }
0x109: {  	s0 =	simm.s32 @!p1 $0x1  }
0x10a: {  	v4 =	vmctz.xlane @!p1 vm4;
	_ =	swait.ge @!p1 [sflag:s0], $0x1  }
0x10b: {  	(v2sf) =	vpush @!p1 v5, $0x0  }
0x10c: {  	(v2sf) =	vpush @!p1 v4, $0x0;
	_ =	sdelay $0xd  }
0x10d: {  	s2 =	spop @!p1 (v2sf)  }
0x10e: {  	s9 =	spop @!p1 (v2sf)  }
0x10f: {  	p2 =	sne.s32 @!p1 s28, s2;
	p3 =	slt.s32 @!p1 s9, $0xF  }
0x110: {  	[sflag:s0] =	ssyncset.done @!p1 $0x0;
	p2 =	por p2, p1;
	p3 =	por !p3, p1  }
0x111: {  	[sflag:s0] =	ssyncadd.s32 @!p1 $0xFFFFFFFF;
	v4 =	vimm.s32 @!p2 $0xFFFFFFFF;
	s9 =	simm.s32 @p3 $0xF  }
0x112: {  	[tilespmem:$0x80] =	vst @!p2 v4;
	s2 =	sadd.s32 @!p1 $0x90, s9  }
0x113: {  	[spmem:s3] =	stream.linear.scatter @!p1 [tilespmem:s2], [sflag:$0x1], $0x1, $0x38;
	[tilespmem:$0x11A60] =	vst v63  }
0x114: {  	_ =	swait.ge @!p1 [sflag:s0], $0x1  }
0x115: {  	[sflag:s0] =	ssyncset.done @!p1 $0x0  }
0x116: {  	s2 =	simm.s32 @!p1 $0x80;
	[sflag:s0] =	ssyncadd.s32 @!p1 $0xFFFFFFFF  }
0x117: {  	[spmem:s13] =	stream.linear.scatter @!p1 [tilespmem:s2], [sflag:$0x1], $0x1, $0x38;
	[tilespmem:$0x11A60] =	vst v63  }
0x118: {  	_ =	swait.ge @!p1 [sflag:s0], $0x1  }
0x119: {  	[sflag:s0] =	ssyncset.done @!p1 $0x0  }
0x11a: {  	[sflag:s0] =	ssyncadd.s32 @!p1 $0xFFFFFFFF;
	(ifvalue) =	ssetifvalue $0xFFFFFFFF;
	v4 =	vld [tilespmem:s25+$0x10];
	_ =	sdelay $0x3  }
.Ltmp11:
0x11b: {  	_ = 	snop;
	(pc) =	sbr.rel .LBB3_9-.Ltmp11, $3  }
0x11c: {  	_ =	sdelay $0x1  }
0x11d: {  	(ifvalue) =	ssetifvalue $0xFFFFFFFF  }
0x11e: {  	[hbm4b:s1+s16] =	stream.indirect_vreg.scatter [tilespmem:s26], [sflag:$0x9], $0x1, v4, vm0, $0x4038;
	[tilespmem:$0x11A60] =	vst v63  }
.LBB3_10:
0x11f: {  	_ =	sfence.sel $0x180000  }
0x120: {  	s0 =	simm.s32 $0x7;
	[bflag:$0x0] =	sbarrier.arrive $0xFFFF  }
0x121: {  	s26 =	simm.s32 $0x8;
	[sflag:s0] =	ssyncpa.u1 $0x1  }
0x122: {  	s28 =	simm.s32 $0x9;
	[sflag:s26] =	ssyncpa.u1 $0x1  }
0x123: {  	[sflag:s28] =	ssyncpa.u1 $0x1  }
0x124: {  	_ =	sfence.stream.spmem  }
0x125: {  	s29 =	simm.s32 $0x3;
	[bflag:$0x0] =	sbarrier.arrive $0xFFFF  }
0x126: {  	s30 =	simm.s32 $0x4;
	[sflag:s29] =	ssyncpa.u1 $0x1  }
0x127: {  	s31 =	simm.s32 $0x3C;
	s2 =	stileid.u32;
	[sflag:s30] =	ssyncpa.u1 $0x1  }
0x128: {  	p0 =	sne.s32 s2, $0x0;
	[sflag:s31] =	ssyncpa.u1 $0x1  }
0x129: {  	s0 =	simm.s32 @p0 $0x1;
	_ =	sfence @p0  }
0x12a: {  	[sflag:s0] =	ssyncpa.u1 @p0 $0x1;
	s0 =	simm.s32 @p0 $0x2  }
0x12b: {  	[sflag:s0] =	ssyncpa.u1 @p0 $0x1  }
0x12c: {  	_ =	strace @p0 $0x90000053  }
0x12d: {  	[bflag:$0x2] =	sbarrier.arrive @p0 $0xFFFF  }
0x12e: {  	_ =	shalt @p0  }
.LBB3_11:
0x12f: {  	_ =	sfence.stream.spmem;
	s0 =	simm.s32 $0x5  }
0x130: {  	s2 =	simm.s32 $0x80;
	s3 =	simm.s32 $0xC0;
	[sflag:s0] =	ssyncpa.u1 $0x0  }
0x131: {  	[tilespmem:s3], [sflag:$0x5] =	stream.linear.gather [spmem:s2], $0x20, $0x38;
	[tilespmem:$0x11A60] =	vst v63  }
0x132: {  	s30 =	simm.s32 $0xE0;
	s2 =	simm.s32 $0x0  }
0x133: {  	[tilespmem:s30], [sflag:$0x5] =	stream.linear.gather [spmem:s2], $0x20, $0x38;
	[tilespmem:$0x11A60] =	vst v63  }
.Ltmp12:
0x134: {  	_ = 	snop;
	(pc) =	sbr.rel .LBB3_12-.Ltmp12, $4  }
0x135: {  	_ =	swait.ge [sflag:s0], $0x40  }
0x136: {  	[sflag:s0] =	ssyncset.done $0x0  }
0x137: {  	s31 =	simm.s32 $0x6;
	[sflag:s0] =	ssyncadd.s32 $0xFFFFFFC0  }
0x138: {  	s3 =	simm.s32 $0x0;
	[sflag:s31] =	ssyncpa.u1 $0x0  }
.LBB3_17:
0x139: {  	p0 =	sgt.u32 s4, $0x7DFFFF  }
0x13a: {  	s0 =	sshrl.u32 @!p0 s4, $0x3  }
0x13b: {  	s4 =	sand.u32 @!p0 $0x7, s4;
	s5 =	simm.s32 @!p0 $0xB0;
	s0 =	sadd.s32 @!p0 s1, s0  }
0x13c: {  	[tilespmem:s5], [sflag:$0x6] =	stream.linear.gather @!p0 [hbm4b:s0+s4], $0x1, $0x38;
	[tilespmem:$0x11A60] =	vst v63  }
0x13d: {  	s0 =	simm.s32 @!p0 $0x6  }
0x13e: {  	_ =	swait.ge @!p0 [sflag:s0], $0x1  }
0x13f: {  	[sflag:s0] =	ssyncset.done @!p0 $0x0  }
0x140: {  	[sflag:s0] =	ssyncadd.s32 @!p0 $0xFFFFFFFF  }
0x141: {  	v1 =	vld.msk @!p0 [tilespmem:$0xB0], $0x1  }
0x142: {  	v2 =	vld.msk @!p0 [tilespmem:s3+$0xE0], $0x1;
	_ =	sdelay $0x4  }
0x143: {  	v1 =	vmax.f32 @!p0 v2, v1  }
0x144: {  	[tilespmem:s3+$0xE0] =	vst.msk @!p0 $0x1, v1  }
0x145: {  	[tilespmem:s2+$0xC0] =	vst.msk $0x1, v0  }
0x146: {  	v0 =	vld.msk [tilespmem:s3+$0xE0], $0x1;
	_ =	sdelay $0x4  }
0x147: {  	[tilespmem:s2+$0xE0] =	vst.msk $0x1, v0;
	s2 =	sadd.s32 $0x1, s2  }
.LBB3_19:
0x148: {  	s3 =	sadd.s32 $0x1, s3  }
0x149: {  	p0 =	sne.s32 s3, $0x20  }
.Ltmp13:
0x14a: {  	_ = 	snop;
	(pc) =	sbr.rel @!p0 .LBB3_20-.Ltmp13, $1  }
0x14b: {  	_ =	sdelay $0x3  }
.LBB3_12:
0x14c: {  	v0 =	vld.msk [tilespmem:s3+$0xC0], $0x1;
	_ =	sdelay $0x4  }
0x14d: {  	(v2sf) =	vpush v0, $0x0;
	_ =	sdelay $0xe  }
0x14e: {  	s4 =	spop (v2sf)  }
0x14f: {  	p0 =	seq.s32 s4, $0xFFFFFFFF  }
.Ltmp14:
0x150: {  	_ = 	snop;
	(pc) =	sbr.rel @p0 .LBB3_19-.Ltmp14, $1  }
0x151: {  	_ =	sdelay $0x3  }
0x152: {  	p0 =	slt.s32 s2, $0x1  }
.Ltmp15:
0x153: {  	_ = 	snop;
	(pc) =	sbr.rel @p0 .LBB3_17-.Ltmp15, $1  }
0x154: {  	_ =	sdelay $0x3  }
0x155: {  	s0 =	simm.s32 $0xC0;
	p0 =	por $0x0, $0x0  }
0x156: {  	v1 =	vld.msk @!p0 [tilespmem:s0+$0x0], $0x1;
	_ =	sdelay $0x4  }
0x157: {  	(v2sf) =	vpush @!p0 v1, $0x0;
	_ =	sdelay $0xd  }
0x158: {  	p2 =	sne.s32 s2, $0x1  }
.Ltmp16:
0x159: {  	s5 =	spop @!p0 (v2sf);
	(pc) =	sbr.rel @!p2 .LBB3_16-.Ltmp16, $4  }
0x15a: {  	p1 =	seq.s32 @!p0 s4, s5  }
0x15b: {  	s5 =	simm.s32 $0x0;
	p1 =	por !p1, p0  }
0x15c: {  	s7 =	simm.s32 $0xFFFFFFFF;
	s5 =	simm.s32 @p1 $0xFFFFFFFF  }
0x15d: {  	s6 =	simm.s32 $0x1;
	s5 =	smov.u32 @p0 s7  }
.LBB3_15:
0x15e: {  	s7 =	smov.u32 s5;
	p0 =	sne.s32 s5, $0xFFFFFFFF  }
0x15f: {  	s0 =	sadd.s32 $0x1, s0;
	s5 =	smov.u32 s6;
	s6 =	sadd.s32 $0x1, s6  }
0x160: {  	p1 =	sne.s32 s2, s6;
	v1 =	vld.msk @!p0 [tilespmem:s0+$0x0], $0x1;
	_ =	sdelay $0x4  }
0x161: {  	(v2sf) =	vpush @!p0 v1, $0x0;
	_ =	sdelay $0xe  }
.Ltmp17:
0x162: {  	s8 =	spop @!p0 (v2sf);
	(pc) =	sbr.rel @p1 .LBB3_15-.Ltmp17, $4  }
0x163: {  	p2 =	seq.s32 @!p0 s4, s8  }
0x164: {  	p2 =	por !p2, p0  }
0x165: {  	s5 =	simm.s32 @p2 $0xFFFFFFFF  }
0x166: {  	s5 =	smov.u32 @p0 s7  }
.LBB3_16:
0x167: {  	p0 =	sne.s32 s5, $0xFFFFFFFF  }
.Ltmp18:
0x168: {  	_ = 	snop;
	(pc) =	sbr.rel @!p0 .LBB3_17-.Ltmp18, $1  }
0x169: {  	_ =	sdelay $0x3  }
0x16a: {  	v0 =	vld.msk [tilespmem:s3+$0xE0], $0x1  }
0x16b: {  	v1 =	vld.msk [tilespmem:s5+$0xE0], $0x1;
	_ =	sdelay $0x1  }
.Ltmp19:
0x16c: {  	_ = 	snop;
	(pc) =	sbr.rel .LBB3_19-.Ltmp19, $3  }
0x16d: {  	_ =	sdelay $0x1  }
0x16e: {  	v0 =	vmax.f32 v1, v0  }
0x16f: {  	[tilespmem:s5+$0xE0] =	vst.msk $0x1, v0  }
.LBB3_20:
0x170: {  	p0 =	slt.s32 s2, $0x1  }
.Ltmp20:
0x171: {  	_ = 	snop;
	(pc) =	sbr.rel @p0 .LBB3_24-.Ltmp20, $3  }
0x172: {  	_ =	sdelay $0x1  }
0x173: {  	s0 =	simm.s32 $0x6  }
0x174: {  	s3 =	simm.s32 $0x0;
	[sflag:s0] =	ssyncpa.u1 $0x1  }
0x175: {  	s0 =	simm.s32 $0xC0  }
0x176: {  	v0 =	vld.msk [tilespmem:s0+$0x0], $0x1;
	_ =	sdelay $0x4  }
0x177: {  	(v2sf) =	vpush v0, $0x0;
	_ =	sdelay $0xe  }
0x178: {  	s2 =	sadd.s32 $0xFFFFFFFF, s2;
	s4 =	spop (v2sf)  }
0x179: {  	p1 =	sne.s32 s2, $0x0;
	p0 =	sgt.u32 s4, $0x7DFFFF  }
.Ltmp21:
0x17a: {  	s5 =	sshrl.u32 @!p0 s4, $0x3;
	(pc) =	sbr.rel @!p1 .LBB3_23-.Ltmp21, $4  }
0x17b: {  	s0 =	simm.s32 $0xE0;
	s4 =	sand.u32 @!p0 $0x7, s4;
	s5 =	sadd.s32 @!p0 s1, s5  }
0x17c: {  	[hbm4b:s5+s4] =	stream.linear.scatter @!p0 [tilespmem:s0], [sflag:$0x5], $0x1, $0x38;
	[tilespmem:$0x11A60] =	vst v63  }
0x17d: {  	s5 =	simm.s32 $0x0  }
0x17e: {  	s4 =	simm.s32 $0xC1;
	s5 =	simm.s32 @!p0 $0x4  }
.LBB3_22:
0x17f: {  	v0 =	vld.msk [tilespmem:s4+$0x0], $0x1;
	s2 =	sadd.s32 $0xFFFFFFFF, s2;
	s3 =	sadd.s32 s3, s5  }
0x180: {  	p0 =	sne.s32 s2, $0x0;
	_ =	sdelay $0x3  }
0x181: {  	(v2sf) =	vpush v0, $0x0;
	_ =	sdelay $0xe  }
.Ltmp22:
0x182: {  	s6 =	spop (v2sf);
	(pc) =	sbr.rel @p0 .LBB3_22-.Ltmp22, $4  }
0x183: {  	s5 =	simm.s32 $0x0;
	p1 =	sgt.u32 s6, $0x7DFFFF  }
0x184: {  	s0 =	sadd.s32 $0x1, s0;
	s5 =	simm.s32 @!p1 $0x4;
	s7 =	sshrl.u32 @!p1 s6, $0x3  }
0x185: {  	s4 =	sadd.s32 $0x1, s4;
	s6 =	sand.u32 @!p1 $0x7, s6;
	s7 =	sadd.s32 @!p1 s1, s7  }
0x186: {  	[hbm4b:s7+s6] =	stream.linear.scatter @!p1 [tilespmem:s0], [sflag:$0x5], $0x1, $0x38;
	[tilespmem:$0x11A60] =	vst v63  }
.LBB3_23:
0x187: {  	s0 =	sadd.s32 s3, s5  }
0x188: {  	s3 =	sshrl.u32 s0, $0x2  }
.LBB3_24:
0x189: {  	s0 =	simm.s32 $0x5  }
0x18a: {  	_ =	swait.ge [sflag:s0], s3  }
0x18b: {  	s1 =	ssub.s32 $0x0, s3;
	[sflag:s0] =	ssyncset.done $0x0  }
0x18c: {  	[sflag:s0] =	ssyncadd.s32 s1  }
0x18d: {  	[sflag:s0] =	ssyncpa.u1 $0x1  }
0x18e: {  	s29 =	simm.s32 $0x1;
	_ =	sfence  }
0x18f: {  	s30 =	simm.s32 $0x2;
	[sflag:s29] =	ssyncpa.u1 $0x1  }
0x190: {  	[sflag:s30] =	ssyncpa.u1 $0x1  }
0x191: {  	_ =	strace $0x90000053  }
0x192: {  	[bflag:$0x2] =	sbarrier.arrive $0xFFFF  }
0x193: {  	s31 =	rddreg [dreg:$0x1]  }
0x194: {  	s0 =	sadd.s32 $0x100000, s31  }
0x195: {  	[sflag:s0] =	ssyncadd.tile.s32 $0x1;
	_ =	shalt  }
.Lfunc_end3:
_tile_overlayer_lowered:
.L_overlay_start_3:
0x196: {  	(tag) =	ssettag $0x3  }
0x197: {  	s0 =	rddreg [dreg:$0x0];
	s2 =	stileid.u32  }
0x198: {  	s1 =	rddreg [dreg:$0x1];
	p0 =	sne.s32 s2, $0x0  }
0x199: {  	s3 =	rddreg [dreg:$0x2];
	[bflag:$0x3] =	sbarrier.arrive $0xFFFF;
	s2 =	simm.s32 @!p0 $0x1C01  }
0x19a: {  	[timem:s3], [sflag:s2] =	dma.local @!p0 [hbm:s0], s1  }
0x19b: {  	s0 =	simm.s32 @!p0 $0x1  }
0x19c: {  	_ =	swait.ge @!p0 [sflag:s0], s1  }
0x19d: {  	s1 =	ssub.s32 @!p0 $0x0, s1;
	[sflag:s0] =	ssyncset.done @!p0 $0x0  }
0x19e: {  	[sflag:s0] =	ssyncadd.s32 @!p0 s1  }
0x19f: {  	[bflag:$0x3] =	sbarrier.arrive $0xFFFF  }
0x1a0: {  	_ =	shalt  }

// kernel: scatter_offload_async_start
scs
__scs_entry_jumppad:
0x0: {  	(pc) =	sbr.rel $0x88, $3  }
0x1: {  	(tag) =	ssettag $0x0;
	lr =	simm.s32 $0x1  }
0x2: {  	[smem:$0x3F98] =	sst lr;
	_ =	strace $0xD0000000  }
0x3: {  	_ = 	snop  }
0x4: {  	_ = 	snop  }
0x5: {  	_ = 	snop  }
0x6: {  	_ = 	snop  }
0x7: {  	_ = 	snop  }
__scs_overlays_trampoline_lowered:
0x8: {  	[smem:$0x3FA7] =	sst s0  }
0x9: {  	[smem:$0x3FA8] =	sst s1  }
0xa: {  	[smem:$0x3FA9] =	sst s2  }
0xb: {  	[smem:$0x3FAA] =	sst s3  }
0xc: {  	[smem:$0x3FAB] =	sst s4  }
0xd: {  	[smem:$0x3FAC] =	sst s5  }
0xe: {  	[smem:$0x3FAD] =	sst s6  }
0xf: {  	[smem:$0x3FAE] =	sst s7  }
0x10: {  	[smem:$0x3FAF] =	sst s8  }
0x11: {  	[smem:$0x3FB0] =	sst s9;
	s0 =	simm.s32 @!p0 $0x0  }
0x12: {  	s1 =	sld [smem:$0x3F96];
	s0 =	simm.s32 @p0 $0x1  }
0x13: {  	[smem:$0x3FB1] =	sst s0;
	s0 =	simm.s32 @!p1 $0x0  }
0x14: {  	s2 =	sld [smem:$0x3F95];
	s0 =	simm.s32 @p1 $0x1  }
0x15: {  	[smem:$0x3FB2] =	sst s0;
	s0 =	simm.s32 @!p2 $0x0  }
0x16: {  	s3 =	sld [smem:$0x3FDB];
	s0 =	simm.s32 @p2 $0x1  }
0x17: {  	s4 =	simm.s32 $0x1BF5;
	[smem:$0x3FB4] =	sst s0  }
0x18: {  	s0 =	sld [smem:$0x3F97];
	_ =	swait.ge [sflag:s4], $0x0  }
0x19: {  	s7 =	sld [smem:$0x3F98]  }
0x1a: {  	s8 =	sadd.s32 $0xFFFFE003, lr  }
0x1b: {  	s9 =	sadd.s32 $0xFFFFFEF7, lr;
	s5 =	simm.s32 $0xFFFFFFFF;
	p2 =	slt.u32 s8, $0xFFFFF086  }
0x1c: {  	p1 =	slt.u32 s9, $0xF7A;
	s5 =	simm.s32 @!p2 $0x0  }
0x1d: {  	s5 =	simm.s32 @p1 $0x1;
	p0 =	seq.s32 s7, s2  }
0x1e: {  	s7 =	smul.u32 @!p0 $0xF7A, s2;
	p2 =	seq.s32 @!p0 s5, $0x0  }
0x1f: {  	s9 =	smul.u32 $0xF7A, s1;
	s8 =	simm.s32 @!p0 $0x1BF5;
	p2 =	por !p2, p0  }
0x20: {  	[sflag:s8] =	ssyncset.s32 @!p0 $0xFFFFF086;
	s6 =	sadd.s32 @!p0 s3, s7;
	s7 =	simm.s32 @!p0 $0x108  }
0x21: {  	s3 =	sadd.s32 s3, s9;
	s6 =	sadd.s32 @!p0 $0x88, s6;
	s7 =	simm.s32 @p2 $0x1082  }
0x22: {  	[simem:s7], [sflag:s8] =	dma.local @!p0 [hbm:s6], $0xF7A  }
0x23: {  	s9 =	sor.u32 $0xD0000000, s2;
	s6 =	simm.s32 $0x108;
	_ =	swait.ge @!p0 [sflag:s8], $0x0  }
0x24: {  	s3 =	sadd.s32 $0x88, s3;
	s6 =	simm.s32 @!p1 $0x1082;
	[sflag:s4] =	ssyncset.s32 $0xFFFFF086  }
0x25: {  	[simem:s6], [sflag:s4] =	dma.local [hbm:s3], $0xF7A  }
0x26: {  	[smem:$0x3F98] =	sst s1;
	(tag) =	ssettag s2;
	_ =	strace s9  }
0x27: {  	s1 =	sld [smem:$0x3FA8]  }
0x28: {  	s2 =	sld [smem:$0x3FA9]  }
0x29: {  	s4 =	sld [smem:$0x3FAB]  }
0x2a: {  	p0 =	seq.s32 s5, $0x0;
	s5 =	sld [smem:$0x3FAC]  }
0x2b: {  	s6 =	sld [smem:$0x3FAD]  }
0x2c: {  	s7 =	sld [smem:$0x3FAE]  }
0x2d: {  	s3 =	simm.s32 $0x108;
	s8 =	sld [smem:$0x3FAF]  }
0x2e: {  	s3 =	simm.s32 @!p0 $0x1082;
	s9 =	sld [smem:$0x3FB0]  }
0x2f: {  	lr =	sadd.s32 s0, s3;
	s0 =	sld [smem:$0x3FA7]  }
0x30: {  	s3 =	sld [smem:$0x3FAA]  }
0x31: {  	[smem:$0x3FB3] =	sst s10  }
0x32: {  	s10 =	sld [smem:$0x3FB1];
	_ =	sdelay $0x3  }
0x33: {  	p0 =	seq.s32 s10, $0x1;
	s10 =	sld [smem:$0x3FB3];
	_ =	sdelay $0x3  }
0x34: {  	[smem:$0x3FB3] =	sst s10  }
0x35: {  	s10 =	sld [smem:$0x3FB2];
	_ =	sdelay $0x3  }
0x36: {  	p1 =	seq.s32 s10, $0x1;
	s10 =	sld [smem:$0x3FB3];
	_ =	sdelay $0x3  }
0x37: {  	[smem:$0x3FB3] =	sst s10  }
0x38: {  	s10 =	sld [smem:$0x3FB4]  }
0x39: {  	_ = 	snop;
	(pc) =	sbr.ind lr, $3  }
0x3a: {  	_ = 	snop  }
0x3b: {  	_ = 	snop  }
0x3c: {  	p2 =	seq.s32 s10, $0x1;
	s10 =	sld [smem:$0x3FB3]  }
0x3d: {  	_ =	shalt  }
0x3e: {  	_ =	shalt  }
0x3f: {  	_ =	shalt  }
0x40: {  	_ =	shalt  }
0x41: {  	_ =	shalt  }
0x42: {  	_ =	shalt  }
0x43: {  	_ =	shalt  }
0x44: {  	_ =	shalt  }
0x45: {  	_ =	shalt  }
0x46: {  	_ =	shalt  }
0x47: {  	_ =	shalt  }
0x48: {  	_ =	shalt  }
0x49: {  	_ =	shalt  }
0x4a: {  	_ =	shalt  }
0x4b: {  	_ =	shalt  }
0x4c: {  	_ =	shalt  }
0x4d: {  	_ =	shalt  }
0x4e: {  	_ =	shalt  }
0x4f: {  	_ =	shalt  }
0x50: {  	_ =	shalt  }
0x51: {  	_ =	shalt  }
0x52: {  	_ =	shalt  }
0x53: {  	_ =	shalt  }
0x54: {  	_ =	shalt  }
0x55: {  	_ =	shalt  }
0x56: {  	_ =	shalt  }
0x57: {  	_ =	shalt  }
0x58: {  	_ =	shalt  }
0x59: {  	_ =	shalt  }
0x5a: {  	_ =	shalt  }
0x5b: {  	_ =	shalt  }
0x5c: {  	_ =	shalt  }
0x5d: {  	_ =	shalt  }
0x5e: {  	_ =	shalt  }
0x5f: {  	_ =	shalt  }
0x60: {  	_ =	shalt  }
0x61: {  	_ =	shalt  }
0x62: {  	_ =	shalt  }
0x63: {  	_ =	shalt  }
0x64: {  	_ =	shalt  }
0x65: {  	_ =	shalt  }
0x66: {  	_ =	shalt  }
0x67: {  	_ =	shalt  }
0x68: {  	_ =	shalt  }
0x69: {  	_ =	shalt  }
0x6a: {  	_ =	shalt  }
0x6b: {  	_ =	shalt  }
0x6c: {  	_ =	shalt  }
0x6d: {  	_ =	shalt  }
0x6e: {  	_ =	shalt  }
0x6f: {  	_ =	shalt  }
0x70: {  	_ =	shalt  }
0x71: {  	_ =	shalt  }
0x72: {  	_ =	shalt  }
0x73: {  	_ =	shalt  }
0x74: {  	_ =	shalt  }
0x75: {  	_ =	shalt  }
0x76: {  	_ =	shalt  }
0x77: {  	_ =	shalt  }
0x78: {  	_ =	shalt  }
0x79: {  	_ =	shalt  }
0x7a: {  	_ =	shalt  }
0x7b: {  	_ =	shalt  }
0x7c: {  	_ =	shalt  }
0x7d: {  	_ =	shalt  }
0x7e: {  	_ =	shalt  }
0x7f: {  	_ =	shalt  }
0x80: {  	_ =	shalt  }
0x81: {  	_ =	shalt  }
0x82: {  	_ =	shalt  }
0x83: {  	_ =	shalt  }
0x84: {  	_ =	shalt  }
0x85: {  	_ =	shalt  }
0x86: {  	_ =	shalt  }
0x87: {  	_ =	shalt  }
.Lfunc_end0:
.L_simem_size_0:
called_computation_lowered:
.L_overlay_start_0:
0x88: {  	s0 =	sld [smem:$0x3FD9]  }
0x89: {  	s1 =	sld [smem:$0x3FFE];
	_ =	sdelay $0x3  }
0x8a: {  	s0 =	sadd.s32 s1, s0  }
0x8b: {  	[smem:$0x3FBF] =	sst s0  }
0x8c: {  	_ = 	snop  }
0x8d: {  	(tm) =	ssettm $0x1  }
0x8e: {  	s15 =	sld [smem:$0x3FFB];
	_ =	sdelay $0x3  }
0x8f: {  	_ =	strace s15  }
0x90: {  	s0 =	sld [smem:$0x3FFC];
	_ =	sdelay $0x3  }
0x91: {  	_ =	strace s0  }
0x92: {  	s0 =	sld [smem:$0x3FFD];
	_ =	sdelay $0x3  }
0x93: {  	_ =	strace s0  }
0x94: {  	_ =	strace $0x8FFFFFFF  }
0x95: {  	s16 =	sld [smem:$0x3FDB];
	_ =	sdelay $0x1  }
0x96: {  	s17 =	simm.s32 $_scs_section_size  }
0x97: {  	s2 =	simm.s32 $_size__tile_overlayer_lowered;
	s3 =	simm.s32 $_tile_overlayer_lowered  }
0x98: {  	s20 =	simm.s32 $0x1BFF;
	s19 =	sshll.u32 s3, $0x1;
	s0 =	sadd.s32 s17, s16  }
0x99: {  	s4 =	simm.s32 $0x0;
	s18 =	sshll.u32 s2, $0x1;
	s2 =	sadd.s32 s19, s0  }
0x9a: {  	[timem:s4], [sflag:s20] =	dma.local [hbm:s2], s18  }
0x9b: {  	_ =	swait.ge [sflag:s20], s18  }
0x9c: {  	s1 =	ssub.s32 $0x0, s18;
	[sflag:s20] =	ssyncset.done $0x0  }
0x9d: {  	[sflag:s20] =	ssyncadd.s32 s1;
	_ =	sdelay $0x1  }
0x9e: {  	s21 =	simm.s32 $0x1B8B  }
0x9f: {  	_ =	swait.ge [sflag:s21], $0x1  }
0xa0: {  	[sflag:s21] =	ssyncset.done $0x0  }
0xa1: {  	s23 =	simm.s32 $0x1B8E;
	s22 =	sld [smem:$0x3FFE];
	[sflag:s21] =	ssyncadd.s32 $0xFFFFFFFF  }
0xa2: {  	s24 =	simm.s32 $execute0_lowered;
	[smem:$0x3FD2] =	sst s23  }
0xa3: {  	s2 =	sshll.u32 s24, $0x1;
	_ =	strace $0x80000046;
	[dreg:$0x1] =	wrdreg $0xFFFFFFFF  }
0xa4: {  	s25 =	simm.s32 $_size_execute0_lowered;
	s0 =	sadd.s32 s0, s2;
	[dreg:$0x0] =	wrdreg $0x0  }
0xa5: {  	s2 =	sshll.u32 s25, $0x1;
	[dreg:$0x2] =	wrdreg s0  }
0xa6: {  	[dreg:$0x3] =	wrdreg s2  }
0xa7: {  	[dreg:$0x4] =	wrdreg $0xC0  }
0xa8: {  	_ =	task [dreg:s4], $0x5FFFF  }
0xa9: {  	[dreg:$0x1] =	wrdreg $0xFFFFFFFF  }
0xaa: {  	[dreg:$0x0] =	wrdreg $0x60  }
0xab: {  	[dreg:$0x2] =	wrdreg s22  }
0xac: {  	[dreg:$0x3] =	wrdreg $0x9  }
0xad: {  	_ =	task.clear_ibuf [dreg:s4], $0x4FFFF;
	_ =	strace $0x90000046  }
0xae: {  	s26 =	simm.s32 $0x9;
	_ =	strace $0x80000048  }
0xaf: {  	_ =	swait.ge [sflag:s26], $0x1  }
0xb0: {  	[sflag:s26] =	ssyncadd.s32 $0xFFFFFFFF  }
0xb1: {  	_ =	strace $0x90000048  }
0xb2: {  	_ =	sfence  }
0xb3: {  	s28 =	sld [smem:$0x0];
	_ =	sdelay $0x1  }
0xb4: {  	s29 =	srdreg.scid  }
0xb5: {  	s30 =	sshll.u32 s29, $0xD;
	s31 =	sshrl.u32 s29, $0x2  }
0xb6: {  	s1 =	sand.u32 $0x1, s29;
	s2 =	sand.u32 $0x4000, s30;
	s0 =	sadd.s32 s31, s28  }
0xb7: {  	s1 =	sor.u32 s2, s1;
	s0 =	sshll.u32 s0, $0x11  }
0xb8: {  	s0 =	sor.u32 s0, s1  }
0xb9: {  	s0 =	sadd.s32 $0x8F2B, s0  }
0xba: {  	[sflag:s0] =	ssyncadd.remote.s32 $0x1  }
0xbb: {  	_ =	sfence.sel $0xFFFF  }
0xbc: {  	[dreg:$0x0] =	wrdreg $0xFFFFFFFF;
	(pc) =	sbr.abs _section_cstart, $3  }
0xbd: {  	[dreg:$0x1] =	wrdreg $0xFFFFFFFF  }
0xbe: {  	_ =	task.clear_ibuf [dreg:s4], $0x2FFFF;
	_ =	strace $0x9FFFFFFF  }
0xbf: {  	(tm) =	ssettm $0x7FFFFFFF  }
tec
execute0_lowered:
.L_overlay_start_1:
0x0: {  	(tag) =	ssettag $0x1  }
0x1: {  	s0 =	rddreg [dreg:$0x0];
	_ =	strace $0x80000047;
	s15 =	stileid.u32  }
0x2: {  	s2 =	simm.s32 $0x1;
	s1 =	smin.u32 s15, $0x8;
	s3 =	sshll.u32 s15, $0x1  }
0x3: {  	v1 =	vimm.s32 $0xFFFFFFFF;
	[sflag:s2] =	ssyncpa.u1 $0x0;
	s1 =	sadd.s32 s1, s3  }
0x4: {  	p0 =	slt.u32 s15, $0x8;
	[tilespmem:$0x10] =	vst v1;
	s4 =	smul.u32 $0x1F40, s1;
	s1 =	simm.s32 $0x5DC0  }
0x5: {  	v0 =	vimm.f32 $0.0e+00;
	[tilespmem:$0x20] =	vst v1;
	s1 =	simm.s32 @!p0 $0x3E80  }
0x6: {  	[tilespmem:$0x30] =	vst v0;
	s1 =	sadd.s32 s1, s4  }
0x7: {  	[tilespmem:$0x40] =	vst v0;
	s5 =	smin.u32 s1, $0x4E200  }
0x8: {  	s7 =	simm.s32 $0x2;
	s8 =	simm.s32 $0x8;
	[tilespmem:$0x50] =	vst v0;
	s9 =	ssub.s32 s5, s4  }
0x9: {  	s31 =	simm.s32 $0x9;
	s16 =	simm.s32 $0x0;
	[tilespmem:$0x60] =	vst v1;
	p0 =	sgt.s32 s9, $0x0  }
0xa: {  	s17 =	simm.s32 $0xF0;
	s18 =	simm.s32 $0xFFFFFFFF;
	[tilespmem:$0x70] =	vst v1;
	s9 =	simm.s32 @!p0 $0x0  }
0xb: {  	s19 =	simm.s32 $0xFFFFC280;
	s20 =	simm.s32 $0xFFFFFFFE;
	[tilespmem:$0x80] =	vst v1;
	s30 =	smulhi.u32 $0x10624DD3, s9  }
0xc: {  	s21 =	simm.s32 $0xF;
	s25 =	simm.s32 $0x0;
	s24 =	simm.s32 $0x0;
	v1 =	vimm.s32 $0x0;
	[tilespmem:$0xB0] =	vst v0  }
0xd: {  	s6 =	sadd.s32 $0x14A00, s0;
	s15 =	sshllo.u32 s15, $0x1;
	[tilespmem:$0x90] =	vst v1;
	s10 =	sshrl.u32 s30, $0x9  }
0xe: {  	[tilespmem:$0xA0] =	vst v1;
	[sflag:s7] =	ssyncpa.u1 $0x0;
	s7 =	simm.s32 $0x7;
	s11 =	smul.u32 $0x1F40, s10  }
.Ltmp0:
0xf: {  	s13 =	sor.u32 $0x80, s3;
	[sflag:s7] =	ssyncpa.u1 $0x0;
	(pc) =	sbr.rel .LBB2_1-.Ltmp0, $4  }
0x10: {  	s14 =	sor.u32 $0x81, s3;
	[sflag:s8] =	ssyncpa.u1 $0x0;
	p0 =	sne.s32 s9, s11  }
0x11: {  	s23 =	smov.u32 s4;
	s1 =	sadd.s32 $0x48800, s0;
	s2 =	simm.s32 @!p0 $0x0  }
0x12: {  	vm0 =	vmmov $0xffff;
	v2 =	vlaneseq.u32;
	[sflag:s31] =	ssyncpa.u1 $0x0;
	s9 =	sadd.s32 $0x1E800, s0;
	s10 =	sadd.s32 s2, s10  }
0x13: {  	vm1 =	vmxor vm1, vm1;
	vm2 =	vmmov $0x1;
	vm3 =	vcmask $0x3F3C;
	p0 =	por $0x0, $0x0;
	s11 =	sadd.s32 $0x1, s10;
	s12 =	sadd.s32 $0x2, s10  }
.LBB2_9:
0x14: {  	p1 =	slt.u32 s24, $0x3  }
0x15: {  	s0 =	simm.s32 @!p1 $0x2  }
0x16: {  	_ =	swait.ge @!p1 [sflag:s0], $0x1F40  }
0x17: {  	[sflag:s0] =	ssyncset.done @!p1 $0x0  }
0x18: {  	[sflag:s0] =	ssyncadd.s32 @!p1 $0xFFFFE0C0;
	s0 =	simm.s32 @!p1 $0x9  }
0x19: {  	_ =	swait.ge @!p1 [sflag:s0], $0x10  }
0x1a: {  	[sflag:s0] =	ssyncset.done @!p1 $0x0  }
0x1b: {  	[sflag:s0] =	ssyncadd.s32 @!p1 $0xFFFFFFF0;
	p1 =	sne.s32 s24, s12  }
.Ltmp1:
0x1c: {  	s2 =	sadd.s32 $0x1F40, s23;
	(pc) =	sbr.rel @!p1 .LBB2_10-.Ltmp1, $4  }
0x1d: {  	s22 =	smov.u32 s4;
	s31 =	sadd.s32 $0x1, s24;
	s17 =	sadd.s32 $0x1F40, s17  }
0x1e: {  	s18 =	sadd.s32 $0x1, s18;
	s25 =	smov.u32 s23;
	p2 =	slt.s32 s2, s5  }
0x1f: {  	p0 =	por !p0, !p0;
	s19 =	sadd.s32 $0x1F40, s19;
	s22 =	smov.u32 @p2 s2  }
0x20: {  	s20 =	sadd.s32 $0x1, s20;
	s23 =	smov.u32 s22;
	s24 =	smov.u32 s31  }
.LBB2_1:
0x21: {  	p1 =	sge.u32 s24, s10  }
0x22: {  	s0 =	smulhi.u32 @!p1 $0xAAAAAAAB, s24;
	_ =	sdelay $0x1  }
0x23: {  	s0 =	sshrl.u32 @!p1 s0, $0x1  }
0x24: {  	s0 =	smul.u32 @!p1 $0x3, s0;
	_ =	sdelay $0x1  }
0x25: {  	s0 =	ssub.s32 @!p1 s24, s0  }
0x26: {  	s0 =	smul.u32 @!p1 $0x7D00, s0;
	_ =	sdelay $0x1  }
0x27: {  	s2 =	sshrl.u32 @!p1 s23, $0x3;
	s0 =	sshrl.u32 @!p1 s0, $0x2  }
0x28: {  	s22 =	sand.u32 @!p1 $0x7, s23;
	s2 =	sadd.s32 @!p1 s6, s2;
	s0 =	sadd.s32 @!p1 $0x100, s0  }
0x29: {  	[tilespmem:s0], [sflag:$0x7] =	stream.linear.gather @!p1 [hbm4b:s2+s22], $0x1F40, $0x38;
	[tilespmem:$0x11A60] =	vst v63  }
0x2a: {  	s0 =	sadd.s32 $0xFFFFFFFF, s24  }
0x2b: {  	p1 =	sge.u32 s0, s10  }
.Ltmp2:
0x2c: {  	_ = 	snop;
	(pc) =	sbr.rel @p1 .LBB2_5-.Ltmp2, $1  }
0x2d: {  	_ =	sdelay $0x3  }
0x2e: {  	s2 =	smulhi.u32 $0xAAAAAAAB, s0;
	_ =	sdelay $0x1  }
0x2f: {  	s2 =	sshrl.u32 s2, $0x1  }
0x30: {  	s2 =	smul.u32 $0x3, s2;
	_ =	sdelay $0x1  }
0x31: {  	s2 =	ssub.s32 s0, s2  }
0x32: {  	s2 =	smul.u32 $0x7D00, s2  }
0x33: {  	_ =	swait.ge [sflag:s7], $0x1F40  }
0x34: {  	[sflag:s7] =	ssyncset.done $0x0;
	s2 =	sshrl.u32 s2, $0x2  }
0x35: {  	[sflag:s7] =	ssyncadd.s32 $0xFFFFE0C0;
	(ifvalue) =	ssetifvalue $0xFFFFFFFF;
	v3 =	vld.msk [tilespmem:s2+$0x100 ss:$0x1], $0xffff;
	_ =	sdelay $0x2  }
0x36: {  	s30 =	smulhi.u32 $0xAAAAAAAB, s18;
	p1 =	sne.s32 s24, $0x1  }
0x37: {  	v4 =	vimm.s32 @!p1 $0x0  }
0x38: {  	s2 =	sshrl.u32 s30, $0x1;
	v4 =	vperm.xlane @!p1 v3, v4  }
0x39: {  	s22 =	sshll.u32 s24, $0x4;
	s2 =	smul.u32 $0xFFFE8900, s2;
	vm4 =	vlt.u32 v3, $0x2800  }
0x3a: {  	s22 =	sand.u32 $0x10, s22;
	v3 =	vnsel vm4, $0xFFFFFFFE, v3;
	vm4 =	vlt.u32 @!p1 v4, $0x2800  }
0x3b: {  	s2 =	sshra.s32 s2, $0x2;
	[tilespmem:s22+$0x60] =	vst v3;
	v3 =	vnsel @!p1 vm4, $0xFFFFFFFE, v4  }
0x3c: {  	s28 =	sadd.s32 s2, s17;
	[tilespmem:$0x80] =	vst @!p1 v3  }
0x3d: {  	v3 =	vld.msk [tilespmem:s28+$0x0 ss:$0x1], $0xffff;
	_ =	sdelay $0x4  }
0x3e: {  	(xrf1) =	vunique.msk.u32 $0xffff, v3;
	_ =	sdelay $0xd  }
0x3f: {  	v4 =	vimm.s32 $0xFFFFFFFF;
	v5, _, _ =	vpop (xrf1)  }
0x40: {  	vm5 =	vne.s32 v3, v4;
	vm4 =	veq.s32 v5, v2  }
0x41: {  	vm6 =	vlt.u32 v3, $0x2800;
	vm4 =	vmand vm5, vm4  }
0x42: {  	vm4 =	vmand vm6, vm4  }
0x43: {  	v4 =	vnsel vm4, $0xFFFFFFFF, v3  }
0x44: {  	s31 =	sand.u32 $0x1, s0  }
0x45: {  	s0 =	simm.s32 $0x1F40;
	p1 =	seq.s32 s31, $0x1  }
0x46: {  	s0 =	simm.s32 @!p1 $0x0  }
0x47: {  	s26 =	sadd.s32 $0x7DF0, s0;
	(ifvalue) =	ssetifvalue $0xFFFFFFFF  }
0x48: {  	v3 =	vperm.xlane v3, v1;
	[tilespmem:s26], [sflag:$0x8] =	stream.indirect_vreg.gather [hbm4b:s1+s16], $0x1, v4, vm0, $0x4038;
	v4 =	vnsel vm6, $0xFFFFFFFE, v4;
	[tilespmem:$0x11A60] =	vst v63  }
0x49: {  	s2 =	simm.s32 $0x0;
	s22 =	sadd.s32 $0xFFFFFFF0, s28;
	[tilespmem:s28+$0x0] =	vst v4  }
.LBB2_3:
0x4a: {  	v4 =	vld.msk [tilespmem:s22+$0x0 ss:$0x1], $0xffff;
	s2 =	sadd.s32 $0x10, s2;
	v5 =	vmov v3;
	s28 =	smov.u32 s22  }
0x4b: {  	p1 =	slt.u32 s2, $0x1F30;
	_ =	sdelay $0x4  }
0x4c: {  	v3 =	vperm.xlane v4, v1;
	(xrf1) =	vunique.msk.u32 $0xffff, v4;
	_ =	sdelay $0xd  }
0x4d: {  	v6, _, _ =	vpop (xrf1)  }
0x4e: {  	vm5 =	vne.s32 v4, v5;
	vm4 =	veq.s32 v6, v2  }
0x4f: {  	vm6 =	vlt.u32 v4, $0x2800;
	vm4 =	vmand vm5, vm4  }
0x50: {  	vm4 =	vmand vm6, vm4  }
0x51: {  	v4 =	vnsel vm4, $0xFFFFFFFF, v4  }
.Ltmp3:
0x52: {  	v5 =	vnsel vm6, $0xFFFFFFFE, v4;
	(pc) =	sbr.rel @p1 .LBB2_3-.Ltmp3, $3  }
0x53: {  	_ =	sdelay $0x1  }
0x54: {  	s22 =	sadd.s32 $0xFFFFFFF0, s22;
	s26 =	sadd.s32 $0xFFFFFFF0, s26;
	(ifvalue) =	ssetifvalue $0xFFFFFFFF  }
0x55: {  	[tilespmem:s26], [sflag:$0x8] =	stream.indirect_vreg.gather [hbm4b:s1+s16], $0x1, v4, vm0, $0x4038;
	[tilespmem:s28+$0x0] =	vst v5  }
0x56: {  	s2 =	sshrl.u32 s25, $0x3  }
0x57: {  	s0 =	sadd.s32 $0x9D40, s0;
	s2 =	sadd.s32 s9, s2  }
0x58: {  	[tilespmem:s0], [sflag:$0x8] =	stream.linear.gather [hbm:s2], $0x1F40, $0x38;
	[tilespmem:$0x11A60] =	vst v63  }
.LBB2_5:
0x59: {  	p1 =	slt.u32 s24, $0x2  }
0x5a: {  	p2 =	sge.u32 @!p1 s24, s12  }
0x5b: {  	p1 =	por p1, p2  }
.Ltmp4:
0x5c: {  	_ = 	snop;
	(pc) =	sbr.rel @p1 .LBB2_9-.Ltmp4, $1  }
0x5d: {  	_ =	sdelay $0x3  }
0x5e: {  	s0 =	sadd.s32 $0xFFFFFFFE, s24  }
0x5f: {  	s2 =	smulhi.u32 $0xAAAAAAAB, s0;
	_ =	sdelay $0x1  }
0x60: {  	s2 =	sshrl.u32 s2, $0x1  }
0x61: {  	s2 =	smul.u32 $0x3, s2;
	_ =	sdelay $0x1  }
0x62: {  	s0 =	ssub.s32 s0, s2  }
0x63: {  	_ =	swait.ge [sflag:s8], $0x3E80;
	s0 =	smul.u32 $0x1F40, s0  }
0x64: {  	p1 =	sne.s32 s24, s11;
	[sflag:s8] =	ssyncset.done $0x0  }
0x65: {  	[sflag:s8] =	ssyncadd.s32 $0xFFFFC180;
	s2 =	sadd.s32 @!p1 $0x203F, s0  }
0x66: {  	[spmem:s14] =	stream.linear.scatter @!p1 [tilespmem:s2], [sflag:$0x1], $0x1, $0x38;
	[tilespmem:$0x11A60] =	vst v63  }
0x67: {  	s2 =	simm.s32 @!p1 $0x1  }
0x68: {  	_ =	swait.ge @!p1 [sflag:s2], $0x1  }
0x69: {  	s22 =	sshll.u32 s24, $0x4;
	[sflag:s2] =	ssyncset.done @!p1 $0x0  }
0x6a: {  	s25 =	sand.u32 $0x10, s22;
	[sflag:s2] =	ssyncadd.s32 @!p1 $0xFFFFFFFF  }
0x6b: {  	s2 =	sxor.u32 $0x10, s25;
	v4 =	vld [tilespmem:s25+$0x10]  }
0x6c: {  	v5 =	vld [tilespmem:s2+$0x60]  }
0x6d: {  	v3 =	vld [tilespmem:$0x80];
	_ =	sdelay $0x2  }
0x6e: {  	(v2sf) =	vpush v4, $0x0  }
0x6f: {  	(v2sf) =	vpush v5, $0x0  }
0x70: {  	(v2sf) =	vpush v3, $0x0;
	_ =	sdelay $0xc  }
0x71: {  	s22 =	spop (v2sf)  }
0x72: {  	s26 =	spop (v2sf)  }
0x73: {  	s28 =	spop (v2sf)  }
0x74: {  	p2 =	seq.s32 s22, s26;
	p3 =	seq.s32 s28, s22  }
0x75: {  	p3 =	por p2, p3  }
0x76: {  	s26 =	sand.u32 $0x1, s24;
	v4 =	vpsel p3, $0xFFFFFFFF, v4  }
0x77: {  	s29 =	smul.u32 $0x1F40, s26;
	[tilespmem:s25+$0x10] =	vst.msk $0x1, v4  }
0x78: {  	v4 =	vld [tilespmem:$0x30]  }
0x79: {  	v5 =	vld [tilespmem:s29+$0x9D40]  }
0x7a: {  	v6 =	vld [tilespmem:s25+$0x40];
	_ =	sdelay $0x3  }
0x7b: {  	vm4 =	vmmov vm1;
	v5 =	vadd.f32 v5, v4  }
0x7c: {  	vm5 =	vmmov vm2;
	vm4 =	vmmov @p2 vm2;
	s22 =	sshll.u32 s26, $0x4;
	v4 =	vadd.f32 v6, v4  }
0x7d: {  	s26 =	sor.u32 $0x11A40, s22;
	vm5 =	vmmov @p3 vm1;
	[tilespmem:s29+$0x9D40] =	vst.msk vm4, v5  }
0x7e: {  	[tilespmem:s26+$0x0] =	vst.msk vm5, v4  }
0x7f: {  	v4 =	vld [tilespmem:s29+$0x7DF0];
	_ =	sdelay $0x3  }
0x80: {  	v5 =	vimm.f32 $0.0e+00  }
0x81: {  	v4 =	vshift.insert v4, v5, s21  }
0x82: {  	s22 =	sor.u32 $0x40, s2  }
0x83: {  	[tilespmem:s22+$0x0] =	vst.msk $0x1, v4  }
0x84: {  	[tilespmem:s29+$0x7DFF] =	vst.msk $0x1, v5  }
0x85: {  	v4 =	vld [tilespmem:s0+$0x2030];
	_ =	sdelay $0x1  }
0x86: {  	s22 =	smulhi.u32 $0xAAAAAAAB, s20;
	s0 =	simm.s32 $0x1  }
0x87: {  	s0 =	simm.s32 @!p0 $0x0  }
0x88: {  	s22 =	sshrl.u32 s22, $0x1;
	s0 =	smul.u32 $0x7D00, s0  }
0x89: {  	s22 =	smul.u32 $0xFFFE8900, s22;
	v4 =	vshift.insert v4, v1, s21  }
0x8a: {  	s0 =	sshrl.u32 s0, $0x2  }
0x8b: {  	s22 =	sshra.s32 s22, $0x2;
	s30 =	sadd.s32 $0x9D40, s0;
	[tilespmem:s2+$0x10] =	vst.msk $0x1, v4  }
0x8c: {  	s22 =	sadd.s32 s22, s19;
	v6 =	vld [tilespmem:s30+$0x0]  }
0x8d: {  	v7 =	vld [tilespmem:s22+$0x0];
	_ =	sdelay $0x3  }
0x8e: {  	v5 =	vadd.f32 v6, v5  }
0x8f: {  	vm4 =	vne.s32 v7, $0xFFFFFFFF  }
0x90: {  	(xrf2) =	vadd.seg.scan.f32 vm4, v5;
	_ =	sdelay $0x3  }
0x91: {  	s31 =	sadd.s32 $0x5EC0, s0;
	v5 =	vperm.xlane v4, v1  }
0x92: {  	v6 =	vld [tilespmem:s31+$0x0]  }
0x93: {  	vm5 =	veq.s32 v7, v3;
	vm6 =	veq.s32 v7, v5  }
0x94: {  	vm7 =	vgt.u32 v7, $0xFFFFFFFD;
	vm6 =	vmor vm6, vm5  }
0x95: {  	vm6 =	vmor vm6, vm7  }
0x96: {  	v9 =	vld [tilespmem:$0xA0];
	v7 =	vsel vm6, $0xFFFFFFFF, v7  }
0x97: {  	v10 =	vld [tilespmem:$0x90];
	v6 =	vsel vm5, $0x0, v6;
	v8, _, _ =	vpop (xrf2)  }
0x98: {  	v6 =	vadd.f32 v8, v6  }
0x99: {  	s0 =	sadd.s32 $0xDBC0, s0  }
0x9a: {  	vm4 =	vmand vm4, vm3;
	[tilespmem:s0+$0x0] =	vst v6;
	(ifvalue) =	ssetifvalue $0xFFFFFFFF  }
0x9b: {  	vm6 =	veq.s32 v9, $0x1;
	[hbm4b:s1+s16] =	stream.indirect_vreg.scatter [tilespmem:s0], [sflag:$0x2], $0x1, v7, vm0, $0x4038;
	v7 =	vsel vm4, $0x0, v8;
	[tilespmem:$0x11A60] =	vst v63  }
0x9c: {  	s2 =	simm.s32 $0x0;
	s22 =	sadd.s32 $0x10, s22;
	vm4 =	vmor vm6, vm5;
	v6 =	vsel vm5, v8, v10;
	v7 =	vshift.insert v7, v0, s21  }
.LBB2_7:
0x9d: {  	v8 =	vld [tilespmem:s22+$0x0];
	s30 =	sadd.s32 $0x10, s30  }
0x9e: {  	s31 =	sadd.s32 $0x10, s31;
	v9 =	vld [tilespmem:s30+$0x0]  }
0x9f: {  	s2 =	sadd.s32 $0x10, s2;
	v10 =	vld [tilespmem:s31+$0x0]  }
0xa0: {  	p2 =	slt.u32 s2, $0x1F30;
	_ =	sdelay $0x2  }
0xa1: {  	v7 =	vadd.f32 v9, v7  }
0xa2: {  	vm5 =	vne.s32 v8, $0xFFFFFFFF  }
0xa3: {  	vm6 =	vmand vm5, vm3;
	(xrf2) =	vadd.seg.scan.f32 vm5, v7;
	_ =	sdelay $0x5  }
0xa4: {  	vm7 =	veq.s32 v8, v5;
	vm5 =	veq.s32 v8, v3  }
0xa5: {  	vm8 =	vgt.u32 v8, $0xFFFFFFFD;
	vm4 =	vmor vm4, vm5;
	vm7 =	vmor vm7, vm5  }
0xa6: {  	vm7 =	vmor vm7, vm8  }
0xa7: {  	v8 =	vsel vm7, $0xFFFFFFFF, v8  }
.Ltmp5:
0xa8: {  	v7 =	vsel vm5, $0x0, v10;
	v9, _, _ =	vpop (xrf2);
	(pc) =	sbr.rel @p2 .LBB2_7-.Ltmp5, $4  }
0xa9: {  	v6 =	vsel vm5, v9, v6;
	v10 =	vadd.f32 v9, v7;
	v7 =	vsel vm6, $0x0, v9  }
0xaa: {  	s0 =	sadd.s32 $0x10, s0;
	v7 =	vshift.insert v7, v0, s21  }
0xab: {  	s22 =	sadd.s32 $0x10, s22;
	[tilespmem:s0+$0x0] =	vst v10;
	(ifvalue) =	ssetifvalue $0xFFFFFFFF  }
0xac: {  	[hbm4b:s1+s16] =	stream.indirect_vreg.scatter [tilespmem:s0], [sflag:$0x2], $0x1, v8, vm0, $0x4038;
	[tilespmem:$0x11A60] =	vst v63  }
0xad: {  	v3 =	vld [tilespmem:s29+$0xFAF0];
	_ =	sdelay $0x4  }
0xae: {  	v3 =	vshift.insert v3, v0, s21  }
0xaf: {  	s0 =	simm.s32 $0x30  }
0xb0: {  	[tilespmem:s0+$0x0] =	vst.msk $0x1, v3  }
0xb1: {  	v3 =	vsel vm4, $0x1, v1;
	[tilespmem:$0x90] =	vst v6  }
0xb2: {  	s0 =	sadd.s32 @!p1 $0xFAFF, s29;
	[tilespmem:$0xA0] =	vst v3  }
0xb3: {  	[spmem:s15] =	stream.linear.scatter @!p1 [tilespmem:s0], [sflag:$0x1], $0x1, $0x38;
	[tilespmem:$0x11A60] =	vst v63  }
0xb4: {  	s0 =	simm.s32 @!p1 $0x1  }
0xb5: {  	v3 =	vmctz.xlane @!p1 vm4;
	_ =	swait.ge @!p1 [sflag:s0], $0x1  }
0xb6: {  	(v2sf) =	vpush @!p1 v4, $0x0  }
0xb7: {  	(v2sf) =	vpush @!p1 v3, $0x0;
	_ =	sdelay $0xd  }
0xb8: {  	s2 =	spop @!p1 (v2sf)  }
0xb9: {  	s22 =	spop @!p1 (v2sf)  }
0xba: {  	p2 =	sne.s32 @!p1 s28, s2;
	p3 =	slt.s32 @!p1 s22, $0xF  }
0xbb: {  	[sflag:s0] =	ssyncset.done @!p1 $0x0;
	p2 =	por p2, p1;
	p3 =	por !p3, p1  }
0xbc: {  	[sflag:s0] =	ssyncadd.s32 @!p1 $0xFFFFFFFF;
	v3 =	vimm.s32 @!p2 $0xFFFFFFFF;
	s22 =	simm.s32 @p3 $0xF  }
0xbd: {  	[tilespmem:$0x80] =	vst @!p2 v3;
	s2 =	sadd.s32 @!p1 $0x90, s22  }
0xbe: {  	[spmem:s3] =	stream.linear.scatter @!p1 [tilespmem:s2], [sflag:$0x1], $0x1, $0x38;
	[tilespmem:$0x11A60] =	vst v63  }
0xbf: {  	_ =	swait.ge @!p1 [sflag:s0], $0x1  }
0xc0: {  	[sflag:s0] =	ssyncset.done @!p1 $0x0  }
0xc1: {  	s2 =	simm.s32 @!p1 $0x80;
	[sflag:s0] =	ssyncadd.s32 @!p1 $0xFFFFFFFF  }
0xc2: {  	[spmem:s13] =	stream.linear.scatter @!p1 [tilespmem:s2], [sflag:$0x1], $0x1, $0x38;
	[tilespmem:$0x11A60] =	vst v63  }
0xc3: {  	_ =	swait.ge @!p1 [sflag:s0], $0x1  }
0xc4: {  	[sflag:s0] =	ssyncset.done @!p1 $0x0  }
0xc5: {  	[sflag:s0] =	ssyncadd.s32 @!p1 $0xFFFFFFFF;
	(ifvalue) =	ssetifvalue $0xFFFFFFFF;
	v3 =	vld [tilespmem:s25+$0x10];
	_ =	sdelay $0x3  }
.Ltmp6:
0xc6: {  	_ = 	snop;
	(pc) =	sbr.rel .LBB2_9-.Ltmp6, $3  }
0xc7: {  	_ =	sdelay $0x1  }
0xc8: {  	(ifvalue) =	ssetifvalue $0xFFFFFFFF  }
0xc9: {  	[hbm4b:s1+s16] =	stream.indirect_vreg.scatter [tilespmem:s26], [sflag:$0x9], $0x1, v3, vm0, $0x4038;
	[tilespmem:$0x11A60] =	vst v63  }
.LBB2_10:
0xca: {  	_ =	sfence.sel $0x180000  }
0xcb: {  	s0 =	simm.s32 $0x7;
	[bflag:$0x0] =	sbarrier.arrive $0xFFFF  }
0xcc: {  	s26 =	simm.s32 $0x8;
	[sflag:s0] =	ssyncpa.u1 $0x1  }
0xcd: {  	s28 =	simm.s32 $0x9;
	[sflag:s26] =	ssyncpa.u1 $0x1  }
0xce: {  	[sflag:s28] =	ssyncpa.u1 $0x1  }
0xcf: {  	_ =	sfence.stream.spmem  }
0xd0: {  	s29 =	simm.s32 $0x3;
	[bflag:$0x0] =	sbarrier.arrive $0xFFFF  }
0xd1: {  	s30 =	simm.s32 $0x4;
	[sflag:s29] =	ssyncpa.u1 $0x1  }
0xd2: {  	s31 =	simm.s32 $0x3C;
	s2 =	stileid.u32;
	[sflag:s30] =	ssyncpa.u1 $0x1  }
0xd3: {  	p0 =	sne.s32 s2, $0x0;
	[sflag:s31] =	ssyncpa.u1 $0x1  }
0xd4: {  	s0 =	simm.s32 @p0 $0x1;
	_ =	sfence @p0  }
0xd5: {  	[sflag:s0] =	ssyncpa.u1 @p0 $0x1;
	s0 =	simm.s32 @p0 $0x2  }
0xd6: {  	[sflag:s0] =	ssyncpa.u1 @p0 $0x1  }
0xd7: {  	_ =	strace @p0 $0x90000047  }
0xd8: {  	[bflag:$0x2] =	sbarrier.arrive @p0 $0xFFFF  }
0xd9: {  	_ =	shalt @p0  }
.LBB2_11:
0xda: {  	_ =	sfence.stream.spmem;
	s0 =	simm.s32 $0x5  }
0xdb: {  	s2 =	simm.s32 $0x80;
	s3 =	simm.s32 $0xC0;
	[sflag:s0] =	ssyncpa.u1 $0x0  }
0xdc: {  	[tilespmem:s3], [sflag:$0x5] =	stream.linear.gather [spmem:s2], $0x20, $0x38;
	[tilespmem:$0x11A60] =	vst v63  }
0xdd: {  	s2 =	simm.s32 $0x0;
	s3 =	simm.s32 $0xE0  }
0xde: {  	[tilespmem:s3], [sflag:$0x5] =	stream.linear.gather [spmem:s2], $0x20, $0x38;
	[tilespmem:$0x11A60] =	vst v63  }
.Ltmp7:
0xdf: {  	_ = 	snop;
	(pc) =	sbr.rel .LBB2_12-.Ltmp7, $4  }
0xe0: {  	_ =	swait.ge [sflag:s0], $0x40  }
0xe1: {  	[sflag:s0] =	ssyncset.done $0x0  }
0xe2: {  	s31 =	simm.s32 $0x6;
	[sflag:s0] =	ssyncadd.s32 $0xFFFFFFC0  }
0xe3: {  	s4 =	simm.s32 $0x0;
	[sflag:s31] =	ssyncpa.u1 $0x0  }
.LBB2_17:
0xe4: {  	p0 =	sgt.u32 s5, $0x27FF  }
0xe5: {  	s0 =	sshrl.u32 @!p0 s5, $0x3  }
0xe6: {  	s5 =	sand.u32 @!p0 $0x7, s5;
	s6 =	simm.s32 @!p0 $0xB0;
	s0 =	sadd.s32 @!p0 s1, s0  }
0xe7: {  	[tilespmem:s6], [sflag:$0x6] =	stream.linear.gather @!p0 [hbm4b:s0+s5], $0x1, $0x38;
	[tilespmem:$0x11A60] =	vst v63  }
0xe8: {  	s0 =	simm.s32 @!p0 $0x6  }
0xe9: {  	_ =	swait.ge @!p0 [sflag:s0], $0x1  }
0xea: {  	[sflag:s0] =	ssyncset.done @!p0 $0x0  }
0xeb: {  	[sflag:s0] =	ssyncadd.s32 @!p0 $0xFFFFFFFF  }
0xec: {  	v2 =	vmov @!p0 s4;
	v1 =	vld.msk @!p0 [tilespmem:$0xB0], $0x1;
	_ =	sdelay $0x3  }
0xed: {  	s0 =	simm.s32 @!p0 $0xE0  }
0xee: {  	[tilespmem:v2+s0+$0x0], v1 =	vst.idx.ret.add.f32.msk @!p0 $0x1, v1  }
0xef: {  	[tilespmem:s2+$0xC0] =	vst.msk $0x1, v0  }
0xf0: {  	v0 =	vld.msk [tilespmem:s4+$0xE0], $0x1;
	_ =	sdelay $0x4  }
0xf1: {  	[tilespmem:s2+$0xE0] =	vst.msk $0x1, v0;
	s2 =	sadd.s32 $0x1, s2  }
.LBB2_19:
0xf2: {  	s4 =	sadd.s32 $0x1, s4  }
0xf3: {  	p0 =	sne.s32 s4, $0x20  }
.Ltmp8:
0xf4: {  	_ = 	snop;
	(pc) =	sbr.rel @!p0 .LBB2_20-.Ltmp8, $1  }
0xf5: {  	_ =	sdelay $0x3  }
.LBB2_12:
0xf6: {  	v0 =	vld.msk [tilespmem:s4+$0xC0], $0x1;
	_ =	sdelay $0x4  }
0xf7: {  	(v2sf) =	vpush v0, $0x0;
	_ =	sdelay $0xe  }
0xf8: {  	s5 =	spop (v2sf)  }
0xf9: {  	p0 =	seq.s32 s5, $0xFFFFFFFF  }
.Ltmp9:
0xfa: {  	_ = 	snop;
	(pc) =	sbr.rel @p0 .LBB2_19-.Ltmp9, $1  }
0xfb: {  	_ =	sdelay $0x3  }
0xfc: {  	p0 =	slt.s32 s2, $0x1  }
.Ltmp10:
0xfd: {  	_ = 	snop;
	(pc) =	sbr.rel @p0 .LBB2_17-.Ltmp10, $1  }
0xfe: {  	_ =	sdelay $0x3  }
0xff: {  	s0 =	simm.s32 $0xC0;
	p0 =	por $0x0, $0x0  }
0x100: {  	v1 =	vld.msk @!p0 [tilespmem:s0+$0x0], $0x1;
	_ =	sdelay $0x4  }
0x101: {  	(v2sf) =	vpush @!p0 v1, $0x0;
	_ =	sdelay $0xd  }
0x102: {  	p2 =	sne.s32 s2, $0x1  }
.Ltmp11:
0x103: {  	s6 =	spop @!p0 (v2sf);
	(pc) =	sbr.rel @!p2 .LBB2_16-.Ltmp11, $4  }
0x104: {  	p1 =	seq.s32 @!p0 s5, s6  }
0x105: {  	s6 =	simm.s32 $0x0;
	p1 =	por !p1, p0  }
0x106: {  	s8 =	simm.s32 $0xFFFFFFFF;
	s6 =	simm.s32 @p1 $0xFFFFFFFF  }
0x107: {  	s7 =	simm.s32 $0x1;
	s6 =	smov.u32 @p0 s8  }
.LBB2_15:
0x108: {  	s8 =	smov.u32 s6;
	p0 =	sne.s32 s6, $0xFFFFFFFF  }
0x109: {  	s0 =	sadd.s32 $0x1, s0;
	s6 =	smov.u32 s7;
	s7 =	sadd.s32 $0x1, s7  }
0x10a: {  	p1 =	sne.s32 s2, s7;
	v1 =	vld.msk @!p0 [tilespmem:s0+$0x0], $0x1;
	_ =	sdelay $0x4  }
0x10b: {  	(v2sf) =	vpush @!p0 v1, $0x0;
	_ =	sdelay $0xe  }
.Ltmp12:
0x10c: {  	s9 =	spop @!p0 (v2sf);
	(pc) =	sbr.rel @p1 .LBB2_15-.Ltmp12, $4  }
0x10d: {  	p2 =	seq.s32 @!p0 s5, s9  }
0x10e: {  	p2 =	por !p2, p0  }
0x10f: {  	s6 =	simm.s32 @p2 $0xFFFFFFFF  }
0x110: {  	s6 =	smov.u32 @p0 s8  }
.LBB2_16:
0x111: {  	p0 =	sne.s32 s6, $0xFFFFFFFF  }
.Ltmp13:
0x112: {  	_ = 	snop;
	(pc) =	sbr.rel @!p0 .LBB2_17-.Ltmp13, $1  }
0x113: {  	_ =	sdelay $0x3  }
0x114: {  	v0 =	vld.msk [tilespmem:s4+$0xE0], $0x1;
	v1 =	vmov s6  }
.Ltmp14:
0x115: {  	_ = 	snop;
	(pc) =	sbr.rel .LBB2_19-.Ltmp14, $2  }
0x116: {  	_ =	sdelay $0x2  }
0x117: {  	[tilespmem:v1+s3+$0x0], v0 =	vst.idx.ret.add.f32.msk $0x1, v0  }
.LBB2_20:
0x118: {  	p0 =	slt.s32 s2, $0x1  }
.Ltmp15:
0x119: {  	_ = 	snop;
	(pc) =	sbr.rel @p0 .LBB2_24-.Ltmp15, $3  }
0x11a: {  	_ =	sdelay $0x1  }
0x11b: {  	s0 =	simm.s32 $0x6  }
0x11c: {  	s3 =	simm.s32 $0x0;
	[sflag:s0] =	ssyncpa.u1 $0x1  }
0x11d: {  	s0 =	simm.s32 $0xC0  }
0x11e: {  	v0 =	vld.msk [tilespmem:s0+$0x0], $0x1;
	_ =	sdelay $0x4  }
0x11f: {  	(v2sf) =	vpush v0, $0x0;
	_ =	sdelay $0xe  }
0x120: {  	s2 =	sadd.s32 $0xFFFFFFFF, s2;
	s4 =	spop (v2sf)  }
0x121: {  	p1 =	sne.s32 s2, $0x0;
	p0 =	sgt.u32 s4, $0x27FF  }
.Ltmp16:
0x122: {  	s5 =	sshrl.u32 @!p0 s4, $0x3;
	(pc) =	sbr.rel @!p1 .LBB2_23-.Ltmp16, $4  }
0x123: {  	s0 =	simm.s32 $0xE0;
	s4 =	sand.u32 @!p0 $0x7, s4;
	s5 =	sadd.s32 @!p0 s1, s5  }
0x124: {  	[hbm4b:s5+s4] =	stream.linear.scatter @!p0 [tilespmem:s0], [sflag:$0x5], $0x1, $0x38;
	[tilespmem:$0x11A60] =	vst v63  }
0x125: {  	s5 =	simm.s32 $0x0  }
0x126: {  	s4 =	simm.s32 $0xC1;
	s5 =	simm.s32 @!p0 $0x4  }
.LBB2_22:
0x127: {  	v0 =	vld.msk [tilespmem:s4+$0x0], $0x1;
	s2 =	sadd.s32 $0xFFFFFFFF, s2;
	s3 =	sadd.s32 s3, s5  }
0x128: {  	p0 =	sne.s32 s2, $0x0;
	_ =	sdelay $0x3  }
0x129: {  	(v2sf) =	vpush v0, $0x0;
	_ =	sdelay $0xe  }
.Ltmp17:
0x12a: {  	s6 =	spop (v2sf);
	(pc) =	sbr.rel @p0 .LBB2_22-.Ltmp17, $4  }
0x12b: {  	s5 =	simm.s32 $0x0;
	p1 =	sgt.u32 s6, $0x27FF  }
0x12c: {  	s0 =	sadd.s32 $0x1, s0;
	s5 =	simm.s32 @!p1 $0x4;
	s7 =	sshrl.u32 @!p1 s6, $0x3  }
0x12d: {  	s4 =	sadd.s32 $0x1, s4;
	s6 =	sand.u32 @!p1 $0x7, s6;
	s7 =	sadd.s32 @!p1 s1, s7  }
0x12e: {  	[hbm4b:s7+s6] =	stream.linear.scatter @!p1 [tilespmem:s0], [sflag:$0x5], $0x1, $0x38;
	[tilespmem:$0x11A60] =	vst v63  }
.LBB2_23:
0x12f: {  	s0 =	sadd.s32 s3, s5  }
0x130: {  	s3 =	sshrl.u32 s0, $0x2  }
.LBB2_24:
0x131: {  	s0 =	simm.s32 $0x5  }
0x132: {  	_ =	swait.ge [sflag:s0], s3  }
0x133: {  	s1 =	ssub.s32 $0x0, s3;
	[sflag:s0] =	ssyncset.done $0x0  }
0x134: {  	[sflag:s0] =	ssyncadd.s32 s1  }
0x135: {  	[sflag:s0] =	ssyncpa.u1 $0x1  }
0x136: {  	s29 =	simm.s32 $0x1;
	_ =	sfence  }
0x137: {  	s30 =	simm.s32 $0x2;
	[sflag:s29] =	ssyncpa.u1 $0x1  }
0x138: {  	[sflag:s30] =	ssyncpa.u1 $0x1  }
0x139: {  	_ =	strace $0x90000047  }
0x13a: {  	[bflag:$0x2] =	sbarrier.arrive $0xFFFF  }
0x13b: {  	s31 =	rddreg [dreg:$0x1]  }
0x13c: {  	s0 =	sadd.s32 $0x100000, s31  }
0x13d: {  	[sflag:s0] =	ssyncadd.tile.s32 $0x1;
	_ =	shalt  }
.Lfunc_end2:
_tile_overlayer_lowered:
.L_overlay_start_2:
0x13e: {  	(tag) =	ssettag $0x2  }
0x13f: {  	s0 =	rddreg [dreg:$0x0];
	s2 =	stileid.u32  }
0x140: {  	s1 =	rddreg [dreg:$0x1];
	p0 =	sne.s32 s2, $0x0  }
0x141: {  	s3 =	rddreg [dreg:$0x2];
	[bflag:$0x3] =	sbarrier.arrive $0xFFFF;
	s2 =	simm.s32 @!p0 $0x1C01  }
0x142: {  	[timem:s3], [sflag:s2] =	dma.local @!p0 [hbm:s0], s1  }
0x143: {  	s0 =	simm.s32 @!p0 $0x1  }
0x144: {  	_ =	swait.ge @!p0 [sflag:s0], s1  }
0x145: {  	s1 =	ssub.s32 @!p0 $0x0, s1;
	[sflag:s0] =	ssyncset.done @!p0 $0x0  }
0x146: {  	[sflag:s0] =	ssyncadd.s32 @!p0 s1  }
0x147: {  	[bflag:$0x3] =	sbarrier.arrive $0xFFFF  }
0x148: {  	_ =	shalt  }

</sc_bundles>
